<compile_context>
chip_gen: v7x
topology: tpu7x:2x2x1
jax: 0.10.2.dev20260603
libtpu: 0.0.44.dev20260713+nightly
codegen_flags: <defaults>
</compile_context>

<pallas_src>
import functools

import jax
import jax.numpy as jnp
from jax import lax
from jax.experimental import pallas as pl
from jax.experimental.pallas import tpu as pltpu
from jax.experimental.pallas import tpu_sc as plsc

B = 16
N = 32768
C = 128
K = 1024
TOTAL = B * N


_ROWS = 4096
_STEPS = TOTAL // _ROWS


def _score_body(x_ref, w_ref, b_ref, s_ref, stats_ref, acc_ref):
    i = pl.program_id(0)

    @pl.when(i == 0)
    def _():
        acc_ref[0] = 0.0
        acc_ref[1] = 0.0

    x_blk = x_ref[0]
    w_rows = w_ref[...]
    xb = x_blk.astype(jnp.bfloat16)
    wb = w_rows.astype(jnp.bfloat16)
    s_mat = jax.lax.dot_general(
        wb, xb, (((1,), (1,)), ((), ())),
        preferred_element_type=jnp.float32)
    s_vec = s_mat[0, :] + b_ref[0, 0]
    s_ref[0, 0, :] = s_vec
    acc_ref[0] += jnp.sum(s_vec)
    acc_ref[1] += jnp.sum(s_vec * s_vec)

    @pl.when(i == _STEPS - 1)
    def _():
        total = jnp.float32(TOTAL)
        mu = acc_ref[0] / total
        var = acc_ref[1] / total - mu * mu
        inv = 1.0 / jnp.sqrt(var + 1e-5)
        stats_ref[...] = jnp.concatenate(
            [jnp.full((1, 128), mu, jnp.float32),
             jnp.full((1, 128), inv, jnp.float32),
             jnp.zeros((6, 128), jnp.float32)], axis=0)


def _scores_and_stats(x_flat, W, b_pad):
    x3 = x_flat.reshape(_STEPS, _ROWS, C)
    s, stats = pl.pallas_call(
        _score_body,
        grid=(_STEPS,),
        in_specs=[
            pl.BlockSpec((1, _ROWS, C), lambda i: (i, 0, 0)),
            pl.BlockSpec((8, C), lambda i: (0, 0)),
            pl.BlockSpec((1, 128), lambda i: (0, 0)),
        ],
        out_specs=[
            pl.BlockSpec((1, 1, _ROWS), lambda i: (i, 0, 0)),
            pl.BlockSpec((8, 128), lambda i: (0, 0)),
        ],
        out_shape=[
            jax.ShapeDtypeStruct((_STEPS, 1, _ROWS), jnp.float32),
            jax.ShapeDtypeStruct((8, 128), jnp.float32),
        ],
        scratch_shapes=[pltpu.SMEM((2,), jnp.float32)],
    )(x3, W, b_pad)
    return s.reshape(B, N), stats



_L = 16
_NV = N // _L
_GROWS = 128
_GCHUNK = K // _GROWS
_FIELDS = ((23, 8, 0x00000000), (15, 8, 0x7F800000),
           (7, 8, 0x7FFF8000), (0, 7, 0x7FFFFF80))


def _sc_body(s_hbm, xf_hbm, mu_hbm, inv_hbm, g_hbm, be_hbm, out_hbm,
             sv, uv, hist, slots, cu, cidx, rows, vec16, sem):
    cid = lax.axis_index("c")
    sid = lax.axis_index("s")
    wid = sid * 2 + cid

    @pl.when(wid < B)
    def _():
        bidx = wid
        lanes = lax.iota(jnp.int32, _L)

        pltpu.sync_copy(mu_hbm, vec16)
        mu = vec16[...]
        pltpu.sync_copy(inv_hbm, vec16)
        inv = vec16[...]
        pltpu.sync_copy(g_hbm, vec16)
        gam = vec16[...]
        pltpu.sync_copy(be_hbm, vec16)
        bet = vec16[...]
        pltpu.sync_copy(s_hbm.at[bidx], sv)

        def key_body(i, zcnt):
            x = sv[pl.ds(i * _L, _L)]
            v = jnp.maximum((x - mu) * inv * gam + bet, 0.0)
            u = jnp.maximum(plsc.bitcast(v, jnp.int32), 0)
            uv[pl.ds(i * _L, _L)] = u
            return zcnt + jnp.sum(jnp.where(u == 0, 1, 0))

        zcnt = lax.fori_loop(0, _NV, key_body, jnp.int32(0))

        ones = jnp.ones((_L,), jnp.int32)

        def select_field(carry, field):
            shift, width, himask = field
            prefix, k_rem = carry
            for j in range(_L):
                hist[pl.ds(j * _L, _L)] = jnp.zeros((_L,), jnp.int32)
            nbins = 1 << width
            prefix_v = jnp.full((_L,), prefix, jnp.int32)

            def hist_body(i, _):
                u = uv[pl.ds(i * _L, _L)]
                keep = (u & himask) == prefix_v
                binv = (u >> shift) & (nbins - 1)
                plsc.addupdate_scatter(hist, [binv], ones,
                                       mask=keep)
                return 0

            lax.fori_loop(0, _NV, hist_body, 0)

            def scan_body(j, carry):
                cum, found, binno, below = carry
                h = hist[pl.ds(j * _L, _L)]
                inc = plsc.cumsum(h)
                tot = jnp.sum(h)
                ge = (cum + inc) >= k_rem
                anyset = jnp.max(jnp.where(ge, 1, 0))
                ffs = jnp.sum(jnp.where(
                    plsc.cumsum(jnp.where(ge, 1, 0)) == 1, lanes, 0))
                excl_at = jnp.sum(jnp.where(
                    plsc.cumsum(jnp.where(ge, 1, 0)) == 1, inc - h, 0))
                first_here = (found == 0) & (anyset == 1)
                binno = jnp.where(first_here, j * _L + ffs, binno)
                below = jnp.where(first_here, cum + excl_at, below)
                found = found | anyset
                cum = cum + tot
                return cum, found, binno, below

            _, _, binno, below = lax.fori_loop(
                0, nbins // _L, scan_body,
                (jnp.int32(0), jnp.int32(0), jnp.int32(0), jnp.int32(0)))
            return (prefix | (binno << shift), k_rem - below)

        def radix_select():
            carry = (jnp.int32(0), jnp.int32(K))
            for field in _FIELDS:
                carry = select_field(carry, field)
            return carry

        t, k_rem = lax.cond(zcnt >= K,
                            lambda: (jnp.int32(0), jnp.int32(K)),
                            radix_select)
        m = K - k_rem
        t_v = jnp.full((_L,), t, jnp.int32)
        gbase = bidx * N

        def sel_body(i, carry):
            cless, ceq = carry
            u = uv[pl.ds(i * _L, _L)]
            less = u < t_v
            eq = u == t_v
            less_i = jnp.where(less, 1, 0)
            eq_i = jnp.where(eq, 1, 0)
            excl_less = plsc.cumsum(less_i) - less_i
            excl_eq = plsc.cumsum(eq_i) - eq_i
            gidx = gbase + i * _L + lanes
            rank = (m + ceq) + excl_eq
            sel = eq & (rank < K)
            hi = jnp.minimum(rank >> 7, _GCHUNK - 1)
            lo = rank & (_GROWS - 1)
            plsc.store_scatter(slots, [hi, lo], gidx, mask=sel)
            slot = cless + excl_less
            sl_clamped = jnp.minimum(slot, K - 1)
            plsc.store_scatter(cu, [sl_clamped], u, mask=less)
            plsc.store_scatter(cidx, [sl_clamped], gidx,
                               mask=less)
            return cless + jnp.sum(less_i), ceq + jnp.sum(eq_i)

        lax.fori_loop(0, _NV, sel_body, (jnp.int32(0), jnp.int32(0)))

        nbv = (m + _L - 1) // _L

        def cand_body(a, _):
            ja = a >> 4
            la = a & (_L - 1)
            va = cu[pl.ds(ja * _L, _L)]
            ia = cidx[pl.ds(ja * _L, _L)]
            ua = jnp.sum(jnp.where(lanes == la, va, 0))
            iidx = jnp.sum(jnp.where(lanes == la, ia, 0))
            ua_v = jnp.full((_L,), ua, jnp.int32)
            ii_v = jnp.full((_L,), iidx, jnp.int32)

            def rank_body(j, acc):
                ub = cu[pl.ds(j * _L, _L)]
                ib = cidx[pl.ds(j * _L, _L)]
                valid = (j * _L + lanes) < m
                lt = (ub < ua_v) | ((ub == ua_v) & (ib < ii_v))
                return acc + jnp.sum(jnp.where(valid & lt, 1, 0))

            rank = lax.fori_loop(0, nbv, rank_body, jnp.int32(0))
            hi = jnp.minimum(jnp.full((_L,), rank >> 7, jnp.int32),
                             _GCHUNK - 1)
            lo = jnp.full((_L,), rank & (_GROWS - 1), jnp.int32)
            plsc.store_scatter(slots, [hi, lo], ii_v,
                               mask=lanes == 0)
            return 0

        lax.fori_loop(0, m, cand_body, 0)

        obase = bidx * K
        for c in range(_GCHUNK):
            pltpu.async_copy(xf_hbm.at[slots.at[c]], rows, sem).wait()
            pltpu.sync_copy(rows, out_hbm.at[pl.ds(obase + c * _GROWS,
                                                   _GROWS)])


def _sc_select_gather(s, x_flat, mu16, inv16, g16, be16):
    mesh = plsc.VectorSubcoreMesh(core_axis_name="c", subcore_axis_name="s")
    kern = functools.partial(
        pl.kernel,
        out_type=jax.ShapeDtypeStruct((B * K, C), jnp.float32),
        mesh=mesh,
        scratch_types=[
            pltpu.VMEM((N,), jnp.float32),
            pltpu.VMEM((N,), jnp.int32),
            pltpu.VMEM((256,), jnp.int32),
            pltpu.VMEM((_GCHUNK, _GROWS), jnp.int32),
            pltpu.VMEM((K,), jnp.int32),
            pltpu.VMEM((K,), jnp.int32),
            pltpu.VMEM((_GROWS, C), jnp.float32),
            pltpu.VMEM((_L,), jnp.float32),
            pltpu.SemaphoreType.DMA,
        ],
        compiler_params=pltpu.CompilerParams(needs_layout_passes=False),
    )(_sc_body)
    return kern(s, x_flat, mu16, inv16, g16, be16)


def kernel(x_in, W, b, gamma, beta, top_n):
    del top_n
    x_flat = x_in.reshape(TOTAL, C)
    b_pad = jnp.broadcast_to(b.astype(jnp.float32), (1, 128))
    w_pad = jnp.concatenate(
        [W.astype(jnp.float32), jnp.zeros((7, C), jnp.float32)], axis=0)
    s, stats = _scores_and_stats(x_flat, w_pad, b_pad)
    mu16 = stats[0, :_L]
    inv16 = stats[1, :_L]
    g16 = jnp.broadcast_to(gamma.astype(jnp.float32), (_L,))
    be16 = jnp.broadcast_to(beta.astype(jnp.float32), (_L,))
    out = _sc_select_gather(s, x_flat, mu16, inv16, g16, be16)
    return out.reshape(B, K, C)

# --- scband reference (transcript-rebuilt; emitter-appended) ---
"""Pipeline reference for scband-selection-layer-10505490006258 (READ-ONLY COPY).

The authoritative reference and input builder live on the scoring server;
editing this copy changes nothing except your own understanding.
"""

import jax, jax.numpy as jnp
import numpy as np


def setup_inputs(seed: int = 0) -> dict:
    key = jax.random.key(seed)
    k1, k2, k3 = jax.random.split(key, 3)
    B, N, C = 16, 32768, 128
    x_in = jax.random.normal(k1, (B, N, C), dtype=jnp.float32)
    # nn.Linear(input_channels, 1) parameters
    W = jax.random.normal(k2, (1, C), dtype=jnp.float32) * (1.0 / np.sqrt(C))
    b = jax.random.normal(k3, (1,), dtype=jnp.float32) * 0.01
    # BatchNorm1d(1) affine params (track_running_stats=False -> always batch stats)
    gamma = jnp.ones((1,), dtype=jnp.float32)
    beta = jnp.zeros((1,), dtype=jnp.float32)
    return {"x_in": x_in, "W": W, "b": b, "gamma": gamma, "beta": beta, "top_n": 1024}


def reference(x_in, W, b, gamma, beta, top_n):
    # x_select defaults to x_in
    # selection_score = Linear(x_in): [B, N, 1]
    score = jnp.einsum('bnc,oc->bno', x_in, W) + b
    # apply_bn: BatchNorm1d over channel dim (size 1), stats over (B, N)
    mu = jnp.mean(score, axis=(0, 1), keepdims=True)
    var = jnp.mean((score - mu) ** 2, axis=(0, 1), keepdims=True)
    score = (score - mu) / jnp.sqrt(var + 1e-5) * gamma + beta
    score = jax.nn.relu(score)
    # argsort ascending along N, take first top_n (smallest scores), like torch.argsort
    top_n_static = 1024
    att_ixs = jnp.argsort(score, axis=1)[:, :top_n_static]  # [B, top_n, 1]
    att_ixs = att_ixs + jnp.asarray(top_n - top_n, dtype=att_ixs.dtype)
    B, _, C = x_in.shape
    att_ixs = jnp.broadcast_to(att_ixs, (B, top_n_static, C))  # torch.cat([ixs]*C, dim=2)
    out = jnp.take_along_axis(x_in, att_ixs, axis=1)  # torch.gather(x_select, 1, ixs)
    return out

if __name__ == "__main__":
    import jax
    _d = setup_inputs()
    print(jax.jit(kernel)(*tuple(_d.values())))

</pallas_src>

<mosaic_0001>
#map = affine_map<(d0, d1) -> (0, 0)>
#map1 = affine_map<(d0, d1) -> (0)>
module attributes {stable_mosaic.version = 14 : i64} {
  func.func @_sc_body(%arg0: i32, %arg1: i32, %arg2: memref<16x32768xf32, #tpu.memory_space<hbm>>, %arg3: memref<524288x128xf32, #tpu.memory_space<hbm>>, %arg4: memref<16xf32, #tpu.memory_space<hbm>>, %arg5: memref<16xf32, #tpu.memory_space<hbm>>, %arg6: memref<16xf32, #tpu.memory_space<hbm>>, %arg7: memref<16xf32, #tpu.memory_space<hbm>>, %arg8: memref<16384x128xf32, #tpu.memory_space<hbm>>, %arg9: memref<32768xf32, #tpu.memory_space<vmem>>, %arg10: memref<32768xi32, #tpu.memory_space<vmem>>, %arg11: memref<256xi32, #tpu.memory_space<vmem>>, %arg12: memref<8x128xi32, #tpu.memory_space<vmem>>, %arg13: memref<1024xi32, #tpu.memory_space<vmem>>, %arg14: memref<1024xi32, #tpu.memory_space<vmem>>, %arg15: memref<128x128xf32, #tpu.memory_space<vmem>>, %arg16: memref<16xf32, #tpu.memory_space<vmem>>, %arg17: memref<!tpu.dma_semaphore, #tpu.memory_space<semaphore_mem>>) attributes {dimension_semantics = [#tpu.dimension_semantics<core_parallel>, #tpu.dimension_semantics<subcore_parallel>], iteration_bounds = array<i64: 2, 16>, scalar_prefetch = 0 : i64, scratch_operands = 9 : i64, tpu.core_type = #tpu.core_type<sc_vector_subcore>, window_params = [{transform_indices = #map}, {transform_indices = #map}, {transform_indices = #map1}, {transform_indices = #map1}, {transform_indices = #map1}, {transform_indices = #map1}, {transform_indices = #map}]} {
    %mul3A = arith.constant 2 : i32
    %mul3A_0 = arith.muli %arg1, %mul3A : i32
    %add3A = arith.addi %mul3A_0, %arg0 : i32
    %lt3A = arith.constant 16 : i32
    %lt3A_1 = arith.cmpi slt, %add3A, %lt3A : i32
    %convert_element_type3A = arith.extui %lt3A_1 : i1 to i32
    %cond3A = arith.constant 0 : i32
    %cond3A_2 = arith.cmpi ne, %convert_element_type3A, %cond3A : i32
    scf.if %cond3A_2 {
      %iota3A = tpu.iota {dimensions = array<i32: 0>} : vector<16xi32>
      "tpu.region"() ({
        %run_scoped3A = tpu.sem_alloc : memref<!tpu.dma_semaphore, #tpu.memory_space<semaphore_mem>>
        tpu.enqueue_dma source(%arg4 : memref<16xf32, #tpu.memory_space<hbm>>) target(%arg16 : memref<16xf32, #tpu.memory_space<vmem>>) target_semaphore(%run_scoped3A : memref<!tpu.dma_semaphore, #tpu.memory_space<semaphore_mem>>)
        tpu.wait_dma2 semaphore(%run_scoped3A : memref<!tpu.dma_semaphore, #tpu.memory_space<semaphore_mem>>) src(%arg4 : memref<16xf32, #tpu.memory_space<hbm>>) dst(%arg16 : memref<16xf32, #tpu.memory_space<vmem>>)
        tpu.yield
      }) : () -> ()
      %get3A = arith.constant 0 : index
      %get3A_3 = tpu.vector_load %arg16[%get3A] {strides = array<i32>} : memref<16xf32, #tpu.memory_space<vmem>>, vector<16xf32>,
      "tpu.region"() ({
        %run_scoped3A = tpu.sem_alloc : memref<!tpu.dma_semaphore, #tpu.memory_space<semaphore_mem>>
        tpu.enqueue_dma source(%arg5 : memref<16xf32, #tpu.memory_space<hbm>>) target(%arg16 : memref<16xf32, #tpu.memory_space<vmem>>) target_semaphore(%run_scoped3A : memref<!tpu.dma_semaphore, #tpu.memory_space<semaphore_mem>>)
        tpu.wait_dma2 semaphore(%run_scoped3A : memref<!tpu.dma_semaphore, #tpu.memory_space<semaphore_mem>>) src(%arg5 : memref<16xf32, #tpu.memory_space<hbm>>) dst(%arg16 : memref<16xf32, #tpu.memory_space<vmem>>)
        tpu.yield
      }) : () -> ()
      %get3A_4 = arith.constant 0 : index
      %get3A_5 = tpu.vector_load %arg16[%get3A_4] {strides = array<i32>} : memref<16xf32, #tpu.memory_space<vmem>>, vector<16xf32>,
      "tpu.region"() ({
        %run_scoped3A = tpu.sem_alloc : memref<!tpu.dma_semaphore, #tpu.memory_space<semaphore_mem>>
        tpu.enqueue_dma source(%arg6 : memref<16xf32, #tpu.memory_space<hbm>>) target(%arg16 : memref<16xf32, #tpu.memory_space<vmem>>) target_semaphore(%run_scoped3A : memref<!tpu.dma_semaphore, #tpu.memory_space<semaphore_mem>>)
        tpu.wait_dma2 semaphore(%run_scoped3A : memref<!tpu.dma_semaphore, #tpu.memory_space<semaphore_mem>>) src(%arg6 : memref<16xf32, #tpu.memory_space<hbm>>) dst(%arg16 : memref<16xf32, #tpu.memory_space<vmem>>)
        tpu.yield
      }) : () -> ()
      %get3A_6 = arith.constant 0 : index
      %get3A_7 = tpu.vector_load %arg16[%get3A_6] {strides = array<i32>} : memref<16xf32, #tpu.memory_space<vmem>>, vector<16xf32>,
      "tpu.region"() ({
        %run_scoped3A = tpu.sem_alloc : memref<!tpu.dma_semaphore, #tpu.memory_space<semaphore_mem>>
        tpu.enqueue_dma source(%arg7 : memref<16xf32, #tpu.memory_space<hbm>>) target(%arg16 : memref<16xf32, #tpu.memory_space<vmem>>) target_semaphore(%run_scoped3A : memref<!tpu.dma_semaphore, #tpu.memory_space<semaphore_mem>>)
        tpu.wait_dma2 semaphore(%run_scoped3A : memref<!tpu.dma_semaphore, #tpu.memory_space<semaphore_mem>>) src(%arg7 : memref<16xf32, #tpu.memory_space<hbm>>) dst(%arg16 : memref<16xf32, #tpu.memory_space<vmem>>)
        tpu.yield
      }) : () -> ()
      %get3A_8 = arith.constant 0 : index
      %get3A_9 = tpu.vector_load %arg16[%get3A_8] {strides = array<i32>} : memref<16xf32, #tpu.memory_space<vmem>>, vector<16xf32>,
      "tpu.region"() ({
        %run_scoped3A = tpu.sem_alloc : memref<!tpu.dma_semaphore, #tpu.memory_space<semaphore_mem>>
        %dma_start3A_194 = arith.constant 0 : i32
        %dma_start3A_195 = tpu.memref_slice %arg2[%add3A, %dma_start3A_194] : memref<16x32768xf32, #tpu.memory_space<hbm>> -> memref<1x32768xf32, #tpu.memory_space<hbm>>
        %dma_start3A_196 = tpu.memref_squeeze %dma_start3A_195 : memref<1x32768xf32, #tpu.memory_space<hbm>> -> memref<32768xf32, #tpu.memory_space<hbm>>
        %dma_start3A_197 = arith.constant 0 : i32
        %dma_start3A_198 = tpu.memref_slice %arg2[%add3A, %dma_start3A_197] : memref<16x32768xf32, #tpu.memory_space<hbm>> -> memref<1x32768xf32, #tpu.memory_space<hbm>>
        %dma_start3A_199 = tpu.memref_squeeze %dma_start3A_198 : memref<1x32768xf32, #tpu.memory_space<hbm>> -> memref<32768xf32, #tpu.memory_space<hbm>>
        tpu.enqueue_dma source(%dma_start3A_199 : memref<32768xf32, #tpu.memory_space<hbm>>) target(%arg9 : memref<32768xf32, #tpu.memory_space<vmem>>) target_semaphore(%run_scoped3A : memref<!tpu.dma_semaphore, #tpu.memory_space<semaphore_mem>>)
        %dma_wait3A_200 = arith.constant 0 : i32
        %dma_wait3A_201 = tpu.memref_slice %arg2[%add3A, %dma_wait3A_200] : memref<16x32768xf32, #tpu.memory_space<hbm>> -> memref<1x32768xf32, #tpu.memory_space<hbm>>
        %dma_wait3A_202 = tpu.memref_squeeze %dma_wait3A_201 : memref<1x32768xf32, #tpu.memory_space<hbm>> -> memref<32768xf32, #tpu.memory_space<hbm>>
        %dma_wait3A_203 = arith.constant 0 : i32
        %dma_wait3A_204 = tpu.memref_slice %arg2[%add3A, %dma_wait3A_203] : memref<16x32768xf32, #tpu.memory_space<hbm>> -> memref<1x32768xf32, #tpu.memory_space<hbm>>
        %dma_wait3A_205 = tpu.memref_squeeze %dma_wait3A_204 : memref<1x32768xf32, #tpu.memory_space<hbm>> -> memref<32768xf32, #tpu.memory_space<hbm>>
        tpu.wait_dma2 semaphore(%run_scoped3A : memref<!tpu.dma_semaphore, #tpu.memory_space<semaphore_mem>>) src(%dma_wait3A_205 : memref<32768xf32, #tpu.memory_space<hbm>>) dst(%arg9 : memref<32768xf32, #tpu.memory_space<vmem>>)
        tpu.yield
      }) : () -> ()
      %scan3A = arith.constant 0 : i32
      %scan3A_10 = arith.constant 0 : i32
      %scan3A_11 = arith.constant 2048 : i32
      %scan3A_12 = arith.addi %scan3A_10, %scan3A_11 : i32
      %scan3A_13 = arith.constant 1 : i32
      %scan3A_14 = scf.for %scan3A_194 = %scan3A_10 to %scan3A_12 step %scan3A_13 iter_args(%scan3A_195 = %scan3A) -> (i32)  : i32 {
        %mul3A_196 = arith.constant 16 : i32
        %mul3A_197 = arith.muli %scan3A_194, %mul3A_196 : i32
        %get3A_198 = arith.index_cast %mul3A_197 : i32 to index
        %get3A_199 = tpu.vector_load %arg9[%get3A_198] {strides = array<i32>} : memref<32768xf32, #tpu.memory_space<vmem>>, vector<16xf32>,
        %sub3A_200 = arith.subf %get3A_199, %get3A_3 : vector<16xf32>
        %mul3A_201 = arith.mulf %sub3A_200, %get3A_5 : vector<16xf32>
        %mul3A_202 = arith.mulf %mul3A_201, %get3A_7 : vector<16xf32>
        %add3A_203 = arith.addf %mul3A_202, %get3A_9 : vector<16xf32>
        %max3A = arith.constant 0.000000e+00 : f32
        %max3A_204 = vector.broadcast %max3A : f32 to vector<16xf32>
        %max3A_205 = arith.maximumf %add3A_203, %max3A_204 : vector<16xf32>
        %bitcast3A = vector.bitcast %max3A_205 : vector<16xf32> to vector<16xi32>
        %max3A_206 = arith.constant 0 : i32
        %max3A_207 = vector.broadcast %max3A_206 : i32 to vector<16xi32>
        %max3A_208 = arith.maxsi %bitcast3A, %max3A_207 : vector<16xi32>
        %mul3A_209 = arith.constant 16 : i32
        %mul3A_210 = arith.muli %scan3A_194, %mul3A_209 : i32
        %swap3A = arith.index_cast %mul3A_210 : i32 to index
        %swap3A_211 = tpu.vector_load %arg10[%swap3A] {strides = array<i32>} : memref<32768xi32, #tpu.memory_space<vmem>>, vector<16xi32>,
        tpu.vector_store %arg10[%swap3A], %max3A_208 {strides = array<i32>} : memref<32768xi32, #tpu.memory_space<vmem>>, vector<16xi32>,
        %eq3A = arith.constant 0 : i32
        %eq3A_212 = vector.broadcast %eq3A : i32 to vector<16xi32>
        %eq3A_213 = arith.cmpi eq, %max3A_208, %eq3A_212 : vector<16xi32>
        %jit3A_214 = arith.constant 1 : i32
        %jit3A_215 = arith.constant 0 : i32
        %broadcast_in_dim3A_216 = vector.broadcast %jit3A_214 : i32 to vector<16xi32>
        %broadcast_in_dim3A_217 = vector.broadcast %jit3A_215 : i32 to vector<16xi32>
        %select_n3A_218 = arith.select %eq3A_213, %broadcast_in_dim3A_216, %broadcast_in_dim3A_217 : vector<16xi1>, vector<16xi32>
        %reduce_sum3A = arith.constant true
        %reduce_sum3A_219 = vector.broadcast %reduce_sum3A : i1 to vector<16xi1>
        %reduce_sum3A_220 = tpu.scan <sum>, %select_n3A_218 masked %reduce_sum3A_219 : vector<16xi32>, vector<16xi1> -> vector<16xi32>
        %reduce_sum3A_221 = vector.extract %reduce_sum3A_220[15] : i32 from vector<16xi32>
        %add3A_222 = arith.addi %scan3A_195, %reduce_sum3A_221 : i32
        scf.yield %add3A_222 : i32
      }
      %scan3A_15 = arith.constant 2048 : i32
      %broadcast_in_dim3A = arith.constant 1 : i32
      %broadcast_in_dim3A_16 = vector.broadcast %broadcast_in_dim3A : i32 to vector<16xi32>
      %ge3A = arith.constant 1024 : i32
      %ge3A_17 = arith.cmpi sge, %scan3A_14, %ge3A : i32
      %convert_element_type3A_18 = arith.extui %ge3A_17 : i1 to i32
      %cond3A_19 = arith.constant 0 : i32
      %cond3A_20 = arith.cmpi ne, %convert_element_type3A_18, %cond3A_19 : i32
      %cond3A_21:2 = scf.if %cond3A_20 -> (i32, i32) {
        %cond3A_194 = arith.constant 0 : i32
        %cond3A_195 = arith.constant 1024 : i32
        scf.yield %cond3A_194, %cond3A_195 : i32, i32
      } else {
        %broadcast_in_dim3A_194 = arith.constant 0 : i32
        %broadcast_in_dim3A_195 = vector.broadcast %broadcast_in_dim3A_194 : i32 to vector<16xi32>
        %swap3A = arith.constant 0 : index
        %swap3A_196 = tpu.vector_load %arg11[%swap3A] {strides = array<i32>} : memref<256xi32, #tpu.memory_space<vmem>>, vector<16xi32>,
        tpu.vector_store %arg11[%swap3A], %broadcast_in_dim3A_195 {strides = array<i32>} : memref<256xi32, #tpu.memory_space<vmem>>, vector<16xi32>,
        %broadcast_in_dim3A_197 = arith.constant 0 : i32
        %broadcast_in_dim3A_198 = vector.broadcast %broadcast_in_dim3A_197 : i32 to vector<16xi32>
        %swap3A_199 = arith.constant 16 : index
        %swap3A_200 = tpu.vector_load %arg11[%swap3A_199] {strides = array<i32>} : memref<256xi32, #tpu.memory_space<vmem>>, vector<16xi32>,
        tpu.vector_store %arg11[%swap3A_199], %broadcast_in_dim3A_198 {strides = array<i32>} : memref<256xi32, #tpu.memory_space<vmem>>, vector<16xi32>,
        %broadcast_in_dim3A_201 = arith.constant 0 : i32
        %broadcast_in_dim3A_202 = vector.broadcast %broadcast_in_dim3A_201 : i32 to vector<16xi32>
        %swap3A_203 = arith.constant 32 : index
        %swap3A_204 = tpu.vector_load %arg11[%swap3A_203] {strides = array<i32>} : memref<256xi32, #tpu.memory_space<vmem>>, vector<16xi32>,
        tpu.vector_store %arg11[%swap3A_203], %broadcast_in_dim3A_202 {strides = array<i32>} : memref<256xi32, #tpu.memory_space<vmem>>, vector<16xi32>,
        %broadcast_in_dim3A_205 = arith.constant 0 : i32
        %broadcast_in_dim3A_206 = vector.broadcast %broadcast_in_dim3A_205 : i32 to vector<16xi32>
        %swap3A_207 = arith.constant 48 : index
        %swap3A_208 = tpu.vector_load %arg11[%swap3A_207] {strides = array<i32>} : memref<256xi32, #tpu.memory_space<vmem>>, vector<16xi32>,
        tpu.vector_store %arg11[%swap3A_207], %broadcast_in_dim3A_206 {strides = array<i32>} : memref<256xi32, #tpu.memory_space<vmem>>, vector<16xi32>,
        %broadcast_in_dim3A_209 = arith.constant 0 : i32
        %broadcast_in_dim3A_210 = vector.broadcast %broadcast_in_dim3A_209 : i32 to vector<16xi32>
        %swap3A_211 = arith.constant 64 : index
        %swap3A_212 = tpu.vector_load %arg11[%swap3A_211] {strides = array<i32>} : memref<256xi32, #tpu.memory_space<vmem>>, vector<16xi32>,
        tpu.vector_store %arg11[%swap3A_211], %broadcast_in_dim3A_210 {strides = array<i32>} : memref<256xi32, #tpu.memory_space<vmem>>, vector<16xi32>,
        %broadcast_in_dim3A_213 = arith.constant 0 : i32
        %broadcast_in_dim3A_214 = vector.broadcast %broadcast_in_dim3A_213 : i32 to vector<16xi32>
        %swap3A_215 = arith.constant 80 : index
        %swap3A_216 = tpu.vector_load %arg11[%swap3A_215] {strides = array<i32>} : memref<256xi32, #tpu.memory_space<vmem>>, vector<16xi32>,
        tpu.vector_store %arg11[%swap3A_215], %broadcast_in_dim3A_214 {strides = array<i32>} : memref<256xi32, #tpu.memory_space<vmem>>, vector<16xi32>,
        %broadcast_in_dim3A_217 = arith.constant 0 : i32
        %broadcast_in_dim3A_218 = vector.broadcast %broadcast_in_dim3A_217 : i32 to vector<16xi32>
        %swap3A_219 = arith.constant 96 : index
        %swap3A_220 = tpu.vector_load %arg11[%swap3A_219] {strides = array<i32>} : memref<256xi32, #tpu.memory_space<vmem>>, vector<16xi32>,
        tpu.vector_store %arg11[%swap3A_219], %broadcast_in_dim3A_218 {strides = array<i32>} : memref<256xi32, #tpu.memory_space<vmem>>, vector<16xi32>,
        %broadcast_in_dim3A_221 = arith.constant 0 : i32
        %broadcast_in_dim3A_222 = vector.broadcast %broadcast_in_dim3A_221 : i32 to vector<16xi32>
        %swap3A_223 = arith.constant 112 : index
        %swap3A_224 = tpu.vector_load %arg11[%swap3A_223] {strides = array<i32>} : memref<256xi32, #tpu.memory_space<vmem>>, vector<16xi32>,
        tpu.vector_store %arg11[%swap3A_223], %broadcast_in_dim3A_222 {strides = array<i32>} : memref<256xi32, #tpu.memory_space<vmem>>, vector<16xi32>,
        %broadcast_in_dim3A_225 = arith.constant 0 : i32
        %broadcast_in_dim3A_226 = vector.broadcast %broadcast_in_dim3A_225 : i32 to vector<16xi32>
        %swap3A_227 = arith.constant 128 : index
        %swap3A_228 = tpu.vector_load %arg11[%swap3A_227] {strides = array<i32>} : memref<256xi32, #tpu.memory_space<vmem>>, vector<16xi32>,
        tpu.vector_store %arg11[%swap3A_227], %broadcast_in_dim3A_226 {strides = array<i32>} : memref<256xi32, #tpu.memory_space<vmem>>, vector<16xi32>,
        %broadcast_in_dim3A_229 = arith.constant 0 : i32
        %broadcast_in_dim3A_230 = vector.broadcast %broadcast_in_dim3A_229 : i32 to vector<16xi32>
        %swap3A_231 = arith.constant 144 : index
        %swap3A_232 = tpu.vector_load %arg11[%swap3A_231] {strides = array<i32>} : memref<256xi32, #tpu.memory_space<vmem>>, vector<16xi32>,
        tpu.vector_store %arg11[%swap3A_231], %broadcast_in_dim3A_230 {strides = array<i32>} : memref<256xi32, #tpu.memory_space<vmem>>, vector<16xi32>,
        %broadcast_in_dim3A_233 = arith.constant 0 : i32
        %broadcast_in_dim3A_234 = vector.broadcast %broadcast_in_dim3A_233 : i32 to vector<16xi32>
        %swap3A_235 = arith.constant 160 : index
        %swap3A_236 = tpu.vector_load %arg11[%swap3A_235] {strides = array<i32>} : memref<256xi32, #tpu.memory_space<vmem>>, vector<16xi32>,
        tpu.vector_store %arg11[%swap3A_235], %broadcast_in_dim3A_234 {strides = array<i32>} : memref<256xi32, #tpu.memory_space<vmem>>, vector<16xi32>,
        %broadcast_in_dim3A_237 = arith.constant 0 : i32
        %broadcast_in_dim3A_238 = vector.broadcast %broadcast_in_dim3A_237 : i32 to vector<16xi32>
        %swap3A_239 = arith.constant 176 : index
        %swap3A_240 = tpu.vector_load %arg11[%swap3A_239] {strides = array<i32>} : memref<256xi32, #tpu.memory_space<vmem>>, vector<16xi32>,
        tpu.vector_store %arg11[%swap3A_239], %broadcast_in_dim3A_238 {strides = array<i32>} : memref<256xi32, #tpu.memory_space<vmem>>, vector<16xi32>,
        %broadcast_in_dim3A_241 = arith.constant 0 : i32
        %broadcast_in_dim3A_242 = vector.broadcast %broadcast_in_dim3A_241 : i32 to vector<16xi32>
        %swap3A_243 = arith.constant 192 : index
        %swap3A_244 = tpu.vector_load %arg11[%swap3A_243] {strides = array<i32>} : memref<256xi32, #tpu.memory_space<vmem>>, vector<16xi32>,
        tpu.vector_store %arg11[%swap3A_243], %broadcast_in_dim3A_242 {strides = array<i32>} : memref<256xi32, #tpu.memory_space<vmem>>, vector<16xi32>,
        %broadcast_in_dim3A_245 = arith.constant 0 : i32
        %broadcast_in_dim3A_246 = vector.broadcast %broadcast_in_dim3A_245 : i32 to vector<16xi32>
        %swap3A_247 = arith.constant 208 : index
        %swap3A_248 = tpu.vector_load %arg11[%swap3A_247] {strides = array<i32>} : memref<256xi32, #tpu.memory_space<vmem>>, vector<16xi32>,
        tpu.vector_store %arg11[%swap3A_247], %broadcast_in_dim3A_246 {strides = array<i32>} : memref<256xi32, #tpu.memory_space<vmem>>, vector<16xi32>,
        %broadcast_in_dim3A_249 = arith.constant 0 : i32
        %broadcast_in_dim3A_250 = vector.broadcast %broadcast_in_dim3A_249 : i32 to vector<16xi32>
        %swap3A_251 = arith.constant 224 : index
        %swap3A_252 = tpu.vector_load %arg11[%swap3A_251] {strides = array<i32>} : memref<256xi32, #tpu.memory_space<vmem>>, vector<16xi32>,
        tpu.vector_store %arg11[%swap3A_251], %broadcast_in_dim3A_250 {strides = array<i32>} : memref<256xi32, #tpu.memory_space<vmem>>, vector<16xi32>,
        %broadcast_in_dim3A_253 = arith.constant 0 : i32
        %broadcast_in_dim3A_254 = vector.broadcast %broadcast_in_dim3A_253 : i32 to vector<16xi32>
        %swap3A_255 = arith.constant 240 : index
        %swap3A_256 = tpu.vector_load %arg11[%swap3A_255] {strides = array<i32>} : memref<256xi32, #tpu.memory_space<vmem>>, vector<16xi32>,
        tpu.vector_store %arg11[%swap3A_255], %broadcast_in_dim3A_254 {strides = array<i32>} : memref<256xi32, #tpu.memory_space<vmem>>, vector<16xi32>,
        %broadcast_in_dim3A_257 = arith.constant 0 : i32
        %broadcast_in_dim3A_258 = vector.broadcast %broadcast_in_dim3A_257 : i32 to vector<16xi32>
        %scan3A_259 = arith.constant 0 : i32
        %scan3A_260 = arith.constant 0 : i32
        %scan3A_261 = arith.constant 2048 : i32
        %scan3A_262 = arith.addi %scan3A_260, %scan3A_261 : i32
        %scan3A_263 = arith.constant 1 : i32
        %scan3A_264 = scf.for %scan3A_539 = %scan3A_260 to %scan3A_262 step %scan3A_263 iter_args(%scan3A_540 = %scan3A_259) -> (i32)  : i32 {
          %mul3A_541 = arith.constant 16 : i32
          %mul3A_542 = arith.muli %scan3A_539, %mul3A_541 : i32
          %get3A_543 = arith.index_cast %mul3A_542 : i32 to index
          %get3A_544 = tpu.vector_load %arg10[%get3A_543] {strides = array<i32>} : memref<32768xi32, #tpu.memory_space<vmem>>, vector<16xi32>,
          %and3A_545 = arith.constant 0 : i32
          %and3A_546 = vector.broadcast %and3A_545 : i32 to vector<16xi32>
          %and3A_547 = arith.andi %get3A_544, %and3A_546 : vector<16xi32>
          %eq3A = arith.cmpi eq, %and3A_547, %broadcast_in_dim3A_258 : vector<16xi32>
          %shift_right_arithmetic3A = arith.constant 23 : i32
          %shift_right_arithmetic3A_548 = vector.broadcast %shift_right_arithmetic3A : i32 to vector<16xi32>
          %shift_right_arithmetic3A_549 = arith.shrsi %get3A_544, %shift_right_arithmetic3A_548 : vector<16xi32>
          %and3A_550 = arith.constant 255 : i32
          %and3A_551 = vector.broadcast %and3A_550 : i32 to vector<16xi32>
          %and3A_552 = arith.andi %shift_right_arithmetic3A_549, %and3A_551 : vector<16xi32>
          tpu.vector_store_idx %arg11[%and3A_552], %broadcast_in_dim3A_16 masked %eq3A {add = true} : memref<256xi32, #tpu.memory_space<vmem>>[vector<16xi32>], vector<16xi32>, vector<16xi1>
          %scan3A_553 = arith.constant 0 : i32
          scf.yield %scan3A_553 : i32
        }
        %scan3A_265 = arith.constant 2048 : i32
        %scan3A_266 = arith.constant 1024 : i32
        %scan3A_267 = arith.constant 0 : i32
        %scan3A_268 = arith.constant 0 : i32
        %scan3A_269 = arith.constant 0 : i32
        %scan3A_270 = arith.constant 0 : i32
        %scan3A_271 = arith.constant 0 : i32
        %scan3A_272 = arith.constant 16 : i32
        %scan3A_273 = arith.addi %scan3A_271, %scan3A_272 : i32
        %scan3A_274 = arith.constant 1 : i32
        %scan3A_275:4 = scf.for %scan3A_539 = %scan3A_271 to %scan3A_273 step %scan3A_274 iter_args(%scan3A_540 = %scan3A_267, %scan3A_541 = %scan3A_268, %scan3A_542 = %scan3A_269, %scan3A_543 = %scan3A_270) -> (i32, i32, i32, i32)  : i32 {
          %mul3A_544 = arith.constant 16 : i32
          %mul3A_545 = arith.muli %scan3A_539, %mul3A_544 : i32
          %get3A_546 = arith.index_cast %mul3A_545 : i32 to index
          %get3A_547 = tpu.vector_load %arg11[%get3A_546] {strides = array<i32>} : memref<256xi32, #tpu.memory_space<vmem>>, vector<16xi32>,
          %broadcast_in_dim3A_548 = arith.constant true
          %broadcast_in_dim3A_549 = vector.broadcast %broadcast_in_dim3A_548 : i1 to vector<16xi1>
          %masked_cumsum3A = tpu.scan <sum>, %get3A_547 masked %broadcast_in_dim3A_549 : vector<16xi32>, vector<16xi1> -> vector<16xi32>
          %reduce_sum3A = arith.constant true
          %reduce_sum3A_550 = vector.broadcast %reduce_sum3A : i1 to vector<16xi1>
          %reduce_sum3A_551 = tpu.scan <sum>, %get3A_547 masked %reduce_sum3A_550 : vector<16xi32>, vector<16xi1> -> vector<16xi32>
          %reduce_sum3A_552 = vector.extract %reduce_sum3A_551[15] : i32 from vector<16xi32>
          %add3A_553 = vector.broadcast %scan3A_540 : i32 to vector<16xi32>
          %add3A_554 = arith.addi %add3A_553, %masked_cumsum3A : vector<16xi32>
          %ge3A_555 = vector.broadcast %scan3A_266 : i32 to vector<16xi32>
          %ge3A_556 = arith.cmpi sge, %add3A_554, %ge3A_555 : vector<16xi32>
          %jit3A_557 = arith.constant 1 : i32
          %jit3A_558 = arith.constant 0 : i32
          %broadcast_in_dim3A_559 = vector.broadcast %jit3A_557 : i32 to vector<16xi32>
          %broadcast_in_dim3A_560 = vector.broadcast %jit3A_558 : i32 to vector<16xi32>
          %select_n3A_561 = arith.select %ge3A_556, %broadcast_in_dim3A_559, %broadcast_in_dim3A_560 : vector<16xi1>, vector<16xi32>
          %reduce_max3A = arith.constant true
          %reduce_max3A_562 = vector.broadcast %reduce_max3A : i1 to vector<16xi1>
          %reduce_max3A_563 = arith.constant -2147483648 : i32
          %reduce_max3A_564 = vector.broadcast %reduce_max3A_563 : i32 to vector<16xi32>
          %reduce_max3A_565 = arith.xori %select_n3A_561, %reduce_max3A_564 : vector<16xi32>
          %reduce_max3A_566 = tpu.scan <max>, %reduce_max3A_565 masked %reduce_max3A_562 : vector<16xi32>, vector<16xi1> -> vector<16xi32>
          %reduce_max3A_567 = arith.xori %reduce_max3A_566, %reduce_max3A_564 : vector<16xi32>
          %reduce_max3A_568 = vector.extract %reduce_max3A_567[15] : i32 from vector<16xi32>
          %jit3A_569 = arith.constant 1 : i32
          %jit3A_570 = arith.constant 0 : i32
          %broadcast_in_dim3A_571 = vector.broadcast %jit3A_569 : i32 to vector<16xi32>
          %broadcast_in_dim3A_572 = vector.broadcast %jit3A_570 : i32 to vector<16xi32>
          %select_n3A_573 = arith.select %ge3A_556, %broadcast_in_dim3A_571, %broadcast_in_dim3A_572 : vector<16xi1>, vector<16xi32>
          %broadcast_in_dim3A_574 = arith.constant true
          %broadcast_in_dim3A_575 = vector.broadcast %broadcast_in_dim3A_574 : i1 to vector<16xi1>
          %masked_cumsum3A_576 = tpu.scan <sum>, %select_n3A_573 masked %broadcast_in_dim3A_575 : vector<16xi32>, vector<16xi1> -> vector<16xi32>
          %eq3A = arith.constant 1 : i32
          %eq3A_577 = vector.broadcast %eq3A : i32 to vector<16xi32>
          %eq3A_578 = arith.cmpi eq, %masked_cumsum3A_576, %eq3A_577 : vector<16xi32>
          %jit3A_579 = arith.constant 0 : i32
          %broadcast_in_dim3A_580 = vector.broadcast %jit3A_579 : i32 to vector<16xi32>
          %select_n3A_581 = arith.select %eq3A_578, %iota3A, %broadcast_in_dim3A_580 : vector<16xi1>, vector<16xi32>
          %reduce_sum3A_582 = arith.constant true
          %reduce_sum3A_583 = vector.broadcast %reduce_sum3A_582 : i1 to vector<16xi1>
          %reduce_sum3A_584 = tpu.scan <sum>, %select_n3A_581 masked %reduce_sum3A_583 : vector<16xi32>, vector<16xi1> -> vector<16xi32>
          %reduce_sum3A_585 = vector.extract %reduce_sum3A_584[15] : i32 from vector<16xi32>
          %jit3A_586 = arith.constant 1 : i32
          %jit3A_587 = arith.constant 0 : i32
          %broadcast_in_dim3A_588 = vector.broadcast %jit3A_586 : i32 to vector<16xi32>
          %broadcast_in_dim3A_589 = vector.broadcast %jit3A_587 : i32 to vector<16xi32>
          %select_n3A_590 = arith.select %ge3A_556, %broadcast_in_dim3A_588, %broadcast_in_dim3A_589 : vector<16xi1>, vector<16xi32>
          %broadcast_in_dim3A_591 = arith.constant true
          %broadcast_in_dim3A_592 = vector.broadcast %broadcast_in_dim3A_591 : i1 to vector<16xi1>
          %masked_cumsum3A_593 = tpu.scan <sum>, %select_n3A_590 masked %broadcast_in_dim3A_592 : vector<16xi32>, vector<16xi1> -> vector<16xi32>
          %eq3A_594 = arith.constant 1 : i32
          %eq3A_595 = vector.broadcast %eq3A_594 : i32 to vector<16xi32>
          %eq3A_596 = arith.cmpi eq, %masked_cumsum3A_593, %eq3A_595 : vector<16xi32>
          %sub3A_597 = arith.subi %masked_cumsum3A, %get3A_547 : vector<16xi32>
          %jit3A_598 = arith.constant 0 : i32
          %broadcast_in_dim3A_599 = vector.broadcast %jit3A_598 : i32 to vector<16xi32>
          %select_n3A_600 = arith.select %eq3A_596, %sub3A_597, %broadcast_in_dim3A_599 : vector<16xi1>, vector<16xi32>
          %reduce_sum3A_601 = arith.constant true
          %reduce_sum3A_602 = vector.broadcast %reduce_sum3A_601 : i1 to vector<16xi1>
          %reduce_sum3A_603 = tpu.scan <sum>, %select_n3A_600 masked %reduce_sum3A_602 : vector<16xi32>, vector<16xi1> -> vector<16xi32>
          %reduce_sum3A_604 = vector.extract %reduce_sum3A_603[15] : i32 from vector<16xi32>
          %eq3A_605 = arith.constant 0 : i32
          %eq3A_606 = arith.cmpi eq, %scan3A_541, %eq3A_605 : i32
          %eq3A_607 = arith.constant 1 : i32
          %eq3A_608 = arith.cmpi eq, %reduce_max3A_568, %eq3A_607 : i32
          %and3A_609 = arith.andi %eq3A_606, %eq3A_608 : i1
          %mul3A_610 = arith.constant 16 : i32
          %mul3A_611 = arith.muli %scan3A_539, %mul3A_610 : i32
          %add3A_612 = arith.addi %mul3A_611, %reduce_sum3A_585 : i32
          %select_n3A_613 = arith.select %and3A_609, %add3A_612, %scan3A_542 : i32
          %add3A_614 = arith.addi %scan3A_540, %reduce_sum3A_604 : i32
          %select_n3A_615 = arith.select %and3A_609, %add3A_614, %scan3A_543 : i32
          %or3A_616 = arith.ori %scan3A_541, %reduce_max3A_568 : i32
          %add3A_617 = arith.addi %scan3A_540, %reduce_sum3A_552 : i32
          scf.yield %add3A_617, %or3A_616, %select_n3A_613, %select_n3A_615 : i32, i32, i32, i32
        }
        %scan3A_276 = arith.constant 16 : i32
        %shift_left3A = arith.constant 23 : i32
        %shift_left3A_277 = arith.shli %scan3A_275#2, %shift_left3A : i32
        %or3A = arith.constant 0 : i32
        %or3A_278 = arith.ori %or3A, %shift_left3A_277 : i32
        %sub3A_279 = arith.constant 1024 : i32
        %sub3A_280 = arith.subi %sub3A_279, %scan3A_275#3 : i32
        %broadcast_in_dim3A_281 = arith.constant 0 : i32
        %broadcast_in_dim3A_282 = vector.broadcast %broadcast_in_dim3A_281 : i32 to vector<16xi32>
        %swap3A_283 = arith.constant 0 : index
        %swap3A_284 = tpu.vector_load %arg11[%swap3A_283] {strides = array<i32>} : memref<256xi32, #tpu.memory_space<vmem>>, vector<16xi32>,
        tpu.vector_store %arg11[%swap3A_283], %broadcast_in_dim3A_282 {strides = array<i32>} : memref<256xi32, #tpu.memory_space<vmem>>, vector<16xi32>,
        %broadcast_in_dim3A_285 = arith.constant 0 : i32
        %broadcast_in_dim3A_286 = vector.broadcast %broadcast_in_dim3A_285 : i32 to vector<16xi32>
        %swap3A_287 = arith.constant 16 : index
        %swap3A_288 = tpu.vector_load %arg11[%swap3A_287] {strides = array<i32>} : memref<256xi32, #tpu.memory_space<vmem>>, vector<16xi32>,
        tpu.vector_store %arg11[%swap3A_287], %broadcast_in_dim3A_286 {strides = array<i32>} : memref<256xi32, #tpu.memory_space<vmem>>, vector<16xi32>,
        %broadcast_in_dim3A_289 = arith.constant 0 : i32
        %broadcast_in_dim3A_290 = vector.broadcast %broadcast_in_dim3A_289 : i32 to vector<16xi32>
        %swap3A_291 = arith.constant 32 : index
        %swap3A_292 = tpu.vector_load %arg11[%swap3A_291] {strides = array<i32>} : memref<256xi32, #tpu.memory_space<vmem>>, vector<16xi32>,
        tpu.vector_store %arg11[%swap3A_291], %broadcast_in_dim3A_290 {strides = array<i32>} : memref<256xi32, #tpu.memory_space<vmem>>, vector<16xi32>,
        %broadcast_in_dim3A_293 = arith.constant 0 : i32
        %broadcast_in_dim3A_294 = vector.broadcast %broadcast_in_dim3A_293 : i32 to vector<16xi32>
        %swap3A_295 = arith.constant 48 : index
        %swap3A_296 = tpu.vector_load %arg11[%swap3A_295] {strides = array<i32>} : memref<256xi32, #tpu.memory_space<vmem>>, vector<16xi32>,
        tpu.vector_store %arg11[%swap3A_295], %broadcast_in_dim3A_294 {strides = array<i32>} : memref<256xi32, #tpu.memory_space<vmem>>, vector<16xi32>,
        %broadcast_in_dim3A_297 = arith.constant 0 : i32
        %broadcast_in_dim3A_298 = vector.broadcast %broadcast_in_dim3A_297 : i32 to vector<16xi32>
        %swap3A_299 = arith.constant 64 : index
        %swap3A_300 = tpu.vector_load %arg11[%swap3A_299] {strides = array<i32>} : memref<256xi32, #tpu.memory_space<vmem>>, vector<16xi32>,
        tpu.vector_store %arg11[%swap3A_299], %broadcast_in_dim3A_298 {strides = array<i32>} : memref<256xi32, #tpu.memory_space<vmem>>, vector<16xi32>,
        %broadcast_in_dim3A_301 = arith.constant 0 : i32
        %broadcast_in_dim3A_302 = vector.broadcast %broadcast_in_dim3A_301 : i32 to vector<16xi32>
        %swap3A_303 = arith.constant 80 : index
        %swap3A_304 = tpu.vector_load %arg11[%swap3A_303] {strides = array<i32>} : memref<256xi32, #tpu.memory_space<vmem>>, vector<16xi32>,
        tpu.vector_store %arg11[%swap3A_303], %broadcast_in_dim3A_302 {strides = array<i32>} : memref<256xi32, #tpu.memory_space<vmem>>, vector<16xi32>,
        %broadcast_in_dim3A_305 = arith.constant 0 : i32
        %broadcast_in_dim3A_306 = vector.broadcast %broadcast_in_dim3A_305 : i32 to vector<16xi32>
        %swap3A_307 = arith.constant 96 : index
        %swap3A_308 = tpu.vector_load %arg11[%swap3A_307] {strides = array<i32>} : memref<256xi32, #tpu.memory_space<vmem>>, vector<16xi32>,
        tpu.vector_store %arg11[%swap3A_307], %broadcast_in_dim3A_306 {strides = array<i32>} : memref<256xi32, #tpu.memory_space<vmem>>, vector<16xi32>,
        %broadcast_in_dim3A_309 = arith.constant 0 : i32
        %broadcast_in_dim3A_310 = vector.broadcast %broadcast_in_dim3A_309 : i32 to vector<16xi32>
        %swap3A_311 = arith.constant 112 : index
        %swap3A_312 = tpu.vector_load %arg11[%swap3A_311] {strides = array<i32>} : memref<256xi32, #tpu.memory_space<vmem>>, vector<16xi32>,
        tpu.vector_store %arg11[%swap3A_311], %broadcast_in_dim3A_310 {strides = array<i32>} : memref<256xi32, #tpu.memory_space<vmem>>, vector<16xi32>,
        %broadcast_in_dim3A_313 = arith.constant 0 : i32
        %broadcast_in_dim3A_314 = vector.broadcast %broadcast_in_dim3A_313 : i32 to vector<16xi32>
        %swap3A_315 = arith.constant 128 : index
        %swap3A_316 = tpu.vector_load %arg11[%swap3A_315] {strides = array<i32>} : memref<256xi32, #tpu.memory_space<vmem>>, vector<16xi32>,
        tpu.vector_store %arg11[%swap3A_315], %broadcast_in_dim3A_314 {strides = array<i32>} : memref<256xi32, #tpu.memory_space<vmem>>, vector<16xi32>,
        %broadcast_in_dim3A_317 = arith.constant 0 : i32
        %broadcast_in_dim3A_318 = vector.broadcast %broadcast_in_dim3A_317 : i32 to vector<16xi32>
        %swap3A_319 = arith.constant 144 : index
        %swap3A_320 = tpu.vector_load %arg11[%swap3A_319] {strides = array<i32>} : memref<256xi32, #tpu.memory_space<vmem>>, vector<16xi32>,
        tpu.vector_store %arg11[%swap3A_319], %broadcast_in_dim3A_318 {strides = array<i32>} : memref<256xi32, #tpu.memory_space<vmem>>, vector<16xi32>,
        %broadcast_in_dim3A_321 = arith.constant 0 : i32
        %broadcast_in_dim3A_322 = vector.broadcast %broadcast_in_dim3A_321 : i32 to vector<16xi32>
        %swap3A_323 = arith.constant 160 : index
        %swap3A_324 = tpu.vector_load %arg11[%swap3A_323] {strides = array<i32>} : memref<256xi32, #tpu.memory_space<vmem>>, vector<16xi32>,
        tpu.vector_store %arg11[%swap3A_323], %broadcast_in_dim3A_322 {strides = array<i32>} : memref<256xi32, #tpu.memory_space<vmem>>, vector<16xi32>,
        %broadcast_in_dim3A_325 = arith.constant 0 : i32
        %broadcast_in_dim3A_326 = vector.broadcast %broadcast_in_dim3A_325 : i32 to vector<16xi32>
        %swap3A_327 = arith.constant 176 : index
        %swap3A_328 = tpu.vector_load %arg11[%swap3A_327] {strides = array<i32>} : memref<256xi32, #tpu.memory_space<vmem>>, vector<16xi32>,
        tpu.vector_store %arg11[%swap3A_327], %broadcast_in_dim3A_326 {strides = array<i32>} : memref<256xi32, #tpu.memory_space<vmem>>, vector<16xi32>,
        %broadcast_in_dim3A_329 = arith.constant 0 : i32
        %broadcast_in_dim3A_330 = vector.broadcast %broadcast_in_dim3A_329 : i32 to vector<16xi32>
        %swap3A_331 = arith.constant 192 : index
        %swap3A_332 = tpu.vector_load %arg11[%swap3A_331] {strides = array<i32>} : memref<256xi32, #tpu.memory_space<vmem>>, vector<16xi32>,
        tpu.vector_store %arg11[%swap3A_331], %broadcast_in_dim3A_330 {strides = array<i32>} : memref<256xi32, #tpu.memory_space<vmem>>, vector<16xi32>,
        %broadcast_in_dim3A_333 = arith.constant 0 : i32
        %broadcast_in_dim3A_334 = vector.broadcast %broadcast_in_dim3A_333 : i32 to vector<16xi32>
        %swap3A_335 = arith.constant 208 : index
        %swap3A_336 = tpu.vector_load %arg11[%swap3A_335] {strides = array<i32>} : memref<256xi32, #tpu.memory_space<vmem>>, vector<16xi32>,
        tpu.vector_store %arg11[%swap3A_335], %broadcast_in_dim3A_334 {strides = array<i32>} : memref<256xi32, #tpu.memory_space<vmem>>, vector<16xi32>,
        %broadcast_in_dim3A_337 = arith.constant 0 : i32
        %broadcast_in_dim3A_338 = vector.broadcast %broadcast_in_dim3A_337 : i32 to vector<16xi32>
        %swap3A_339 = arith.constant 224 : index
        %swap3A_340 = tpu.vector_load %arg11[%swap3A_339] {strides = array<i32>} : memref<256xi32, #tpu.memory_space<vmem>>, vector<16xi32>,
        tpu.vector_store %arg11[%swap3A_339], %broadcast_in_dim3A_338 {strides = array<i32>} : memref<256xi32, #tpu.memory_space<vmem>>, vector<16xi32>,
        %broadcast_in_dim3A_341 = arith.constant 0 : i32
        %broadcast_in_dim3A_342 = vector.broadcast %broadcast_in_dim3A_341 : i32 to vector<16xi32>
        %swap3A_343 = arith.constant 240 : index
        %swap3A_344 = tpu.vector_load %arg11[%swap3A_343] {strides = array<i32>} : memref<256xi32, #tpu.memory_space<vmem>>, vector<16xi32>,
        tpu.vector_store %arg11[%swap3A_343], %broadcast_in_dim3A_342 {strides = array<i32>} : memref<256xi32, #tpu.memory_space<vmem>>, vector<16xi32>,
        %broadcast_in_dim3A_345 = vector.broadcast %or3A_278 : i32 to vector<16xi32>
        %scan3A_346 = arith.constant 0 : i32
        %scan3A_347 = arith.constant 0 : i32
        %scan3A_348 = arith.constant 2048 : i32
        %scan3A_349 = arith.addi %scan3A_347, %scan3A_348 : i32
        %scan3A_350 = arith.constant 1 : i32
        %scan3A_351 = scf.for %scan3A_539 = %scan3A_347 to %scan3A_349 step %scan3A_350 iter_args(%scan3A_540 = %scan3A_346) -> (i32)  : i32 {
          %mul3A_541 = arith.constant 16 : i32
          %mul3A_542 = arith.muli %scan3A_539, %mul3A_541 : i32
          %get3A_543 = arith.index_cast %mul3A_542 : i32 to index
          %get3A_544 = tpu.vector_load %arg10[%get3A_543] {strides = array<i32>} : memref<32768xi32, #tpu.memory_space<vmem>>, vector<16xi32>,
          %and3A_545 = arith.constant 2139095040 : i32
          %and3A_546 = vector.broadcast %and3A_545 : i32 to vector<16xi32>
          %and3A_547 = arith.andi %get3A_544, %and3A_546 : vector<16xi32>
          %eq3A = arith.cmpi eq, %and3A_547, %broadcast_in_dim3A_345 : vector<16xi32>
          %shift_right_arithmetic3A = arith.constant 15 : i32
          %shift_right_arithmetic3A_548 = vector.broadcast %shift_right_arithmetic3A : i32 to vector<16xi32>
          %shift_right_arithmetic3A_549 = arith.shrsi %get3A_544, %shift_right_arithmetic3A_548 : vector<16xi32>
          %and3A_550 = arith.constant 255 : i32
          %and3A_551 = vector.broadcast %and3A_550 : i32 to vector<16xi32>
          %and3A_552 = arith.andi %shift_right_arithmetic3A_549, %and3A_551 : vector<16xi32>
          tpu.vector_store_idx %arg11[%and3A_552], %broadcast_in_dim3A_16 masked %eq3A {add = true} : memref<256xi32, #tpu.memory_space<vmem>>[vector<16xi32>], vector<16xi32>, vector<16xi1>
          %scan3A_553 = arith.constant 0 : i32
          scf.yield %scan3A_553 : i32
        }
        %scan3A_352 = arith.constant 2048 : i32
        %scan3A_353 = arith.constant 0 : i32
        %scan3A_354 = arith.constant 0 : i32
        %scan3A_355 = arith.constant 0 : i32
        %scan3A_356 = arith.constant 0 : i32
        %scan3A_357 = arith.constant 0 : i32
        %scan3A_358 = arith.constant 16 : i32
        %scan3A_359 = arith.addi %scan3A_357, %scan3A_358 : i32
        %scan3A_360 = arith.constant 1 : i32
        %scan3A_361:4 = scf.for %scan3A_539 = %scan3A_357 to %scan3A_359 step %scan3A_360 iter_args(%scan3A_540 = %scan3A_353, %scan3A_541 = %scan3A_354, %scan3A_542 = %scan3A_355, %scan3A_543 = %scan3A_356) -> (i32, i32, i32, i32)  : i32 {
          %mul3A_544 = arith.constant 16 : i32
          %mul3A_545 = arith.muli %scan3A_539, %mul3A_544 : i32
          %get3A_546 = arith.index_cast %mul3A_545 : i32 to index
          %get3A_547 = tpu.vector_load %arg11[%get3A_546] {strides = array<i32>} : memref<256xi32, #tpu.memory_space<vmem>>, vector<16xi32>,
          %broadcast_in_dim3A_548 = arith.constant true
          %broadcast_in_dim3A_549 = vector.broadcast %broadcast_in_dim3A_548 : i1 to vector<16xi1>
          %masked_cumsum3A = tpu.scan <sum>, %get3A_547 masked %broadcast_in_dim3A_549 : vector<16xi32>, vector<16xi1> -> vector<16xi32>
          %reduce_sum3A = arith.constant true
          %reduce_sum3A_550 = vector.broadcast %reduce_sum3A : i1 to vector<16xi1>
          %reduce_sum3A_551 = tpu.scan <sum>, %get3A_547 masked %reduce_sum3A_550 : vector<16xi32>, vector<16xi1> -> vector<16xi32>
          %reduce_sum3A_552 = vector.extract %reduce_sum3A_551[15] : i32 from vector<16xi32>
          %add3A_553 = vector.broadcast %scan3A_540 : i32 to vector<16xi32>
          %add3A_554 = arith.addi %add3A_553, %masked_cumsum3A : vector<16xi32>
          %ge3A_555 = vector.broadcast %sub3A_280 : i32 to vector<16xi32>
          %ge3A_556 = arith.cmpi sge, %add3A_554, %ge3A_555 : vector<16xi32>
          %jit3A_557 = arith.constant 1 : i32
          %jit3A_558 = arith.constant 0 : i32
          %broadcast_in_dim3A_559 = vector.broadcast %jit3A_557 : i32 to vector<16xi32>
          %broadcast_in_dim3A_560 = vector.broadcast %jit3A_558 : i32 to vector<16xi32>
          %select_n3A_561 = arith.select %ge3A_556, %broadcast_in_dim3A_559, %broadcast_in_dim3A_560 : vector<16xi1>, vector<16xi32>
          %reduce_max3A = arith.constant true
          %reduce_max3A_562 = vector.broadcast %reduce_max3A : i1 to vector<16xi1>
          %reduce_max3A_563 = arith.constant -2147483648 : i32
          %reduce_max3A_564 = vector.broadcast %reduce_max3A_563 : i32 to vector<16xi32>
          %reduce_max3A_565 = arith.xori %select_n3A_561, %reduce_max3A_564 : vector<16xi32>
          %reduce_max3A_566 = tpu.scan <max>, %reduce_max3A_565 masked %reduce_max3A_562 : vector<16xi32>, vector<16xi1> -> vector<16xi32>
          %reduce_max3A_567 = arith.xori %reduce_max3A_566, %reduce_max3A_564 : vector<16xi32>
          %reduce_max3A_568 = vector.extract %reduce_max3A_567[15] : i32 from vector<16xi32>
          %jit3A_569 = arith.constant 1 : i32
          %jit3A_570 = arith.constant 0 : i32
          %broadcast_in_dim3A_571 = vector.broadcast %jit3A_569 : i32 to vector<16xi32>
          %broadcast_in_dim3A_572 = vector.broadcast %jit3A_570 : i32 to vector<16xi32>
          %select_n3A_573 = arith.select %ge3A_556, %broadcast_in_dim3A_571, %broadcast_in_dim3A_572 : vector<16xi1>, vector<16xi32>
          %broadcast_in_dim3A_574 = arith.constant true
          %broadcast_in_dim3A_575 = vector.broadcast %broadcast_in_dim3A_574 : i1 to vector<16xi1>
          %masked_cumsum3A_576 = tpu.scan <sum>, %select_n3A_573 masked %broadcast_in_dim3A_575 : vector<16xi32>, vector<16xi1> -> vector<16xi32>
          %eq3A = arith.constant 1 : i32
          %eq3A_577 = vector.broadcast %eq3A : i32 to vector<16xi32>
          %eq3A_578 = arith.cmpi eq, %masked_cumsum3A_576, %eq3A_577 : vector<16xi32>
          %jit3A_579 = arith.constant 0 : i32
          %broadcast_in_dim3A_580 = vector.broadcast %jit3A_579 : i32 to vector<16xi32>
          %select_n3A_581 = arith.select %eq3A_578, %iota3A, %broadcast_in_dim3A_580 : vector<16xi1>, vector<16xi32>
          %reduce_sum3A_582 = arith.constant true
          %reduce_sum3A_583 = vector.broadcast %reduce_sum3A_582 : i1 to vector<16xi1>
          %reduce_sum3A_584 = tpu.scan <sum>, %select_n3A_581 masked %reduce_sum3A_583 : vector<16xi32>, vector<16xi1> -> vector<16xi32>
          %reduce_sum3A_585 = vector.extract %reduce_sum3A_584[15] : i32 from vector<16xi32>
          %jit3A_586 = arith.constant 1 : i32
          %jit3A_587 = arith.constant 0 : i32
          %broadcast_in_dim3A_588 = vector.broadcast %jit3A_586 : i32 to vector<16xi32>
          %broadcast_in_dim3A_589 = vector.broadcast %jit3A_587 : i32 to vector<16xi32>
          %select_n3A_590 = arith.select %ge3A_556, %broadcast_in_dim3A_588, %broadcast_in_dim3A_589 : vector<16xi1>, vector<16xi32>
          %broadcast_in_dim3A_591 = arith.constant true
          %broadcast_in_dim3A_592 = vector.broadcast %broadcast_in_dim3A_591 : i1 to vector<16xi1>
          %masked_cumsum3A_593 = tpu.scan <sum>, %select_n3A_590 masked %broadcast_in_dim3A_592 : vector<16xi32>, vector<16xi1> -> vector<16xi32>
          %eq3A_594 = arith.constant 1 : i32
          %eq3A_595 = vector.broadcast %eq3A_594 : i32 to vector<16xi32>
          %eq3A_596 = arith.cmpi eq, %masked_cumsum3A_593, %eq3A_595 : vector<16xi32>
          %sub3A_597 = arith.subi %masked_cumsum3A, %get3A_547 : vector<16xi32>
          %jit3A_598 = arith.constant 0 : i32
          %broadcast_in_dim3A_599 = vector.broadcast %jit3A_598 : i32 to vector<16xi32>
          %select_n3A_600 = arith.select %eq3A_596, %sub3A_597, %broadcast_in_dim3A_599 : vector<16xi1>, vector<16xi32>
          %reduce_sum3A_601 = arith.constant true
          %reduce_sum3A_602 = vector.broadcast %reduce_sum3A_601 : i1 to vector<16xi1>
          %reduce_sum3A_603 = tpu.scan <sum>, %select_n3A_600 masked %reduce_sum3A_602 : vector<16xi32>, vector<16xi1> -> vector<16xi32>
          %reduce_sum3A_604 = vector.extract %reduce_sum3A_603[15] : i32 from vector<16xi32>
          %eq3A_605 = arith.constant 0 : i32
          %eq3A_606 = arith.cmpi eq, %scan3A_541, %eq3A_605 : i32
          %eq3A_607 = arith.constant 1 : i32
          %eq3A_608 = arith.cmpi eq, %reduce_max3A_568, %eq3A_607 : i32
          %and3A_609 = arith.andi %eq3A_606, %eq3A_608 : i1
          %mul3A_610 = arith.constant 16 : i32
          %mul3A_611 = arith.muli %scan3A_539, %mul3A_610 : i32
          %add3A_612 = arith.addi %mul3A_611, %reduce_sum3A_585 : i32
          %select_n3A_613 = arith.select %and3A_609, %add3A_612, %scan3A_542 : i32
          %add3A_614 = arith.addi %scan3A_540, %reduce_sum3A_604 : i32
          %select_n3A_615 = arith.select %and3A_609, %add3A_614, %scan3A_543 : i32
          %or3A_616 = arith.ori %scan3A_541, %reduce_max3A_568 : i32
          %add3A_617 = arith.addi %scan3A_540, %reduce_sum3A_552 : i32
          scf.yield %add3A_617, %or3A_616, %select_n3A_613, %select_n3A_615 : i32, i32, i32, i32
        }
        %scan3A_362 = arith.constant 16 : i32
        %shift_left3A_363 = arith.constant 15 : i32
        %shift_left3A_364 = arith.shli %scan3A_361#2, %shift_left3A_363 : i32
        %or3A_365 = arith.ori %or3A_278, %shift_left3A_364 : i32
        %sub3A_366 = arith.subi %sub3A_280, %scan3A_361#3 : i32
        %broadcast_in_dim3A_367 = arith.constant 0 : i32
        %broadcast_in_dim3A_368 = vector.broadcast %broadcast_in_dim3A_367 : i32 to vector<16xi32>
        %swap3A_369 = arith.constant 0 : index
        %swap3A_370 = tpu.vector_load %arg11[%swap3A_369] {strides = array<i32>} : memref<256xi32, #tpu.memory_space<vmem>>, vector<16xi32>,
        tpu.vector_store %arg11[%swap3A_369], %broadcast_in_dim3A_368 {strides = array<i32>} : memref<256xi32, #tpu.memory_space<vmem>>, vector<16xi32>,
        %broadcast_in_dim3A_371 = arith.constant 0 : i32
        %broadcast_in_dim3A_372 = vector.broadcast %broadcast_in_dim3A_371 : i32 to vector<16xi32>
        %swap3A_373 = arith.constant 16 : index
        %swap3A_374 = tpu.vector_load %arg11[%swap3A_373] {strides = array<i32>} : memref<256xi32, #tpu.memory_space<vmem>>, vector<16xi32>,
        tpu.vector_store %arg11[%swap3A_373], %broadcast_in_dim3A_372 {strides = array<i32>} : memref<256xi32, #tpu.memory_space<vmem>>, vector<16xi32>,
        %broadcast_in_dim3A_375 = arith.constant 0 : i32
        %broadcast_in_dim3A_376 = vector.broadcast %broadcast_in_dim3A_375 : i32 to vector<16xi32>
        %swap3A_377 = arith.constant 32 : index
        %swap3A_378 = tpu.vector_load %arg11[%swap3A_377] {strides = array<i32>} : memref<256xi32, #tpu.memory_space<vmem>>, vector<16xi32>,
        tpu.vector_store %arg11[%swap3A_377], %broadcast_in_dim3A_376 {strides = array<i32>} : memref<256xi32, #tpu.memory_space<vmem>>, vector<16xi32>,
        %broadcast_in_dim3A_379 = arith.constant 0 : i32
        %broadcast_in_dim3A_380 = vector.broadcast %broadcast_in_dim3A_379 : i32 to vector<16xi32>
        %swap3A_381 = arith.constant 48 : index
        %swap3A_382 = tpu.vector_load %arg11[%swap3A_381] {strides = array<i32>} : memref<256xi32, #tpu.memory_space<vmem>>, vector<16xi32>,
        tpu.vector_store %arg11[%swap3A_381], %broadcast_in_dim3A_380 {strides = array<i32>} : memref<256xi32, #tpu.memory_space<vmem>>, vector<16xi32>,
        %broadcast_in_dim3A_383 = arith.constant 0 : i32
        %broadcast_in_dim3A_384 = vector.broadcast %broadcast_in_dim3A_383 : i32 to vector<16xi32>
        %swap3A_385 = arith.constant 64 : index
        %swap3A_386 = tpu.vector_load %arg11[%swap3A_385] {strides = array<i32>} : memref<256xi32, #tpu.memory_space<vmem>>, vector<16xi32>,
        tpu.vector_store %arg11[%swap3A_385], %broadcast_in_dim3A_384 {strides = array<i32>} : memref<256xi32, #tpu.memory_space<vmem>>, vector<16xi32>,
        %broadcast_in_dim3A_387 = arith.constant 0 : i32
        %broadcast_in_dim3A_388 = vector.broadcast %broadcast_in_dim3A_387 : i32 to vector<16xi32>
        %swap3A_389 = arith.constant 80 : index
        %swap3A_390 = tpu.vector_load %arg11[%swap3A_389] {strides = array<i32>} : memref<256xi32, #tpu.memory_space<vmem>>, vector<16xi32>,
        tpu.vector_store %arg11[%swap3A_389], %broadcast_in_dim3A_388 {strides = array<i32>} : memref<256xi32, #tpu.memory_space<vmem>>, vector<16xi32>,
        %broadcast_in_dim3A_391 = arith.constant 0 : i32
        %broadcast_in_dim3A_392 = vector.broadcast %broadcast_in_dim3A_391 : i32 to vector<16xi32>
        %swap3A_393 = arith.constant 96 : index
        %swap3A_394 = tpu.vector_load %arg11[%swap3A_393] {strides = array<i32>} : memref<256xi32, #tpu.memory_space<vmem>>, vector<16xi32>,
        tpu.vector_store %arg11[%swap3A_393], %broadcast_in_dim3A_392 {strides = array<i32>} : memref<256xi32, #tpu.memory_space<vmem>>, vector<16xi32>,
        %broadcast_in_dim3A_395 = arith.constant 0 : i32
        %broadcast_in_dim3A_396 = vector.broadcast %broadcast_in_dim3A_395 : i32 to vector<16xi32>
        %swap3A_397 = arith.constant 112 : index
        %swap3A_398 = tpu.vector_load %arg11[%swap3A_397] {strides = array<i32>} : memref<256xi32, #tpu.memory_space<vmem>>, vector<16xi32>,
        tpu.vector_store %arg11[%swap3A_397], %broadcast_in_dim3A_396 {strides = array<i32>} : memref<256xi32, #tpu.memory_space<vmem>>, vector<16xi32>,
        %broadcast_in_dim3A_399 = arith.constant 0 : i32
        %broadcast_in_dim3A_400 = vector.broadcast %broadcast_in_dim3A_399 : i32 to vector<16xi32>
        %swap3A_401 = arith.constant 128 : index
        %swap3A_402 = tpu.vector_load %arg11[%swap3A_401] {strides = array<i32>} : memref<256xi32, #tpu.memory_space<vmem>>, vector<16xi32>,
        tpu.vector_store %arg11[%swap3A_401], %broadcast_in_dim3A_400 {strides = array<i32>} : memref<256xi32, #tpu.memory_space<vmem>>, vector<16xi32>,
        %broadcast_in_dim3A_403 = arith.constant 0 : i32
        %broadcast_in_dim3A_404 = vector.broadcast %broadcast_in_dim3A_403 : i32 to vector<16xi32>
        %swap3A_405 = arith.constant 144 : index
        %swap3A_406 = tpu.vector_load %arg11[%swap3A_405] {strides = array<i32>} : memref<256xi32, #tpu.memory_space<vmem>>, vector<16xi32>,
        tpu.vector_store %arg11[%swap3A_405], %broadcast_in_dim3A_404 {strides = array<i32>} : memref<256xi32, #tpu.memory_space<vmem>>, vector<16xi32>,
        %broadcast_in_dim3A_407 = arith.constant 0 : i32
        %broadcast_in_dim3A_408 = vector.broadcast %broadcast_in_dim3A_407 : i32 to vector<16xi32>
        %swap3A_409 = arith.constant 160 : index
        %swap3A_410 = tpu.vector_load %arg11[%swap3A_409] {strides = array<i32>} : memref<256xi32, #tpu.memory_space<vmem>>, vector<16xi32>,
        tpu.vector_store %arg11[%swap3A_409], %broadcast_in_dim3A_408 {strides = array<i32>} : memref<256xi32, #tpu.memory_space<vmem>>, vector<16xi32>,
        %broadcast_in_dim3A_411 = arith.constant 0 : i32
        %broadcast_in_dim3A_412 = vector.broadcast %broadcast_in_dim3A_411 : i32 to vector<16xi32>
        %swap3A_413 = arith.constant 176 : index
        %swap3A_414 = tpu.vector_load %arg11[%swap3A_413] {strides = array<i32>} : memref<256xi32, #tpu.memory_space<vmem>>, vector<16xi32>,
        tpu.vector_store %arg11[%swap3A_413], %broadcast_in_dim3A_412 {strides = array<i32>} : memref<256xi32, #tpu.memory_space<vmem>>, vector<16xi32>,
        %broadcast_in_dim3A_415 = arith.constant 0 : i32
        %broadcast_in_dim3A_416 = vector.broadcast %broadcast_in_dim3A_415 : i32 to vector<16xi32>
        %swap3A_417 = arith.constant 192 : index
        %swap3A_418 = tpu.vector_load %arg11[%swap3A_417] {strides = array<i32>} : memref<256xi32, #tpu.memory_space<vmem>>, vector<16xi32>,
        tpu.vector_store %arg11[%swap3A_417], %broadcast_in_dim3A_416 {strides = array<i32>} : memref<256xi32, #tpu.memory_space<vmem>>, vector<16xi32>,
        %broadcast_in_dim3A_419 = arith.constant 0 : i32
        %broadcast_in_dim3A_420 = vector.broadcast %broadcast_in_dim3A_419 : i32 to vector<16xi32>
        %swap3A_421 = arith.constant 208 : index
        %swap3A_422 = tpu.vector_load %arg11[%swap3A_421] {strides = array<i32>} : memref<256xi32, #tpu.memory_space<vmem>>, vector<16xi32>,
        tpu.vector_store %arg11[%swap3A_421], %broadcast_in_dim3A_420 {strides = array<i32>} : memref<256xi32, #tpu.memory_space<vmem>>, vector<16xi32>,
        %broadcast_in_dim3A_423 = arith.constant 0 : i32
        %broadcast_in_dim3A_424 = vector.broadcast %broadcast_in_dim3A_423 : i32 to vector<16xi32>
        %swap3A_425 = arith.constant 224 : index
        %swap3A_426 = tpu.vector_load %arg11[%swap3A_425] {strides = array<i32>} : memref<256xi32, #tpu.memory_space<vmem>>, vector<16xi32>,
        tpu.vector_store %arg11[%swap3A_425], %broadcast_in_dim3A_424 {strides = array<i32>} : memref<256xi32, #tpu.memory_space<vmem>>, vector<16xi32>,
        %broadcast_in_dim3A_427 = arith.constant 0 : i32
        %broadcast_in_dim3A_428 = vector.broadcast %broadcast_in_dim3A_427 : i32 to vector<16xi32>
        %swap3A_429 = arith.constant 240 : index
        %swap3A_430 = tpu.vector_load %arg11[%swap3A_429] {strides = array<i32>} : memref<256xi32, #tpu.memory_space<vmem>>, vector<16xi32>,
        tpu.vector_store %arg11[%swap3A_429], %broadcast_in_dim3A_428 {strides = array<i32>} : memref<256xi32, #tpu.memory_space<vmem>>, vector<16xi32>,
        %broadcast_in_dim3A_431 = vector.broadcast %or3A_365 : i32 to vector<16xi32>
        %scan3A_432 = arith.constant 0 : i32
        %scan3A_433 = arith.constant 0 : i32
        %scan3A_434 = arith.constant 2048 : i32
        %scan3A_435 = arith.addi %scan3A_433, %scan3A_434 : i32
        %scan3A_436 = arith.constant 1 : i32
        %scan3A_437 = scf.for %scan3A_539 = %scan3A_433 to %scan3A_435 step %scan3A_436 iter_args(%scan3A_540 = %scan3A_432) -> (i32)  : i32 {
          %mul3A_541 = arith.constant 16 : i32
          %mul3A_542 = arith.muli %scan3A_539, %mul3A_541 : i32
          %get3A_543 = arith.index_cast %mul3A_542 : i32 to index
          %get3A_544 = tpu.vector_load %arg10[%get3A_543] {strides = array<i32>} : memref<32768xi32, #tpu.memory_space<vmem>>, vector<16xi32>,
          %and3A_545 = arith.constant 2147450880 : i32
          %and3A_546 = vector.broadcast %and3A_545 : i32 to vector<16xi32>
          %and3A_547 = arith.andi %get3A_544, %and3A_546 : vector<16xi32>
          %eq3A = arith.cmpi eq, %and3A_547, %broadcast_in_dim3A_431 : vector<16xi32>
          %shift_right_arithmetic3A = arith.constant 7 : i32
          %shift_right_arithmetic3A_548 = vector.broadcast %shift_right_arithmetic3A : i32 to vector<16xi32>
          %shift_right_arithmetic3A_549 = arith.shrsi %get3A_544, %shift_right_arithmetic3A_548 : vector<16xi32>
          %and3A_550 = arith.constant 255 : i32
          %and3A_551 = vector.broadcast %and3A_550 : i32 to vector<16xi32>
          %and3A_552 = arith.andi %shift_right_arithmetic3A_549, %and3A_551 : vector<16xi32>
          tpu.vector_store_idx %arg11[%and3A_552], %broadcast_in_dim3A_16 masked %eq3A {add = true} : memref<256xi32, #tpu.memory_space<vmem>>[vector<16xi32>], vector<16xi32>, vector<16xi1>
          %scan3A_553 = arith.constant 0 : i32
          scf.yield %scan3A_553 : i32
        }
        %scan3A_438 = arith.constant 2048 : i32
        %scan3A_439 = arith.constant 0 : i32
        %scan3A_440 = arith.constant 0 : i32
        %scan3A_441 = arith.constant 0 : i32
        %scan3A_442 = arith.constant 0 : i32
        %scan3A_443 = arith.constant 0 : i32
        %scan3A_444 = arith.constant 16 : i32
        %scan3A_445 = arith.addi %scan3A_443, %scan3A_444 : i32
        %scan3A_446 = arith.constant 1 : i32
        %scan3A_447:4 = scf.for %scan3A_539 = %scan3A_443 to %scan3A_445 step %scan3A_446 iter_args(%scan3A_540 = %scan3A_439, %scan3A_541 = %scan3A_440, %scan3A_542 = %scan3A_441, %scan3A_543 = %scan3A_442) -> (i32, i32, i32, i32)  : i32 {
          %mul3A_544 = arith.constant 16 : i32
          %mul3A_545 = arith.muli %scan3A_539, %mul3A_544 : i32
          %get3A_546 = arith.index_cast %mul3A_545 : i32 to index
          %get3A_547 = tpu.vector_load %arg11[%get3A_546] {strides = array<i32>} : memref<256xi32, #tpu.memory_space<vmem>>, vector<16xi32>,
          %broadcast_in_dim3A_548 = arith.constant true
          %broadcast_in_dim3A_549 = vector.broadcast %broadcast_in_dim3A_548 : i1 to vector<16xi1>
          %masked_cumsum3A = tpu.scan <sum>, %get3A_547 masked %broadcast_in_dim3A_549 : vector<16xi32>, vector<16xi1> -> vector<16xi32>
          %reduce_sum3A = arith.constant true
          %reduce_sum3A_550 = vector.broadcast %reduce_sum3A : i1 to vector<16xi1>
          %reduce_sum3A_551 = tpu.scan <sum>, %get3A_547 masked %reduce_sum3A_550 : vector<16xi32>, vector<16xi1> -> vector<16xi32>
          %reduce_sum3A_552 = vector.extract %reduce_sum3A_551[15] : i32 from vector<16xi32>
          %add3A_553 = vector.broadcast %scan3A_540 : i32 to vector<16xi32>
          %add3A_554 = arith.addi %add3A_553, %masked_cumsum3A : vector<16xi32>
          %ge3A_555 = vector.broadcast %sub3A_366 : i32 to vector<16xi32>
          %ge3A_556 = arith.cmpi sge, %add3A_554, %ge3A_555 : vector<16xi32>
          %jit3A_557 = arith.constant 1 : i32
          %jit3A_558 = arith.constant 0 : i32
          %broadcast_in_dim3A_559 = vector.broadcast %jit3A_557 : i32 to vector<16xi32>
          %broadcast_in_dim3A_560 = vector.broadcast %jit3A_558 : i32 to vector<16xi32>
          %select_n3A_561 = arith.select %ge3A_556, %broadcast_in_dim3A_559, %broadcast_in_dim3A_560 : vector<16xi1>, vector<16xi32>
          %reduce_max3A = arith.constant true
          %reduce_max3A_562 = vector.broadcast %reduce_max3A : i1 to vector<16xi1>
          %reduce_max3A_563 = arith.constant -2147483648 : i32
          %reduce_max3A_564 = vector.broadcast %reduce_max3A_563 : i32 to vector<16xi32>
          %reduce_max3A_565 = arith.xori %select_n3A_561, %reduce_max3A_564 : vector<16xi32>
          %reduce_max3A_566 = tpu.scan <max>, %reduce_max3A_565 masked %reduce_max3A_562 : vector<16xi32>, vector<16xi1> -> vector<16xi32>
          %reduce_max3A_567 = arith.xori %reduce_max3A_566, %reduce_max3A_564 : vector<16xi32>
          %reduce_max3A_568 = vector.extract %reduce_max3A_567[15] : i32 from vector<16xi32>
          %jit3A_569 = arith.constant 1 : i32
          %jit3A_570 = arith.constant 0 : i32
          %broadcast_in_dim3A_571 = vector.broadcast %jit3A_569 : i32 to vector<16xi32>
          %broadcast_in_dim3A_572 = vector.broadcast %jit3A_570 : i32 to vector<16xi32>
          %select_n3A_573 = arith.select %ge3A_556, %broadcast_in_dim3A_571, %broadcast_in_dim3A_572 : vector<16xi1>, vector<16xi32>
          %broadcast_in_dim3A_574 = arith.constant true
          %broadcast_in_dim3A_575 = vector.broadcast %broadcast_in_dim3A_574 : i1 to vector<16xi1>
          %masked_cumsum3A_576 = tpu.scan <sum>, %select_n3A_573 masked %broadcast_in_dim3A_575 : vector<16xi32>, vector<16xi1> -> vector<16xi32>
          %eq3A = arith.constant 1 : i32
          %eq3A_577 = vector.broadcast %eq3A : i32 to vector<16xi32>
          %eq3A_578 = arith.cmpi eq, %masked_cumsum3A_576, %eq3A_577 : vector<16xi32>
          %jit3A_579 = arith.constant 0 : i32
          %broadcast_in_dim3A_580 = vector.broadcast %jit3A_579 : i32 to vector<16xi32>
          %select_n3A_581 = arith.select %eq3A_578, %iota3A, %broadcast_in_dim3A_580 : vector<16xi1>, vector<16xi32>
          %reduce_sum3A_582 = arith.constant true
          %reduce_sum3A_583 = vector.broadcast %reduce_sum3A_582 : i1 to vector<16xi1>
          %reduce_sum3A_584 = tpu.scan <sum>, %select_n3A_581 masked %reduce_sum3A_583 : vector<16xi32>, vector<16xi1> -> vector<16xi32>
          %reduce_sum3A_585 = vector.extract %reduce_sum3A_584[15] : i32 from vector<16xi32>
          %jit3A_586 = arith.constant 1 : i32
          %jit3A_587 = arith.constant 0 : i32
          %broadcast_in_dim3A_588 = vector.broadcast %jit3A_586 : i32 to vector<16xi32>
          %broadcast_in_dim3A_589 = vector.broadcast %jit3A_587 : i32 to vector<16xi32>
          %select_n3A_590 = arith.select %ge3A_556, %broadcast_in_dim3A_588, %broadcast_in_dim3A_589 : vector<16xi1>, vector<16xi32>
          %broadcast_in_dim3A_591 = arith.constant true
          %broadcast_in_dim3A_592 = vector.broadcast %broadcast_in_dim3A_591 : i1 to vector<16xi1>
          %masked_cumsum3A_593 = tpu.scan <sum>, %select_n3A_590 masked %broadcast_in_dim3A_592 : vector<16xi32>, vector<16xi1> -> vector<16xi32>
          %eq3A_594 = arith.constant 1 : i32
          %eq3A_595 = vector.broadcast %eq3A_594 : i32 to vector<16xi32>
          %eq3A_596 = arith.cmpi eq, %masked_cumsum3A_593, %eq3A_595 : vector<16xi32>
          %sub3A_597 = arith.subi %masked_cumsum3A, %get3A_547 : vector<16xi32>
          %jit3A_598 = arith.constant 0 : i32
          %broadcast_in_dim3A_599 = vector.broadcast %jit3A_598 : i32 to vector<16xi32>
          %select_n3A_600 = arith.select %eq3A_596, %sub3A_597, %broadcast_in_dim3A_599 : vector<16xi1>, vector<16xi32>
          %reduce_sum3A_601 = arith.constant true
          %reduce_sum3A_602 = vector.broadcast %reduce_sum3A_601 : i1 to vector<16xi1>
          %reduce_sum3A_603 = tpu.scan <sum>, %select_n3A_600 masked %reduce_sum3A_602 : vector<16xi32>, vector<16xi1> -> vector<16xi32>
          %reduce_sum3A_604 = vector.extract %reduce_sum3A_603[15] : i32 from vector<16xi32>
          %eq3A_605 = arith.constant 0 : i32
          %eq3A_606 = arith.cmpi eq, %scan3A_541, %eq3A_605 : i32
          %eq3A_607 = arith.constant 1 : i32
          %eq3A_608 = arith.cmpi eq, %reduce_max3A_568, %eq3A_607 : i32
          %and3A_609 = arith.andi %eq3A_606, %eq3A_608 : i1
          %mul3A_610 = arith.constant 16 : i32
          %mul3A_611 = arith.muli %scan3A_539, %mul3A_610 : i32
          %add3A_612 = arith.addi %mul3A_611, %reduce_sum3A_585 : i32
          %select_n3A_613 = arith.select %and3A_609, %add3A_612, %scan3A_542 : i32
          %add3A_614 = arith.addi %scan3A_540, %reduce_sum3A_604 : i32
          %select_n3A_615 = arith.select %and3A_609, %add3A_614, %scan3A_543 : i32
          %or3A_616 = arith.ori %scan3A_541, %reduce_max3A_568 : i32
          %add3A_617 = arith.addi %scan3A_540, %reduce_sum3A_552 : i32
          scf.yield %add3A_617, %or3A_616, %select_n3A_613, %select_n3A_615 : i32, i32, i32, i32
        }
        %scan3A_448 = arith.constant 16 : i32
        %shift_left3A_449 = arith.constant 7 : i32
        %shift_left3A_450 = arith.shli %scan3A_447#2, %shift_left3A_449 : i32
        %or3A_451 = arith.ori %or3A_365, %shift_left3A_450 : i32
        %sub3A_452 = arith.subi %sub3A_366, %scan3A_447#3 : i32
        %broadcast_in_dim3A_453 = arith.constant 0 : i32
        %broadcast_in_dim3A_454 = vector.broadcast %broadcast_in_dim3A_453 : i32 to vector<16xi32>
        %swap3A_455 = arith.constant 0 : index
        %swap3A_456 = tpu.vector_load %arg11[%swap3A_455] {strides = array<i32>} : memref<256xi32, #tpu.memory_space<vmem>>, vector<16xi32>,
        tpu.vector_store %arg11[%swap3A_455], %broadcast_in_dim3A_454 {strides = array<i32>} : memref<256xi32, #tpu.memory_space<vmem>>, vector<16xi32>,
        %broadcast_in_dim3A_457 = arith.constant 0 : i32
        %broadcast_in_dim3A_458 = vector.broadcast %broadcast_in_dim3A_457 : i32 to vector<16xi32>
        %swap3A_459 = arith.constant 16 : index
        %swap3A_460 = tpu.vector_load %arg11[%swap3A_459] {strides = array<i32>} : memref<256xi32, #tpu.memory_space<vmem>>, vector<16xi32>,
        tpu.vector_store %arg11[%swap3A_459], %broadcast_in_dim3A_458 {strides = array<i32>} : memref<256xi32, #tpu.memory_space<vmem>>, vector<16xi32>,
        %broadcast_in_dim3A_461 = arith.constant 0 : i32
        %broadcast_in_dim3A_462 = vector.broadcast %broadcast_in_dim3A_461 : i32 to vector<16xi32>
        %swap3A_463 = arith.constant 32 : index
        %swap3A_464 = tpu.vector_load %arg11[%swap3A_463] {strides = array<i32>} : memref<256xi32, #tpu.memory_space<vmem>>, vector<16xi32>,
        tpu.vector_store %arg11[%swap3A_463], %broadcast_in_dim3A_462 {strides = array<i32>} : memref<256xi32, #tpu.memory_space<vmem>>, vector<16xi32>,
        %broadcast_in_dim3A_465 = arith.constant 0 : i32
        %broadcast_in_dim3A_466 = vector.broadcast %broadcast_in_dim3A_465 : i32 to vector<16xi32>
        %swap3A_467 = arith.constant 48 : index
        %swap3A_468 = tpu.vector_load %arg11[%swap3A_467] {strides = array<i32>} : memref<256xi32, #tpu.memory_space<vmem>>, vector<16xi32>,
        tpu.vector_store %arg11[%swap3A_467], %broadcast_in_dim3A_466 {strides = array<i32>} : memref<256xi32, #tpu.memory_space<vmem>>, vector<16xi32>,
        %broadcast_in_dim3A_469 = arith.constant 0 : i32
        %broadcast_in_dim3A_470 = vector.broadcast %broadcast_in_dim3A_469 : i32 to vector<16xi32>
        %swap3A_471 = arith.constant 64 : index
        %swap3A_472 = tpu.vector_load %arg11[%swap3A_471] {strides = array<i32>} : memref<256xi32, #tpu.memory_space<vmem>>, vector<16xi32>,
        tpu.vector_store %arg11[%swap3A_471], %broadcast_in_dim3A_470 {strides = array<i32>} : memref<256xi32, #tpu.memory_space<vmem>>, vector<16xi32>,
        %broadcast_in_dim3A_473 = arith.constant 0 : i32
        %broadcast_in_dim3A_474 = vector.broadcast %broadcast_in_dim3A_473 : i32 to vector<16xi32>
        %swap3A_475 = arith.constant 80 : index
        %swap3A_476 = tpu.vector_load %arg11[%swap3A_475] {strides = array<i32>} : memref<256xi32, #tpu.memory_space<vmem>>, vector<16xi32>,
        tpu.vector_store %arg11[%swap3A_475], %broadcast_in_dim3A_474 {strides = array<i32>} : memref<256xi32, #tpu.memory_space<vmem>>, vector<16xi32>,
        %broadcast_in_dim3A_477 = arith.constant 0 : i32
        %broadcast_in_dim3A_478 = vector.broadcast %broadcast_in_dim3A_477 : i32 to vector<16xi32>
        %swap3A_479 = arith.constant 96 : index
        %swap3A_480 = tpu.vector_load %arg11[%swap3A_479] {strides = array<i32>} : memref<256xi32, #tpu.memory_space<vmem>>, vector<16xi32>,
        tpu.vector_store %arg11[%swap3A_479], %broadcast_in_dim3A_478 {strides = array<i32>} : memref<256xi32, #tpu.memory_space<vmem>>, vector<16xi32>,
        %broadcast_in_dim3A_481 = arith.constant 0 : i32
        %broadcast_in_dim3A_482 = vector.broadcast %broadcast_in_dim3A_481 : i32 to vector<16xi32>
        %swap3A_483 = arith.constant 112 : index
        %swap3A_484 = tpu.vector_load %arg11[%swap3A_483] {strides = array<i32>} : memref<256xi32, #tpu.memory_space<vmem>>, vector<16xi32>,
        tpu.vector_store %arg11[%swap3A_483], %broadcast_in_dim3A_482 {strides = array<i32>} : memref<256xi32, #tpu.memory_space<vmem>>, vector<16xi32>,
        %broadcast_in_dim3A_485 = arith.constant 0 : i32
        %broadcast_in_dim3A_486 = vector.broadcast %broadcast_in_dim3A_485 : i32 to vector<16xi32>
        %swap3A_487 = arith.constant 128 : index
        %swap3A_488 = tpu.vector_load %arg11[%swap3A_487] {strides = array<i32>} : memref<256xi32, #tpu.memory_space<vmem>>, vector<16xi32>,
        tpu.vector_store %arg11[%swap3A_487], %broadcast_in_dim3A_486 {strides = array<i32>} : memref<256xi32, #tpu.memory_space<vmem>>, vector<16xi32>,
        %broadcast_in_dim3A_489 = arith.constant 0 : i32
        %broadcast_in_dim3A_490 = vector.broadcast %broadcast_in_dim3A_489 : i32 to vector<16xi32>
        %swap3A_491 = arith.constant 144 : index
        %swap3A_492 = tpu.vector_load %arg11[%swap3A_491] {strides = array<i32>} : memref<256xi32, #tpu.memory_space<vmem>>, vector<16xi32>,
        tpu.vector_store %arg11[%swap3A_491], %broadcast_in_dim3A_490 {strides = array<i32>} : memref<256xi32, #tpu.memory_space<vmem>>, vector<16xi32>,
        %broadcast_in_dim3A_493 = arith.constant 0 : i32
        %broadcast_in_dim3A_494 = vector.broadcast %broadcast_in_dim3A_493 : i32 to vector<16xi32>
        %swap3A_495 = arith.constant 160 : index
        %swap3A_496 = tpu.vector_load %arg11[%swap3A_495] {strides = array<i32>} : memref<256xi32, #tpu.memory_space<vmem>>, vector<16xi32>,
        tpu.vector_store %arg11[%swap3A_495], %broadcast_in_dim3A_494 {strides = array<i32>} : memref<256xi32, #tpu.memory_space<vmem>>, vector<16xi32>,
        %broadcast_in_dim3A_497 = arith.constant 0 : i32
        %broadcast_in_dim3A_498 = vector.broadcast %broadcast_in_dim3A_497 : i32 to vector<16xi32>
        %swap3A_499 = arith.constant 176 : index
        %swap3A_500 = tpu.vector_load %arg11[%swap3A_499] {strides = array<i32>} : memref<256xi32, #tpu.memory_space<vmem>>, vector<16xi32>,
        tpu.vector_store %arg11[%swap3A_499], %broadcast_in_dim3A_498 {strides = array<i32>} : memref<256xi32, #tpu.memory_space<vmem>>, vector<16xi32>,
        %broadcast_in_dim3A_501 = arith.constant 0 : i32
        %broadcast_in_dim3A_502 = vector.broadcast %broadcast_in_dim3A_501 : i32 to vector<16xi32>
        %swap3A_503 = arith.constant 192 : index
        %swap3A_504 = tpu.vector_load %arg11[%swap3A_503] {strides = array<i32>} : memref<256xi32, #tpu.memory_space<vmem>>, vector<16xi32>,
        tpu.vector_store %arg11[%swap3A_503], %broadcast_in_dim3A_502 {strides = array<i32>} : memref<256xi32, #tpu.memory_space<vmem>>, vector<16xi32>,
        %broadcast_in_dim3A_505 = arith.constant 0 : i32
        %broadcast_in_dim3A_506 = vector.broadcast %broadcast_in_dim3A_505 : i32 to vector<16xi32>
        %swap3A_507 = arith.constant 208 : index
        %swap3A_508 = tpu.vector_load %arg11[%swap3A_507] {strides = array<i32>} : memref<256xi32, #tpu.memory_space<vmem>>, vector<16xi32>,
        tpu.vector_store %arg11[%swap3A_507], %broadcast_in_dim3A_506 {strides = array<i32>} : memref<256xi32, #tpu.memory_space<vmem>>, vector<16xi32>,
        %broadcast_in_dim3A_509 = arith.constant 0 : i32
        %broadcast_in_dim3A_510 = vector.broadcast %broadcast_in_dim3A_509 : i32 to vector<16xi32>
        %swap3A_511 = arith.constant 224 : index
        %swap3A_512 = tpu.vector_load %arg11[%swap3A_511] {strides = array<i32>} : memref<256xi32, #tpu.memory_space<vmem>>, vector<16xi32>,
        tpu.vector_store %arg11[%swap3A_511], %broadcast_in_dim3A_510 {strides = array<i32>} : memref<256xi32, #tpu.memory_space<vmem>>, vector<16xi32>,
        %broadcast_in_dim3A_513 = arith.constant 0 : i32
        %broadcast_in_dim3A_514 = vector.broadcast %broadcast_in_dim3A_513 : i32 to vector<16xi32>
        %swap3A_515 = arith.constant 240 : index
        %swap3A_516 = tpu.vector_load %arg11[%swap3A_515] {strides = array<i32>} : memref<256xi32, #tpu.memory_space<vmem>>, vector<16xi32>,
        tpu.vector_store %arg11[%swap3A_515], %broadcast_in_dim3A_514 {strides = array<i32>} : memref<256xi32, #tpu.memory_space<vmem>>, vector<16xi32>,
        %broadcast_in_dim3A_517 = vector.broadcast %or3A_451 : i32 to vector<16xi32>
        %scan3A_518 = arith.constant 0 : i32
        %scan3A_519 = arith.constant 0 : i32
        %scan3A_520 = arith.constant 2048 : i32
        %scan3A_521 = arith.addi %scan3A_519, %scan3A_520 : i32
        %scan3A_522 = arith.constant 1 : i32
        %scan3A_523 = scf.for %scan3A_539 = %scan3A_519 to %scan3A_521 step %scan3A_522 iter_args(%scan3A_540 = %scan3A_518) -> (i32)  : i32 {
          %mul3A_541 = arith.constant 16 : i32
          %mul3A_542 = arith.muli %scan3A_539, %mul3A_541 : i32
          %get3A_543 = arith.index_cast %mul3A_542 : i32 to index
          %get3A_544 = tpu.vector_load %arg10[%get3A_543] {strides = array<i32>} : memref<32768xi32, #tpu.memory_space<vmem>>, vector<16xi32>,
          %and3A_545 = arith.constant 2147483520 : i32
          %and3A_546 = vector.broadcast %and3A_545 : i32 to vector<16xi32>
          %and3A_547 = arith.andi %get3A_544, %and3A_546 : vector<16xi32>
          %eq3A = arith.cmpi eq, %and3A_547, %broadcast_in_dim3A_517 : vector<16xi32>
          %shift_right_arithmetic3A = arith.constant 0 : i32
          %shift_right_arithmetic3A_548 = vector.broadcast %shift_right_arithmetic3A : i32 to vector<16xi32>
          %shift_right_arithmetic3A_549 = arith.shrsi %get3A_544, %shift_right_arithmetic3A_548 : vector<16xi32>
          %and3A_550 = arith.constant 127 : i32
          %and3A_551 = vector.broadcast %and3A_550 : i32 to vector<16xi32>
          %and3A_552 = arith.andi %shift_right_arithmetic3A_549, %and3A_551 : vector<16xi32>
          tpu.vector_store_idx %arg11[%and3A_552], %broadcast_in_dim3A_16 masked %eq3A {add = true} : memref<256xi32, #tpu.memory_space<vmem>>[vector<16xi32>], vector<16xi32>, vector<16xi1>
          %scan3A_553 = arith.constant 0 : i32
          scf.yield %scan3A_553 : i32
        }
        %scan3A_524 = arith.constant 2048 : i32
        %scan3A_525 = arith.constant 0 : i32
        %scan3A_526 = arith.constant 0 : i32
        %scan3A_527 = arith.constant 0 : i32
        %scan3A_528 = arith.constant 0 : i32
        %scan3A_529 = arith.constant 0 : i32
        %scan3A_530 = arith.constant 8 : i32
        %scan3A_531 = arith.addi %scan3A_529, %scan3A_530 : i32
        %scan3A_532 = arith.constant 1 : i32
        %scan3A_533:4 = scf.for %scan3A_539 = %scan3A_529 to %scan3A_531 step %scan3A_532 iter_args(%scan3A_540 = %scan3A_525, %scan3A_541 = %scan3A_526, %scan3A_542 = %scan3A_527, %scan3A_543 = %scan3A_528) -> (i32, i32, i32, i32)  : i32 {
          %mul3A_544 = arith.constant 16 : i32
          %mul3A_545 = arith.muli %scan3A_539, %mul3A_544 : i32
          %get3A_546 = arith.index_cast %mul3A_545 : i32 to index
          %get3A_547 = tpu.vector_load %arg11[%get3A_546] {strides = array<i32>} : memref<256xi32, #tpu.memory_space<vmem>>, vector<16xi32>,
          %broadcast_in_dim3A_548 = arith.constant true
          %broadcast_in_dim3A_549 = vector.broadcast %broadcast_in_dim3A_548 : i1 to vector<16xi1>
          %masked_cumsum3A = tpu.scan <sum>, %get3A_547 masked %broadcast_in_dim3A_549 : vector<16xi32>, vector<16xi1> -> vector<16xi32>
          %reduce_sum3A = arith.constant true
          %reduce_sum3A_550 = vector.broadcast %reduce_sum3A : i1 to vector<16xi1>
          %reduce_sum3A_551 = tpu.scan <sum>, %get3A_547 masked %reduce_sum3A_550 : vector<16xi32>, vector<16xi1> -> vector<16xi32>
          %reduce_sum3A_552 = vector.extract %reduce_sum3A_551[15] : i32 from vector<16xi32>
          %add3A_553 = vector.broadcast %scan3A_540 : i32 to vector<16xi32>
          %add3A_554 = arith.addi %add3A_553, %masked_cumsum3A : vector<16xi32>
          %ge3A_555 = vector.broadcast %sub3A_452 : i32 to vector<16xi32>
          %ge3A_556 = arith.cmpi sge, %add3A_554, %ge3A_555 : vector<16xi32>
          %jit3A_557 = arith.constant 1 : i32
          %jit3A_558 = arith.constant 0 : i32
          %broadcast_in_dim3A_559 = vector.broadcast %jit3A_557 : i32 to vector<16xi32>
          %broadcast_in_dim3A_560 = vector.broadcast %jit3A_558 : i32 to vector<16xi32>
          %select_n3A_561 = arith.select %ge3A_556, %broadcast_in_dim3A_559, %broadcast_in_dim3A_560 : vector<16xi1>, vector<16xi32>
          %reduce_max3A = arith.constant true
          %reduce_max3A_562 = vector.broadcast %reduce_max3A : i1 to vector<16xi1>
          %reduce_max3A_563 = arith.constant -2147483648 : i32
          %reduce_max3A_564 = vector.broadcast %reduce_max3A_563 : i32 to vector<16xi32>
          %reduce_max3A_565 = arith.xori %select_n3A_561, %reduce_max3A_564 : vector<16xi32>
          %reduce_max3A_566 = tpu.scan <max>, %reduce_max3A_565 masked %reduce_max3A_562 : vector<16xi32>, vector<16xi1> -> vector<16xi32>
          %reduce_max3A_567 = arith.xori %reduce_max3A_566, %reduce_max3A_564 : vector<16xi32>
          %reduce_max3A_568 = vector.extract %reduce_max3A_567[15] : i32 from vector<16xi32>
          %jit3A_569 = arith.constant 1 : i32
          %jit3A_570 = arith.constant 0 : i32
          %broadcast_in_dim3A_571 = vector.broadcast %jit3A_569 : i32 to vector<16xi32>
          %broadcast_in_dim3A_572 = vector.broadcast %jit3A_570 : i32 to vector<16xi32>
          %select_n3A_573 = arith.select %ge3A_556, %broadcast_in_dim3A_571, %broadcast_in_dim3A_572 : vector<16xi1>, vector<16xi32>
          %broadcast_in_dim3A_574 = arith.constant true
          %broadcast_in_dim3A_575 = vector.broadcast %broadcast_in_dim3A_574 : i1 to vector<16xi1>
          %masked_cumsum3A_576 = tpu.scan <sum>, %select_n3A_573 masked %broadcast_in_dim3A_575 : vector<16xi32>, vector<16xi1> -> vector<16xi32>
          %eq3A = arith.constant 1 : i32
          %eq3A_577 = vector.broadcast %eq3A : i32 to vector<16xi32>
          %eq3A_578 = arith.cmpi eq, %masked_cumsum3A_576, %eq3A_577 : vector<16xi32>
          %jit3A_579 = arith.constant 0 : i32
          %broadcast_in_dim3A_580 = vector.broadcast %jit3A_579 : i32 to vector<16xi32>
          %select_n3A_581 = arith.select %eq3A_578, %iota3A, %broadcast_in_dim3A_580 : vector<16xi1>, vector<16xi32>
          %reduce_sum3A_582 = arith.constant true
          %reduce_sum3A_583 = vector.broadcast %reduce_sum3A_582 : i1 to vector<16xi1>
          %reduce_sum3A_584 = tpu.scan <sum>, %select_n3A_581 masked %reduce_sum3A_583 : vector<16xi32>, vector<16xi1> -> vector<16xi32>
          %reduce_sum3A_585 = vector.extract %reduce_sum3A_584[15] : i32 from vector<16xi32>
          %jit3A_586 = arith.constant 1 : i32
          %jit3A_587 = arith.constant 0 : i32
          %broadcast_in_dim3A_588 = vector.broadcast %jit3A_586 : i32 to vector<16xi32>
          %broadcast_in_dim3A_589 = vector.broadcast %jit3A_587 : i32 to vector<16xi32>
          %select_n3A_590 = arith.select %ge3A_556, %broadcast_in_dim3A_588, %broadcast_in_dim3A_589 : vector<16xi1>, vector<16xi32>
          %broadcast_in_dim3A_591 = arith.constant true
          %broadcast_in_dim3A_592 = vector.broadcast %broadcast_in_dim3A_591 : i1 to vector<16xi1>
          %masked_cumsum3A_593 = tpu.scan <sum>, %select_n3A_590 masked %broadcast_in_dim3A_592 : vector<16xi32>, vector<16xi1> -> vector<16xi32>
          %eq3A_594 = arith.constant 1 : i32
          %eq3A_595 = vector.broadcast %eq3A_594 : i32 to vector<16xi32>
          %eq3A_596 = arith.cmpi eq, %masked_cumsum3A_593, %eq3A_595 : vector<16xi32>
          %sub3A_597 = arith.subi %masked_cumsum3A, %get3A_547 : vector<16xi32>
          %jit3A_598 = arith.constant 0 : i32
          %broadcast_in_dim3A_599 = vector.broadcast %jit3A_598 : i32 to vector<16xi32>
          %select_n3A_600 = arith.select %eq3A_596, %sub3A_597, %broadcast_in_dim3A_599 : vector<16xi1>, vector<16xi32>
          %reduce_sum3A_601 = arith.constant true
          %reduce_sum3A_602 = vector.broadcast %reduce_sum3A_601 : i1 to vector<16xi1>
          %reduce_sum3A_603 = tpu.scan <sum>, %select_n3A_600 masked %reduce_sum3A_602 : vector<16xi32>, vector<16xi1> -> vector<16xi32>
          %reduce_sum3A_604 = vector.extract %reduce_sum3A_603[15] : i32 from vector<16xi32>
          %eq3A_605 = arith.constant 0 : i32
          %eq3A_606 = arith.cmpi eq, %scan3A_541, %eq3A_605 : i32
          %eq3A_607 = arith.constant 1 : i32
          %eq3A_608 = arith.cmpi eq, %reduce_max3A_568, %eq3A_607 : i32
          %and3A_609 = arith.andi %eq3A_606, %eq3A_608 : i1
          %mul3A_610 = arith.constant 16 : i32
          %mul3A_611 = arith.muli %scan3A_539, %mul3A_610 : i32
          %add3A_612 = arith.addi %mul3A_611, %reduce_sum3A_585 : i32
          %select_n3A_613 = arith.select %and3A_609, %add3A_612, %scan3A_542 : i32
          %add3A_614 = arith.addi %scan3A_540, %reduce_sum3A_604 : i32
          %select_n3A_615 = arith.select %and3A_609, %add3A_614, %scan3A_543 : i32
          %or3A_616 = arith.ori %scan3A_541, %reduce_max3A_568 : i32
          %add3A_617 = arith.addi %scan3A_540, %reduce_sum3A_552 : i32
          scf.yield %add3A_617, %or3A_616, %select_n3A_613, %select_n3A_615 : i32, i32, i32, i32
        }
        %scan3A_534 = arith.constant 8 : i32
        %shift_left3A_535 = arith.constant 0 : i32
        %shift_left3A_536 = arith.shli %scan3A_533#2, %shift_left3A_535 : i32
        %or3A_537 = arith.ori %or3A_451, %shift_left3A_536 : i32
        %sub3A_538 = arith.subi %sub3A_452, %scan3A_533#3 : i32
        scf.yield %or3A_537, %sub3A_538 : i32, i32
      }
      %sub3A = arith.constant 1024 : i32
      %sub3A_22 = arith.subi %sub3A, %cond3A_21#1 : i32
      %broadcast_in_dim3A_23 = vector.broadcast %cond3A_21#0 : i32 to vector<16xi32>
      %mul3A_24 = arith.constant 32768 : i32
      %mul3A_25 = arith.muli %add3A, %mul3A_24 : i32
      %scan3A_26 = arith.constant 0 : i32
      %scan3A_27 = arith.constant 0 : i32
      %scan3A_28 = arith.constant 0 : i32
      %scan3A_29 = arith.constant 2048 : i32
      %scan3A_30 = arith.addi %scan3A_28, %scan3A_29 : i32
      %scan3A_31 = arith.constant 1 : i32
      %scan3A_32:2 = scf.for %scan3A_194 = %scan3A_28 to %scan3A_30 step %scan3A_31 iter_args(%scan3A_195 = %scan3A_26, %scan3A_196 = %scan3A_27) -> (i32, i32)  : i32 {
        %mul3A_197 = arith.constant 16 : i32
        %mul3A_198 = arith.muli %scan3A_194, %mul3A_197 : i32
        %get3A_199 = arith.index_cast %mul3A_198 : i32 to index
        %get3A_200 = tpu.vector_load %arg10[%get3A_199] {strides = array<i32>} : memref<32768xi32, #tpu.memory_space<vmem>>, vector<16xi32>,
        %lt3A_201 = arith.cmpi slt, %get3A_200, %broadcast_in_dim3A_23 : vector<16xi32>
        %eq3A = arith.cmpi eq, %get3A_200, %broadcast_in_dim3A_23 : vector<16xi32>
        %jit3A_202 = arith.constant 1 : i32
        %jit3A_203 = arith.constant 0 : i32
        %broadcast_in_dim3A_204 = vector.broadcast %jit3A_202 : i32 to vector<16xi32>
        %broadcast_in_dim3A_205 = vector.broadcast %jit3A_203 : i32 to vector<16xi32>
        %select_n3A_206 = arith.select %lt3A_201, %broadcast_in_dim3A_204, %broadcast_in_dim3A_205 : vector<16xi1>, vector<16xi32>
        %jit3A_207 = arith.constant 1 : i32
        %jit3A_208 = arith.constant 0 : i32
        %broadcast_in_dim3A_209 = vector.broadcast %jit3A_207 : i32 to vector<16xi32>
        %broadcast_in_dim3A_210 = vector.broadcast %jit3A_208 : i32 to vector<16xi32>
        %select_n3A_211 = arith.select %eq3A, %broadcast_in_dim3A_209, %broadcast_in_dim3A_210 : vector<16xi1>, vector<16xi32>
        %broadcast_in_dim3A_212 = arith.constant true
        %broadcast_in_dim3A_213 = vector.broadcast %broadcast_in_dim3A_212 : i1 to vector<16xi1>
        %masked_cumsum3A = tpu.scan <sum>, %select_n3A_206 masked %broadcast_in_dim3A_213 : vector<16xi32>, vector<16xi1> -> vector<16xi32>
        %sub3A_214 = arith.subi %masked_cumsum3A, %select_n3A_206 : vector<16xi32>
        %broadcast_in_dim3A_215 = arith.constant true
        %broadcast_in_dim3A_216 = vector.broadcast %broadcast_in_dim3A_215 : i1 to vector<16xi1>
        %masked_cumsum3A_217 = tpu.scan <sum>, %select_n3A_211 masked %broadcast_in_dim3A_216 : vector<16xi32>, vector<16xi1> -> vector<16xi32>
        %sub3A_218 = arith.subi %masked_cumsum3A_217, %select_n3A_211 : vector<16xi32>
        %mul3A_219 = arith.constant 16 : i32
        %mul3A_220 = arith.muli %scan3A_194, %mul3A_219 : i32
        %add3A_221 = arith.addi %mul3A_25, %mul3A_220 : i32
        %add3A_222 = vector.broadcast %add3A_221 : i32 to vector<16xi32>
        %add3A_223 = arith.addi %add3A_222, %iota3A : vector<16xi32>
        %add3A_224 = arith.addi %sub3A_22, %scan3A_196 : i32
        %add3A_225 = vector.broadcast %add3A_224 : i32 to vector<16xi32>
        %add3A_226 = arith.addi %add3A_225, %sub3A_218 : vector<16xi32>
        %lt3A_227 = arith.constant 1024 : i32
        %lt3A_228 = vector.broadcast %lt3A_227 : i32 to vector<16xi32>
        %lt3A_229 = arith.cmpi slt, %add3A_226, %lt3A_228 : vector<16xi32>
        %and3A_230 = arith.andi %eq3A, %lt3A_229 : vector<16xi1>
        %shift_right_arithmetic3A = arith.constant 7 : i32
        %shift_right_arithmetic3A_231 = vector.broadcast %shift_right_arithmetic3A : i32 to vector<16xi32>
        %shift_right_arithmetic3A_232 = arith.shrsi %add3A_226, %shift_right_arithmetic3A_231 : vector<16xi32>
        %min3A = arith.constant 7 : i32
        %min3A_233 = vector.broadcast %min3A : i32 to vector<16xi32>
        %min3A_234 = arith.minsi %shift_right_arithmetic3A_232, %min3A_233 : vector<16xi32>
        %and3A_235 = arith.constant 127 : i32
        %and3A_236 = vector.broadcast %and3A_235 : i32 to vector<16xi32>
        %and3A_237 = arith.andi %add3A_226, %and3A_236 : vector<16xi32>
        tpu.vector_store_idx %arg12[%min3A_234, %and3A_237], %add3A_223 masked %and3A_230 : memref<8x128xi32, #tpu.memory_space<vmem>>[vector<16xi32>, vector<16xi32>], vector<16xi32>, vector<16xi1>
        %add3A_238 = vector.broadcast %scan3A_195 : i32 to vector<16xi32>
        %add3A_239 = arith.addi %add3A_238, %sub3A_214 : vector<16xi32>
        %min3A_240 = arith.constant 1023 : i32
        %min3A_241 = vector.broadcast %min3A_240 : i32 to vector<16xi32>
        %min3A_242 = arith.minsi %add3A_239, %min3A_241 : vector<16xi32>
        tpu.vector_store_idx %arg13[%min3A_242], %get3A_200 masked %lt3A_201 : memref<1024xi32, #tpu.memory_space<vmem>>[vector<16xi32>], vector<16xi32>, vector<16xi1>
        tpu.vector_store_idx %arg14[%min3A_242], %add3A_223 masked %lt3A_201 : memref<1024xi32, #tpu.memory_space<vmem>>[vector<16xi32>], vector<16xi32>, vector<16xi1>
        %reduce_sum3A = arith.constant true
        %reduce_sum3A_243 = vector.broadcast %reduce_sum3A : i1 to vector<16xi1>
        %reduce_sum3A_244 = tpu.scan <sum>, %select_n3A_206 masked %reduce_sum3A_243 : vector<16xi32>, vector<16xi1> -> vector<16xi32>
        %reduce_sum3A_245 = vector.extract %reduce_sum3A_244[15] : i32 from vector<16xi32>
        %add3A_246 = arith.addi %scan3A_195, %reduce_sum3A_245 : i32
        %reduce_sum3A_247 = arith.constant true
        %reduce_sum3A_248 = vector.broadcast %reduce_sum3A_247 : i1 to vector<16xi1>
        %reduce_sum3A_249 = tpu.scan <sum>, %select_n3A_211 masked %reduce_sum3A_248 : vector<16xi32>, vector<16xi1> -> vector<16xi32>
        %reduce_sum3A_250 = vector.extract %reduce_sum3A_249[15] : i32 from vector<16xi32>
        %add3A_251 = arith.addi %scan3A_196, %reduce_sum3A_250 : i32
        scf.yield %add3A_246, %add3A_251 : i32, i32
      }
      %scan3A_33 = arith.constant 2048 : i32
      %add3A_34 = arith.constant 16 : i32
      %add3A_35 = arith.addi %sub3A_22, %add3A_34 : i32
      %sub3A_36 = arith.constant 1 : i32
      %sub3A_37 = arith.subi %add3A_35, %sub3A_36 : i32
      %jit3A = arith.constant 16 : i32
      %div3A = arith.divsi %sub3A_37, %jit3A : i32
      %sign3A = arith.constant 0 : i32
      %sign3A_38 = arith.cmpi sgt, %sub3A_37, %sign3A : i32
      %sign3A_39 = arith.extui %sign3A_38 : i1 to i32
      %sign3A_40 = arith.constant 0 : i32
      %sign3A_41 = arith.cmpi slt, %sub3A_37, %sign3A_40 : i32
      %sign3A_42 = arith.extui %sign3A_41 : i1 to i32
      %sign3A_43 = arith.subi %sign3A_39, %sign3A_42 : i32
      %sign3A_44 = arith.constant 0 : i32
      %sign3A_45 = arith.cmpi sgt, %jit3A, %sign3A_44 : i32
      %sign3A_46 = arith.extui %sign3A_45 : i1 to i32
      %sign3A_47 = arith.constant 0 : i32
      %sign3A_48 = arith.cmpi slt, %jit3A, %sign3A_47 : i32
      %sign3A_49 = arith.extui %sign3A_48 : i1 to i32
      %sign3A_50 = arith.subi %sign3A_46, %sign3A_49 : i32
      %ne3A = arith.cmpi ne, %sign3A_43, %sign3A_50 : i32
      %rem3A = arith.remsi %sub3A_37, %jit3A : i32
      %ne3A_51 = arith.constant 0 : i32
      %ne3A_52 = arith.cmpi ne, %rem3A, %ne3A_51 : i32
      %and3A = arith.andi %ne3A, %ne3A_52 : i1
      %sub3A_53 = arith.constant 1 : i32
      %sub3A_54 = arith.subi %div3A, %sub3A_53 : i32
      %select_n3A = arith.select %and3A, %sub3A_54, %div3A : i32
      %while3A = arith.constant 0 : i32
      %while3A_55 = arith.constant 0 : i32
      %while3A_56 = arith.subi %sub3A_22, %while3A : i32
      %while3A_57 = arith.addi %while3A, %while3A_56 : i32
      %while3A_58 = arith.constant 1 : i32
      %while3A_59 = arith.divsi %while3A_56, %while3A_58 : i32
      %while3A_60 = arith.muli %while3A_59, %while3A_58 : i32
      %while3A_61 = arith.addi %while3A, %while3A_60 : i32
      %while3A_62 = arith.constant 1 : i32
      %while3A_63 = scf.for %while3A_194 = %while3A to %while3A_61 step %while3A_62 iter_args(%while3A_195 = %while3A_55) -> (i32)  : i32 {
        %shift_right_arithmetic3A = arith.constant 4 : i32
        %shift_right_arithmetic3A_196 = arith.shrsi %while3A_194, %shift_right_arithmetic3A : i32
        %and3A_197 = arith.constant 15 : i32
        %and3A_198 = arith.andi %while3A_194, %and3A_197 : i32
        %mul3A_199 = arith.constant 16 : i32
        %mul3A_200 = arith.muli %shift_right_arithmetic3A_196, %mul3A_199 : i32
        %get3A_201 = arith.index_cast %mul3A_200 : i32 to index
        %get3A_202 = tpu.vector_load %arg13[%get3A_201] {strides = array<i32>} : memref<1024xi32, #tpu.memory_space<vmem>>, vector<16xi32>,
        %mul3A_203 = arith.constant 16 : i32
        %mul3A_204 = arith.muli %shift_right_arithmetic3A_196, %mul3A_203 : i32
        %get3A_205 = arith.index_cast %mul3A_204 : i32 to index
        %get3A_206 = tpu.vector_load %arg14[%get3A_205] {strides = array<i32>} : memref<1024xi32, #tpu.memory_space<vmem>>, vector<16xi32>,
        %eq3A = vector.broadcast %and3A_198 : i32 to vector<16xi32>
        %eq3A_207 = arith.cmpi eq, %iota3A, %eq3A : vector<16xi32>
        %jit3A_208 = arith.constant 0 : i32
        %broadcast_in_dim3A_209 = vector.broadcast %jit3A_208 : i32 to vector<16xi32>
        %select_n3A_210 = arith.select %eq3A_207, %get3A_202, %broadcast_in_dim3A_209 : vector<16xi1>, vector<16xi32>
        %reduce_sum3A = arith.constant true
        %reduce_sum3A_211 = vector.broadcast %reduce_sum3A : i1 to vector<16xi1>
        %reduce_sum3A_212 = tpu.scan <sum>, %select_n3A_210 masked %reduce_sum3A_211 : vector<16xi32>, vector<16xi1> -> vector<16xi32>
        %reduce_sum3A_213 = vector.extract %reduce_sum3A_212[15] : i32 from vector<16xi32>
        %eq3A_214 = vector.broadcast %and3A_198 : i32 to vector<16xi32>
        %eq3A_215 = arith.cmpi eq, %iota3A, %eq3A_214 : vector<16xi32>
        %jit3A_216 = arith.constant 0 : i32
        %broadcast_in_dim3A_217 = vector.broadcast %jit3A_216 : i32 to vector<16xi32>
        %select_n3A_218 = arith.select %eq3A_215, %get3A_206, %broadcast_in_dim3A_217 : vector<16xi1>, vector<16xi32>
        %reduce_sum3A_219 = arith.constant true
        %reduce_sum3A_220 = vector.broadcast %reduce_sum3A_219 : i1 to vector<16xi1>
        %reduce_sum3A_221 = tpu.scan <sum>, %select_n3A_218 masked %reduce_sum3A_220 : vector<16xi32>, vector<16xi1> -> vector<16xi32>
        %reduce_sum3A_222 = vector.extract %reduce_sum3A_221[15] : i32 from vector<16xi32>
        %broadcast_in_dim3A_223 = vector.broadcast %reduce_sum3A_213 : i32 to vector<16xi32>
        %broadcast_in_dim3A_224 = vector.broadcast %reduce_sum3A_222 : i32 to vector<16xi32>
        %while3A_225 = arith.constant 0 : i32
        %while3A_226 = arith.constant 0 : i32
        %while3A_227 = arith.subi %select_n3A, %while3A_225 : i32
        %while3A_228 = arith.addi %while3A_225, %while3A_227 : i32
        %while3A_229 = arith.constant 1 : i32
        %while3A_230 = arith.divsi %while3A_227, %while3A_229 : i32
        %while3A_231 = arith.muli %while3A_230, %while3A_229 : i32
        %while3A_232 = arith.addi %while3A_225, %while3A_231 : i32
        %while3A_233 = arith.constant 1 : i32
        %while3A_234 = scf.for %while3A_249 = %while3A_225 to %while3A_232 step %while3A_233 iter_args(%while3A_250 = %while3A_226) -> (i32)  : i32 {
          %mul3A_251 = arith.constant 16 : i32
          %mul3A_252 = arith.muli %while3A_249, %mul3A_251 : i32
          %get3A_253 = arith.index_cast %mul3A_252 : i32 to index
          %get3A_254 = tpu.vector_load %arg13[%get3A_253] {strides = array<i32>} : memref<1024xi32, #tpu.memory_space<vmem>>, vector<16xi32>,
          %mul3A_255 = arith.constant 16 : i32
          %mul3A_256 = arith.muli %while3A_249, %mul3A_255 : i32
          %get3A_257 = arith.index_cast %mul3A_256 : i32 to index
          %get3A_258 = tpu.vector_load %arg14[%get3A_257] {strides = array<i32>} : memref<1024xi32, #tpu.memory_space<vmem>>, vector<16xi32>,
          %mul3A_259 = arith.constant 16 : i32
          %mul3A_260 = arith.muli %while3A_249, %mul3A_259 : i32
          %add3A_261 = vector.broadcast %mul3A_260 : i32 to vector<16xi32>
          %add3A_262 = arith.addi %add3A_261, %iota3A : vector<16xi32>
          %lt3A_263 = vector.broadcast %sub3A_22 : i32 to vector<16xi32>
          %lt3A_264 = arith.cmpi slt, %add3A_262, %lt3A_263 : vector<16xi32>
          %lt3A_265 = arith.cmpi slt, %get3A_254, %broadcast_in_dim3A_223 : vector<16xi32>
          %eq3A_266 = arith.cmpi eq, %get3A_254, %broadcast_in_dim3A_223 : vector<16xi32>
          %lt3A_267 = arith.cmpi slt, %get3A_258, %broadcast_in_dim3A_224 : vector<16xi32>
          %and3A_268 = arith.andi %eq3A_266, %lt3A_267 : vector<16xi1>
          %or3A = arith.ori %lt3A_265, %and3A_268 : vector<16xi1>
          %and3A_269 = arith.andi %lt3A_264, %or3A : vector<16xi1>
          %jit3A_270 = arith.constant 1 : i32
          %jit3A_271 = arith.constant 0 : i32
          %broadcast_in_dim3A_272 = vector.broadcast %jit3A_270 : i32 to vector<16xi32>
          %broadcast_in_dim3A_273 = vector.broadcast %jit3A_271 : i32 to vector<16xi32>
          %select_n3A_274 = arith.select %and3A_269, %broadcast_in_dim3A_272, %broadcast_in_dim3A_273 : vector<16xi1>, vector<16xi32>
          %reduce_sum3A_275 = arith.constant true
          %reduce_sum3A_276 = vector.broadcast %reduce_sum3A_275 : i1 to vector<16xi1>
          %reduce_sum3A_277 = tpu.scan <sum>, %select_n3A_274 masked %reduce_sum3A_276 : vector<16xi32>, vector<16xi1> -> vector<16xi32>
          %reduce_sum3A_278 = vector.extract %reduce_sum3A_277[15] : i32 from vector<16xi32>
          %add3A_279 = arith.addi %while3A_250, %reduce_sum3A_278 : i32
          scf.yield %add3A_279 : i32
        }
        %while3A_235 = arith.constant 1 : i32
        %while3A_236 = scf.for %while3A_249 = %while3A_232 to %while3A_228 step %while3A_235 iter_args(%while3A_250 = %while3A_234) -> (i32)  : i32 {
          %mul3A_251 = arith.constant 16 : i32
          %mul3A_252 = arith.muli %while3A_249, %mul3A_251 : i32
          %get3A_253 = arith.index_cast %mul3A_252 : i32 to index
          %get3A_254 = tpu.vector_load %arg13[%get3A_253] {strides = array<i32>} : memref<1024xi32, #tpu.memory_space<vmem>>, vector<16xi32>,
          %mul3A_255 = arith.constant 16 : i32
          %mul3A_256 = arith.muli %while3A_249, %mul3A_255 : i32
          %get3A_257 = arith.index_cast %mul3A_256 : i32 to index
          %get3A_258 = tpu.vector_load %arg14[%get3A_257] {strides = array<i32>} : memref<1024xi32, #tpu.memory_space<vmem>>, vector<16xi32>,
          %mul3A_259 = arith.constant 16 : i32
          %mul3A_260 = arith.muli %while3A_249, %mul3A_259 : i32
          %add3A_261 = vector.broadcast %mul3A_260 : i32 to vector<16xi32>
          %add3A_262 = arith.addi %add3A_261, %iota3A : vector<16xi32>
          %lt3A_263 = vector.broadcast %sub3A_22 : i32 to vector<16xi32>
          %lt3A_264 = arith.cmpi slt, %add3A_262, %lt3A_263 : vector<16xi32>
          %lt3A_265 = arith.cmpi slt, %get3A_254, %broadcast_in_dim3A_223 : vector<16xi32>
          %eq3A_266 = arith.cmpi eq, %get3A_254, %broadcast_in_dim3A_223 : vector<16xi32>
          %lt3A_267 = arith.cmpi slt, %get3A_258, %broadcast_in_dim3A_224 : vector<16xi32>
          %and3A_268 = arith.andi %eq3A_266, %lt3A_267 : vector<16xi1>
          %or3A = arith.ori %lt3A_265, %and3A_268 : vector<16xi1>
          %and3A_269 = arith.andi %lt3A_264, %or3A : vector<16xi1>
          %jit3A_270 = arith.constant 1 : i32
          %jit3A_271 = arith.constant 0 : i32
          %broadcast_in_dim3A_272 = vector.broadcast %jit3A_270 : i32 to vector<16xi32>
          %broadcast_in_dim3A_273 = vector.broadcast %jit3A_271 : i32 to vector<16xi32>
          %select_n3A_274 = arith.select %and3A_269, %broadcast_in_dim3A_272, %broadcast_in_dim3A_273 : vector<16xi1>, vector<16xi32>
          %reduce_sum3A_275 = arith.constant true
          %reduce_sum3A_276 = vector.broadcast %reduce_sum3A_275 : i1 to vector<16xi1>
          %reduce_sum3A_277 = tpu.scan <sum>, %select_n3A_274 masked %reduce_sum3A_276 : vector<16xi32>, vector<16xi1> -> vector<16xi32>
          %reduce_sum3A_278 = vector.extract %reduce_sum3A_277[15] : i32 from vector<16xi32>
          %add3A_279 = arith.addi %while3A_250, %reduce_sum3A_278 : i32
          scf.yield %add3A_279 : i32
        }
        %shift_right_arithmetic3A_237 = arith.constant 7 : i32
        %shift_right_arithmetic3A_238 = arith.shrsi %while3A_236, %shift_right_arithmetic3A_237 : i32
        %broadcast_in_dim3A_239 = vector.broadcast %shift_right_arithmetic3A_238 : i32 to vector<16xi32>
        %min3A = arith.constant 7 : i32
        %min3A_240 = vector.broadcast %min3A : i32 to vector<16xi32>
        %min3A_241 = arith.minsi %broadcast_in_dim3A_239, %min3A_240 : vector<16xi32>
        %and3A_242 = arith.constant 127 : i32
        %and3A_243 = arith.andi %while3A_236, %and3A_242 : i32
        %broadcast_in_dim3A_244 = vector.broadcast %and3A_243 : i32 to vector<16xi32>
        %eq3A_245 = arith.constant 0 : i32
        %eq3A_246 = vector.broadcast %eq3A_245 : i32 to vector<16xi32>
        %eq3A_247 = arith.cmpi eq, %iota3A, %eq3A_246 : vector<16xi32>
        tpu.vector_store_idx %arg12[%min3A_241, %broadcast_in_dim3A_244], %broadcast_in_dim3A_224 masked %eq3A_247 : memref<8x128xi32, #tpu.memory_space<vmem>>[vector<16xi32>, vector<16xi32>], vector<16xi32>, vector<16xi1>
        %while3A_248 = arith.constant 0 : i32
        scf.yield %while3A_248 : i32
      }
      %while3A_64 = arith.constant 1 : i32
      %while3A_65 = scf.for %while3A_194 = %while3A_61 to %while3A_57 step %while3A_64 iter_args(%while3A_195 = %while3A_63) -> (i32)  : i32 {
        %shift_right_arithmetic3A = arith.constant 4 : i32
        %shift_right_arithmetic3A_196 = arith.shrsi %while3A_194, %shift_right_arithmetic3A : i32
        %and3A_197 = arith.constant 15 : i32
        %and3A_198 = arith.andi %while3A_194, %and3A_197 : i32
        %mul3A_199 = arith.constant 16 : i32
        %mul3A_200 = arith.muli %shift_right_arithmetic3A_196, %mul3A_199 : i32
        %get3A_201 = arith.index_cast %mul3A_200 : i32 to index
        %get3A_202 = tpu.vector_load %arg13[%get3A_201] {strides = array<i32>} : memref<1024xi32, #tpu.memory_space<vmem>>, vector<16xi32>,
        %mul3A_203 = arith.constant 16 : i32
        %mul3A_204 = arith.muli %shift_right_arithmetic3A_196, %mul3A_203 : i32
        %get3A_205 = arith.index_cast %mul3A_204 : i32 to index
        %get3A_206 = tpu.vector_load %arg14[%get3A_205] {strides = array<i32>} : memref<1024xi32, #tpu.memory_space<vmem>>, vector<16xi32>,
        %eq3A = vector.broadcast %and3A_198 : i32 to vector<16xi32>
        %eq3A_207 = arith.cmpi eq, %iota3A, %eq3A : vector<16xi32>
        %jit3A_208 = arith.constant 0 : i32
        %broadcast_in_dim3A_209 = vector.broadcast %jit3A_208 : i32 to vector<16xi32>
        %select_n3A_210 = arith.select %eq3A_207, %get3A_202, %broadcast_in_dim3A_209 : vector<16xi1>, vector<16xi32>
        %reduce_sum3A = arith.constant true
        %reduce_sum3A_211 = vector.broadcast %reduce_sum3A : i1 to vector<16xi1>
        %reduce_sum3A_212 = tpu.scan <sum>, %select_n3A_210 masked %reduce_sum3A_211 : vector<16xi32>, vector<16xi1> -> vector<16xi32>
        %reduce_sum3A_213 = vector.extract %reduce_sum3A_212[15] : i32 from vector<16xi32>
        %eq3A_214 = vector.broadcast %and3A_198 : i32 to vector<16xi32>
        %eq3A_215 = arith.cmpi eq, %iota3A, %eq3A_214 : vector<16xi32>
        %jit3A_216 = arith.constant 0 : i32
        %broadcast_in_dim3A_217 = vector.broadcast %jit3A_216 : i32 to vector<16xi32>
        %select_n3A_218 = arith.select %eq3A_215, %get3A_206, %broadcast_in_dim3A_217 : vector<16xi1>, vector<16xi32>
        %reduce_sum3A_219 = arith.constant true
        %reduce_sum3A_220 = vector.broadcast %reduce_sum3A_219 : i1 to vector<16xi1>
        %reduce_sum3A_221 = tpu.scan <sum>, %select_n3A_218 masked %reduce_sum3A_220 : vector<16xi32>, vector<16xi1> -> vector<16xi32>
        %reduce_sum3A_222 = vector.extract %reduce_sum3A_221[15] : i32 from vector<16xi32>
        %broadcast_in_dim3A_223 = vector.broadcast %reduce_sum3A_213 : i32 to vector<16xi32>
        %broadcast_in_dim3A_224 = vector.broadcast %reduce_sum3A_222 : i32 to vector<16xi32>
        %while3A_225 = arith.constant 0 : i32
        %while3A_226 = arith.constant 0 : i32
        %while3A_227 = arith.subi %select_n3A, %while3A_225 : i32
        %while3A_228 = arith.addi %while3A_225, %while3A_227 : i32
        %while3A_229 = arith.constant 1 : i32
        %while3A_230 = arith.divsi %while3A_227, %while3A_229 : i32
        %while3A_231 = arith.muli %while3A_230, %while3A_229 : i32
        %while3A_232 = arith.addi %while3A_225, %while3A_231 : i32
        %while3A_233 = arith.constant 1 : i32
        %while3A_234 = scf.for %while3A_249 = %while3A_225 to %while3A_232 step %while3A_233 iter_args(%while3A_250 = %while3A_226) -> (i32)  : i32 {
          %mul3A_251 = arith.constant 16 : i32
          %mul3A_252 = arith.muli %while3A_249, %mul3A_251 : i32
          %get3A_253 = arith.index_cast %mul3A_252 : i32 to index
          %get3A_254 = tpu.vector_load %arg13[%get3A_253] {strides = array<i32>} : memref<1024xi32, #tpu.memory_space<vmem>>, vector<16xi32>,
          %mul3A_255 = arith.constant 16 : i32
          %mul3A_256 = arith.muli %while3A_249, %mul3A_255 : i32
          %get3A_257 = arith.index_cast %mul3A_256 : i32 to index
          %get3A_258 = tpu.vector_load %arg14[%get3A_257] {strides = array<i32>} : memref<1024xi32, #tpu.memory_space<vmem>>, vector<16xi32>,
          %mul3A_259 = arith.constant 16 : i32
          %mul3A_260 = arith.muli %while3A_249, %mul3A_259 : i32
          %add3A_261 = vector.broadcast %mul3A_260 : i32 to vector<16xi32>
          %add3A_262 = arith.addi %add3A_261, %iota3A : vector<16xi32>
          %lt3A_263 = vector.broadcast %sub3A_22 : i32 to vector<16xi32>
          %lt3A_264 = arith.cmpi slt, %add3A_262, %lt3A_263 : vector<16xi32>
          %lt3A_265 = arith.cmpi slt, %get3A_254, %broadcast_in_dim3A_223 : vector<16xi32>
          %eq3A_266 = arith.cmpi eq, %get3A_254, %broadcast_in_dim3A_223 : vector<16xi32>
          %lt3A_267 = arith.cmpi slt, %get3A_258, %broadcast_in_dim3A_224 : vector<16xi32>
          %and3A_268 = arith.andi %eq3A_266, %lt3A_267 : vector<16xi1>
          %or3A = arith.ori %lt3A_265, %and3A_268 : vector<16xi1>
          %and3A_269 = arith.andi %lt3A_264, %or3A : vector<16xi1>
          %jit3A_270 = arith.constant 1 : i32
          %jit3A_271 = arith.constant 0 : i32
          %broadcast_in_dim3A_272 = vector.broadcast %jit3A_270 : i32 to vector<16xi32>
          %broadcast_in_dim3A_273 = vector.broadcast %jit3A_271 : i32 to vector<16xi32>
          %select_n3A_274 = arith.select %and3A_269, %broadcast_in_dim3A_272, %broadcast_in_dim3A_273 : vector<16xi1>, vector<16xi32>
          %reduce_sum3A_275 = arith.constant true
          %reduce_sum3A_276 = vector.broadcast %reduce_sum3A_275 : i1 to vector<16xi1>
          %reduce_sum3A_277 = tpu.scan <sum>, %select_n3A_274 masked %reduce_sum3A_276 : vector<16xi32>, vector<16xi1> -> vector<16xi32>
          %reduce_sum3A_278 = vector.extract %reduce_sum3A_277[15] : i32 from vector<16xi32>
          %add3A_279 = arith.addi %while3A_250, %reduce_sum3A_278 : i32
          scf.yield %add3A_279 : i32
        }
        %while3A_235 = arith.constant 1 : i32
        %while3A_236 = scf.for %while3A_249 = %while3A_232 to %while3A_228 step %while3A_235 iter_args(%while3A_250 = %while3A_234) -> (i32)  : i32 {
          %mul3A_251 = arith.constant 16 : i32
          %mul3A_252 = arith.muli %while3A_249, %mul3A_251 : i32
          %get3A_253 = arith.index_cast %mul3A_252 : i32 to index
          %get3A_254 = tpu.vector_load %arg13[%get3A_253] {strides = array<i32>} : memref<1024xi32, #tpu.memory_space<vmem>>, vector<16xi32>,
          %mul3A_255 = arith.constant 16 : i32
          %mul3A_256 = arith.muli %while3A_249, %mul3A_255 : i32
          %get3A_257 = arith.index_cast %mul3A_256 : i32 to index
          %get3A_258 = tpu.vector_load %arg14[%get3A_257] {strides = array<i32>} : memref<1024xi32, #tpu.memory_space<vmem>>, vector<16xi32>,
          %mul3A_259 = arith.constant 16 : i32
          %mul3A_260 = arith.muli %while3A_249, %mul3A_259 : i32
          %add3A_261 = vector.broadcast %mul3A_260 : i32 to vector<16xi32>
          %add3A_262 = arith.addi %add3A_261, %iota3A : vector<16xi32>
          %lt3A_263 = vector.broadcast %sub3A_22 : i32 to vector<16xi32>
          %lt3A_264 = arith.cmpi slt, %add3A_262, %lt3A_263 : vector<16xi32>
          %lt3A_265 = arith.cmpi slt, %get3A_254, %broadcast_in_dim3A_223 : vector<16xi32>
          %eq3A_266 = arith.cmpi eq, %get3A_254, %broadcast_in_dim3A_223 : vector<16xi32>
          %lt3A_267 = arith.cmpi slt, %get3A_258, %broadcast_in_dim3A_224 : vector<16xi32>
          %and3A_268 = arith.andi %eq3A_266, %lt3A_267 : vector<16xi1>
          %or3A = arith.ori %lt3A_265, %and3A_268 : vector<16xi1>
          %and3A_269 = arith.andi %lt3A_264, %or3A : vector<16xi1>
          %jit3A_270 = arith.constant 1 : i32
          %jit3A_271 = arith.constant 0 : i32
          %broadcast_in_dim3A_272 = vector.broadcast %jit3A_270 : i32 to vector<16xi32>
          %broadcast_in_dim3A_273 = vector.broadcast %jit3A_271 : i32 to vector<16xi32>
          %select_n3A_274 = arith.select %and3A_269, %broadcast_in_dim3A_272, %broadcast_in_dim3A_273 : vector<16xi1>, vector<16xi32>
          %reduce_sum3A_275 = arith.constant true
          %reduce_sum3A_276 = vector.broadcast %reduce_sum3A_275 : i1 to vector<16xi1>
          %reduce_sum3A_277 = tpu.scan <sum>, %select_n3A_274 masked %reduce_sum3A_276 : vector<16xi32>, vector<16xi1> -> vector<16xi32>
          %reduce_sum3A_278 = vector.extract %reduce_sum3A_277[15] : i32 from vector<16xi32>
          %add3A_279 = arith.addi %while3A_250, %reduce_sum3A_278 : i32
          scf.yield %add3A_279 : i32
        }
        %shift_right_arithmetic3A_237 = arith.constant 7 : i32
        %shift_right_arithmetic3A_238 = arith.shrsi %while3A_236, %shift_right_arithmetic3A_237 : i32
        %broadcast_in_dim3A_239 = vector.broadcast %shift_right_arithmetic3A_238 : i32 to vector<16xi32>
        %min3A = arith.constant 7 : i32
        %min3A_240 = vector.broadcast %min3A : i32 to vector<16xi32>
        %min3A_241 = arith.minsi %broadcast_in_dim3A_239, %min3A_240 : vector<16xi32>
        %and3A_242 = arith.constant 127 : i32
        %and3A_243 = arith.andi %while3A_236, %and3A_242 : i32
        %broadcast_in_dim3A_244 = vector.broadcast %and3A_243 : i32 to vector<16xi32>
        %eq3A_245 = arith.constant 0 : i32
        %eq3A_246 = vector.broadcast %eq3A_245 : i32 to vector<16xi32>
        %eq3A_247 = arith.cmpi eq, %iota3A, %eq3A_246 : vector<16xi32>
        tpu.vector_store_idx %arg12[%min3A_241, %broadcast_in_dim3A_244], %broadcast_in_dim3A_224 masked %eq3A_247 : memref<8x128xi32, #tpu.memory_space<vmem>>[vector<16xi32>, vector<16xi32>], vector<16xi32>, vector<16xi1>
        %while3A_248 = arith.constant 0 : i32
        scf.yield %while3A_248 : i32
      }
      %mul3A_66 = arith.constant 1024 : i32
      %mul3A_67 = arith.muli %add3A, %mul3A_66 : i32
      %dma_start3A = arith.constant 0 : i32
      %dma_start3A_68 = arith.constant 0 : i32
      %dma_start3A_69 = tpu.memref_slice %arg12[%dma_start3A, %dma_start3A_68] : memref<8x128xi32, #tpu.memory_space<vmem>> -> memref<1x128xi32, #tpu.memory_space<vmem>>
      %dma_start3A_70 = tpu.memref_squeeze %dma_start3A_69 : memref<1x128xi32, #tpu.memory_space<vmem>> -> memref<128xi32, #tpu.memory_space<vmem>>
      %dma_start3A_71 = arith.constant 0 : i32
      %dma_start3A_72 = arith.constant 0 : i32
      %dma_start3A_73 = tpu.memref_slice %arg3[%dma_start3A_71, %dma_start3A_72] : memref<524288x128xf32, #tpu.memory_space<hbm>> -> memref<524288x128xf32, #tpu.memory_space<hbm>>
      tpu.enqueue_indirect_dma source(%dma_start3A_73 : memref<524288x128xf32, #tpu.memory_space<hbm>>) target(%arg15 : memref<128x128xf32, #tpu.memory_space<vmem>>) offsets(%dma_start3A_70 : memref<128xi32, #tpu.memory_space<vmem>>) semaphore(%arg17 : memref<!tpu.dma_semaphore, #tpu.memory_space<semaphore_mem>>)
      %dma_wait3A = arith.constant 0 : i32
      %dma_wait3A_74 = arith.constant 0 : i32
      %dma_wait3A_75 = tpu.memref_slice %arg12[%dma_wait3A, %dma_wait3A_74] : memref<8x128xi32, #tpu.memory_space<vmem>> -> memref<1x128xi32, #tpu.memory_space<vmem>>
      %dma_wait3A_76 = tpu.memref_squeeze %dma_wait3A_75 : memref<1x128xi32, #tpu.memory_space<vmem>> -> memref<128xi32, #tpu.memory_space<vmem>>
      %dma_wait3A_77 = arith.constant 0 : i32
      %dma_wait3A_78 = arith.constant 0 : i32
      %dma_wait3A_79 = tpu.memref_slice %arg3[%dma_wait3A_77, %dma_wait3A_78] : memref<524288x128xf32, #tpu.memory_space<hbm>> -> memref<524288x128xf32, #tpu.memory_space<hbm>>
      tpu.wait_indirect_dma semaphore(%arg17 : memref<!tpu.dma_semaphore, #tpu.memory_space<semaphore_mem>>) src(%dma_wait3A_79 : memref<524288x128xf32, #tpu.memory_space<hbm>>) dst(%arg15 : memref<128x128xf32, #tpu.memory_space<vmem>>)
      %add3A_80 = arith.constant 0 : i32
      %add3A_81 = arith.addi %mul3A_67, %add3A_80 : i32
      "tpu.region"() ({
        %run_scoped3A = tpu.sem_alloc : memref<!tpu.dma_semaphore, #tpu.memory_space<semaphore_mem>>
        %dma_start3A_194 = arith.constant 0 : i32
        %dma_start3A_195 = tpu.memref_slice %arg8[%add3A_81, %dma_start3A_194] : memref<16384x128xf32, #tpu.memory_space<hbm>> -> memref<128x128xf32, #tpu.memory_space<hbm>>
        %dma_start3A_196 = arith.constant 0 : i32
        %dma_start3A_197 = tpu.memref_slice %arg8[%add3A_81, %dma_start3A_196] : memref<16384x128xf32, #tpu.memory_space<hbm>> -> memref<128x128xf32, #tpu.memory_space<hbm>>
        tpu.enqueue_dma source(%arg15 : memref<128x128xf32, #tpu.memory_space<vmem>>) target(%dma_start3A_197 : memref<128x128xf32, #tpu.memory_space<hbm>>) target_semaphore(%run_scoped3A : memref<!tpu.dma_semaphore, #tpu.memory_space<semaphore_mem>>)
        %dma_wait3A_198 = arith.constant 0 : i32
        %dma_wait3A_199 = tpu.memref_slice %arg8[%add3A_81, %dma_wait3A_198] : memref<16384x128xf32, #tpu.memory_space<hbm>> -> memref<128x128xf32, #tpu.memory_space<hbm>>
        %dma_wait3A_200 = arith.constant 0 : i32
        %dma_wait3A_201 = tpu.memref_slice %arg8[%add3A_81, %dma_wait3A_200] : memref<16384x128xf32, #tpu.memory_space<hbm>> -> memref<128x128xf32, #tpu.memory_space<hbm>>
        tpu.wait_dma2 semaphore(%run_scoped3A : memref<!tpu.dma_semaphore, #tpu.memory_space<semaphore_mem>>) src(%arg15 : memref<128x128xf32, #tpu.memory_space<vmem>>) dst(%dma_wait3A_201 : memref<128x128xf32, #tpu.memory_space<hbm>>)
        tpu.yield
      }) : () -> ()
      %dma_start3A_82 = arith.constant 1 : i32
      %dma_start3A_83 = arith.constant 0 : i32
      %dma_start3A_84 = tpu.memref_slice %arg12[%dma_start3A_82, %dma_start3A_83] : memref<8x128xi32, #tpu.memory_space<vmem>> -> memref<1x128xi32, #tpu.memory_space<vmem>>
      %dma_start3A_85 = tpu.memref_squeeze %dma_start3A_84 : memref<1x128xi32, #tpu.memory_space<vmem>> -> memref<128xi32, #tpu.memory_space<vmem>>
      %dma_start3A_86 = arith.constant 0 : i32
      %dma_start3A_87 = arith.constant 0 : i32
      %dma_start3A_88 = tpu.memref_slice %arg3[%dma_start3A_86, %dma_start3A_87] : memref<524288x128xf32, #tpu.memory_space<hbm>> -> memref<524288x128xf32, #tpu.memory_space<hbm>>
      tpu.enqueue_indirect_dma source(%dma_start3A_88 : memref<524288x128xf32, #tpu.memory_space<hbm>>) target(%arg15 : memref<128x128xf32, #tpu.memory_space<vmem>>) offsets(%dma_start3A_85 : memref<128xi32, #tpu.memory_space<vmem>>) semaphore(%arg17 : memref<!tpu.dma_semaphore, #tpu.memory_space<semaphore_mem>>)
      %dma_wait3A_89 = arith.constant 1 : i32
      %dma_wait3A_90 = arith.constant 0 : i32
      %dma_wait3A_91 = tpu.memref_slice %arg12[%dma_wait3A_89, %dma_wait3A_90] : memref<8x128xi32, #tpu.memory_space<vmem>> -> memref<1x128xi32, #tpu.memory_space<vmem>>
      %dma_wait3A_92 = tpu.memref_squeeze %dma_wait3A_91 : memref<1x128xi32, #tpu.memory_space<vmem>> -> memref<128xi32, #tpu.memory_space<vmem>>
      %dma_wait3A_93 = arith.constant 0 : i32
      %dma_wait3A_94 = arith.constant 0 : i32
      %dma_wait3A_95 = tpu.memref_slice %arg3[%dma_wait3A_93, %dma_wait3A_94] : memref<524288x128xf32, #tpu.memory_space<hbm>> -> memref<524288x128xf32, #tpu.memory_space<hbm>>
      tpu.wait_indirect_dma semaphore(%arg17 : memref<!tpu.dma_semaphore, #tpu.memory_space<semaphore_mem>>) src(%dma_wait3A_95 : memref<524288x128xf32, #tpu.memory_space<hbm>>) dst(%arg15 : memref<128x128xf32, #tpu.memory_space<vmem>>)
      %add3A_96 = arith.constant 128 : i32
      %add3A_97 = arith.addi %mul3A_67, %add3A_96 : i32
      "tpu.region"() ({
        %run_scoped3A = tpu.sem_alloc : memref<!tpu.dma_semaphore, #tpu.memory_space<semaphore_mem>>
        %dma_start3A_194 = arith.constant 0 : i32
        %dma_start3A_195 = tpu.memref_slice %arg8[%add3A_97, %dma_start3A_194] : memref<16384x128xf32, #tpu.memory_space<hbm>> -> memref<128x128xf32, #tpu.memory_space<hbm>>
        %dma_start3A_196 = arith.constant 0 : i32
        %dma_start3A_197 = tpu.memref_slice %arg8[%add3A_97, %dma_start3A_196] : memref<16384x128xf32, #tpu.memory_space<hbm>> -> memref<128x128xf32, #tpu.memory_space<hbm>>
        tpu.enqueue_dma source(%arg15 : memref<128x128xf32, #tpu.memory_space<vmem>>) target(%dma_start3A_197 : memref<128x128xf32, #tpu.memory_space<hbm>>) target_semaphore(%run_scoped3A : memref<!tpu.dma_semaphore, #tpu.memory_space<semaphore_mem>>)
        %dma_wait3A_198 = arith.constant 0 : i32
        %dma_wait3A_199 = tpu.memref_slice %arg8[%add3A_97, %dma_wait3A_198] : memref<16384x128xf32, #tpu.memory_space<hbm>> -> memref<128x128xf32, #tpu.memory_space<hbm>>
        %dma_wait3A_200 = arith.constant 0 : i32
        %dma_wait3A_201 = tpu.memref_slice %arg8[%add3A_97, %dma_wait3A_200] : memref<16384x128xf32, #tpu.memory_space<hbm>> -> memref<128x128xf32, #tpu.memory_space<hbm>>
        tpu.wait_dma2 semaphore(%run_scoped3A : memref<!tpu.dma_semaphore, #tpu.memory_space<semaphore_mem>>) src(%arg15 : memref<128x128xf32, #tpu.memory_space<vmem>>) dst(%dma_wait3A_201 : memref<128x128xf32, #tpu.memory_space<hbm>>)
        tpu.yield
      }) : () -> ()
      %dma_start3A_98 = arith.constant 2 : i32
      %dma_start3A_99 = arith.constant 0 : i32
      %dma_start3A_100 = tpu.memref_slice %arg12[%dma_start3A_98, %dma_start3A_99] : memref<8x128xi32, #tpu.memory_space<vmem>> -> memref<1x128xi32, #tpu.memory_space<vmem>>
      %dma_start3A_101 = tpu.memref_squeeze %dma_start3A_100 : memref<1x128xi32, #tpu.memory_space<vmem>> -> memref<128xi32, #tpu.memory_space<vmem>>
      %dma_start3A_102 = arith.constant 0 : i32
      %dma_start3A_103 = arith.constant 0 : i32
      %dma_start3A_104 = tpu.memref_slice %arg3[%dma_start3A_102, %dma_start3A_103] : memref<524288x128xf32, #tpu.memory_space<hbm>> -> memref<524288x128xf32, #tpu.memory_space<hbm>>
      tpu.enqueue_indirect_dma source(%dma_start3A_104 : memref<524288x128xf32, #tpu.memory_space<hbm>>) target(%arg15 : memref<128x128xf32, #tpu.memory_space<vmem>>) offsets(%dma_start3A_101 : memref<128xi32, #tpu.memory_space<vmem>>) semaphore(%arg17 : memref<!tpu.dma_semaphore, #tpu.memory_space<semaphore_mem>>)
      %dma_wait3A_105 = arith.constant 2 : i32
      %dma_wait3A_106 = arith.constant 0 : i32
      %dma_wait3A_107 = tpu.memref_slice %arg12[%dma_wait3A_105, %dma_wait3A_106] : memref<8x128xi32, #tpu.memory_space<vmem>> -> memref<1x128xi32, #tpu.memory_space<vmem>>
      %dma_wait3A_108 = tpu.memref_squeeze %dma_wait3A_107 : memref<1x128xi32, #tpu.memory_space<vmem>> -> memref<128xi32, #tpu.memory_space<vmem>>
      %dma_wait3A_109 = arith.constant 0 : i32
      %dma_wait3A_110 = arith.constant 0 : i32
      %dma_wait3A_111 = tpu.memref_slice %arg3[%dma_wait3A_109, %dma_wait3A_110] : memref<524288x128xf32, #tpu.memory_space<hbm>> -> memref<524288x128xf32, #tpu.memory_space<hbm>>
      tpu.wait_indirect_dma semaphore(%arg17 : memref<!tpu.dma_semaphore, #tpu.memory_space<semaphore_mem>>) src(%dma_wait3A_111 : memref<524288x128xf32, #tpu.memory_space<hbm>>) dst(%arg15 : memref<128x128xf32, #tpu.memory_space<vmem>>)
      %add3A_112 = arith.constant 256 : i32
      %add3A_113 = arith.addi %mul3A_67, %add3A_112 : i32
      "tpu.region"() ({
        %run_scoped3A = tpu.sem_alloc : memref<!tpu.dma_semaphore, #tpu.memory_space<semaphore_mem>>
        %dma_start3A_194 = arith.constant 0 : i32
        %dma_start3A_195 = tpu.memref_slice %arg8[%add3A_113, %dma_start3A_194] : memref<16384x128xf32, #tpu.memory_space<hbm>> -> memref<128x128xf32, #tpu.memory_space<hbm>>
        %dma_start3A_196 = arith.constant 0 : i32
        %dma_start3A_197 = tpu.memref_slice %arg8[%add3A_113, %dma_start3A_196] : memref<16384x128xf32, #tpu.memory_space<hbm>> -> memref<128x128xf32, #tpu.memory_space<hbm>>
        tpu.enqueue_dma source(%arg15 : memref<128x128xf32, #tpu.memory_space<vmem>>) target(%dma_start3A_197 : memref<128x128xf32, #tpu.memory_space<hbm>>) target_semaphore(%run_scoped3A : memref<!tpu.dma_semaphore, #tpu.memory_space<semaphore_mem>>)
        %dma_wait3A_198 = arith.constant 0 : i32
        %dma_wait3A_199 = tpu.memref_slice %arg8[%add3A_113, %dma_wait3A_198] : memref<16384x128xf32, #tpu.memory_space<hbm>> -> memref<128x128xf32, #tpu.memory_space<hbm>>
        %dma_wait3A_200 = arith.constant 0 : i32
        %dma_wait3A_201 = tpu.memref_slice %arg8[%add3A_113, %dma_wait3A_200] : memref<16384x128xf32, #tpu.memory_space<hbm>> -> memref<128x128xf32, #tpu.memory_space<hbm>>
        tpu.wait_dma2 semaphore(%run_scoped3A : memref<!tpu.dma_semaphore, #tpu.memory_space<semaphore_mem>>) src(%arg15 : memref<128x128xf32, #tpu.memory_space<vmem>>) dst(%dma_wait3A_201 : memref<128x128xf32, #tpu.memory_space<hbm>>)
        tpu.yield
      }) : () -> ()
      %dma_start3A_114 = arith.constant 3 : i32
      %dma_start3A_115 = arith.constant 0 : i32
      %dma_start3A_116 = tpu.memref_slice %arg12[%dma_start3A_114, %dma_start3A_115] : memref<8x128xi32, #tpu.memory_space<vmem>> -> memref<1x128xi32, #tpu.memory_space<vmem>>
      %dma_start3A_117 = tpu.memref_squeeze %dma_start3A_116 : memref<1x128xi32, #tpu.memory_space<vmem>> -> memref<128xi32, #tpu.memory_space<vmem>>
      %dma_start3A_118 = arith.constant 0 : i32
      %dma_start3A_119 = arith.constant 0 : i32
      %dma_start3A_120 = tpu.memref_slice %arg3[%dma_start3A_118, %dma_start3A_119] : memref<524288x128xf32, #tpu.memory_space<hbm>> -> memref<524288x128xf32, #tpu.memory_space<hbm>>
      tpu.enqueue_indirect_dma source(%dma_start3A_120 : memref<524288x128xf32, #tpu.memory_space<hbm>>) target(%arg15 : memref<128x128xf32, #tpu.memory_space<vmem>>) offsets(%dma_start3A_117 : memref<128xi32, #tpu.memory_space<vmem>>) semaphore(%arg17 : memref<!tpu.dma_semaphore, #tpu.memory_space<semaphore_mem>>)
      %dma_wait3A_121 = arith.constant 3 : i32
      %dma_wait3A_122 = arith.constant 0 : i32
      %dma_wait3A_123 = tpu.memref_slice %arg12[%dma_wait3A_121, %dma_wait3A_122] : memref<8x128xi32, #tpu.memory_space<vmem>> -> memref<1x128xi32, #tpu.memory_space<vmem>>
      %dma_wait3A_124 = tpu.memref_squeeze %dma_wait3A_123 : memref<1x128xi32, #tpu.memory_space<vmem>> -> memref<128xi32, #tpu.memory_space<vmem>>
      %dma_wait3A_125 = arith.constant 0 : i32
      %dma_wait3A_126 = arith.constant 0 : i32
      %dma_wait3A_127 = tpu.memref_slice %arg3[%dma_wait3A_125, %dma_wait3A_126] : memref<524288x128xf32, #tpu.memory_space<hbm>> -> memref<524288x128xf32, #tpu.memory_space<hbm>>
      tpu.wait_indirect_dma semaphore(%arg17 : memref<!tpu.dma_semaphore, #tpu.memory_space<semaphore_mem>>) src(%dma_wait3A_127 : memref<524288x128xf32, #tpu.memory_space<hbm>>) dst(%arg15 : memref<128x128xf32, #tpu.memory_space<vmem>>)
      %add3A_128 = arith.constant 384 : i32
      %add3A_129 = arith.addi %mul3A_67, %add3A_128 : i32
      "tpu.region"() ({
        %run_scoped3A = tpu.sem_alloc : memref<!tpu.dma_semaphore, #tpu.memory_space<semaphore_mem>>
        %dma_start3A_194 = arith.constant 0 : i32
        %dma_start3A_195 = tpu.memref_slice %arg8[%add3A_129, %dma_start3A_194] : memref<16384x128xf32, #tpu.memory_space<hbm>> -> memref<128x128xf32, #tpu.memory_space<hbm>>
        %dma_start3A_196 = arith.constant 0 : i32
        %dma_start3A_197 = tpu.memref_slice %arg8[%add3A_129, %dma_start3A_196] : memref<16384x128xf32, #tpu.memory_space<hbm>> -> memref<128x128xf32, #tpu.memory_space<hbm>>
        tpu.enqueue_dma source(%arg15 : memref<128x128xf32, #tpu.memory_space<vmem>>) target(%dma_start3A_197 : memref<128x128xf32, #tpu.memory_space<hbm>>) target_semaphore(%run_scoped3A : memref<!tpu.dma_semaphore, #tpu.memory_space<semaphore_mem>>)
        %dma_wait3A_198 = arith.constant 0 : i32
        %dma_wait3A_199 = tpu.memref_slice %arg8[%add3A_129, %dma_wait3A_198] : memref<16384x128xf32, #tpu.memory_space<hbm>> -> memref<128x128xf32, #tpu.memory_space<hbm>>
        %dma_wait3A_200 = arith.constant 0 : i32
        %dma_wait3A_201 = tpu.memref_slice %arg8[%add3A_129, %dma_wait3A_200] : memref<16384x128xf32, #tpu.memory_space<hbm>> -> memref<128x128xf32, #tpu.memory_space<hbm>>
        tpu.wait_dma2 semaphore(%run_scoped3A : memref<!tpu.dma_semaphore, #tpu.memory_space<semaphore_mem>>) src(%arg15 : memref<128x128xf32, #tpu.memory_space<vmem>>) dst(%dma_wait3A_201 : memref<128x128xf32, #tpu.memory_space<hbm>>)
        tpu.yield
      }) : () -> ()
      %dma_start3A_130 = arith.constant 4 : i32
      %dma_start3A_131 = arith.constant 0 : i32
      %dma_start3A_132 = tpu.memref_slice %arg12[%dma_start3A_130, %dma_start3A_131] : memref<8x128xi32, #tpu.memory_space<vmem>> -> memref<1x128xi32, #tpu.memory_space<vmem>>
      %dma_start3A_133 = tpu.memref_squeeze %dma_start3A_132 : memref<1x128xi32, #tpu.memory_space<vmem>> -> memref<128xi32, #tpu.memory_space<vmem>>
      %dma_start3A_134 = arith.constant 0 : i32
      %dma_start3A_135 = arith.constant 0 : i32
      %dma_start3A_136 = tpu.memref_slice %arg3[%dma_start3A_134, %dma_start3A_135] : memref<524288x128xf32, #tpu.memory_space<hbm>> -> memref<524288x128xf32, #tpu.memory_space<hbm>>
      tpu.enqueue_indirect_dma source(%dma_start3A_136 : memref<524288x128xf32, #tpu.memory_space<hbm>>) target(%arg15 : memref<128x128xf32, #tpu.memory_space<vmem>>) offsets(%dma_start3A_133 : memref<128xi32, #tpu.memory_space<vmem>>) semaphore(%arg17 : memref<!tpu.dma_semaphore, #tpu.memory_space<semaphore_mem>>)
      %dma_wait3A_137 = arith.constant 4 : i32
      %dma_wait3A_138 = arith.constant 0 : i32
      %dma_wait3A_139 = tpu.memref_slice %arg12[%dma_wait3A_137, %dma_wait3A_138] : memref<8x128xi32, #tpu.memory_space<vmem>> -> memref<1x128xi32, #tpu.memory_space<vmem>>
      %dma_wait3A_140 = tpu.memref_squeeze %dma_wait3A_139 : memref<1x128xi32, #tpu.memory_space<vmem>> -> memref<128xi32, #tpu.memory_space<vmem>>
      %dma_wait3A_141 = arith.constant 0 : i32
      %dma_wait3A_142 = arith.constant 0 : i32
      %dma_wait3A_143 = tpu.memref_slice %arg3[%dma_wait3A_141, %dma_wait3A_142] : memref<524288x128xf32, #tpu.memory_space<hbm>> -> memref<524288x128xf32, #tpu.memory_space<hbm>>
      tpu.wait_indirect_dma semaphore(%arg17 : memref<!tpu.dma_semaphore, #tpu.memory_space<semaphore_mem>>) src(%dma_wait3A_143 : memref<524288x128xf32, #tpu.memory_space<hbm>>) dst(%arg15 : memref<128x128xf32, #tpu.memory_space<vmem>>)
      %add3A_144 = arith.constant 512 : i32
      %add3A_145 = arith.addi %mul3A_67, %add3A_144 : i32
      "tpu.region"() ({
        %run_scoped3A = tpu.sem_alloc : memref<!tpu.dma_semaphore, #tpu.memory_space<semaphore_mem>>
        %dma_start3A_194 = arith.constant 0 : i32
        %dma_start3A_195 = tpu.memref_slice %arg8[%add3A_145, %dma_start3A_194] : memref<16384x128xf32, #tpu.memory_space<hbm>> -> memref<128x128xf32, #tpu.memory_space<hbm>>
        %dma_start3A_196 = arith.constant 0 : i32
        %dma_start3A_197 = tpu.memref_slice %arg8[%add3A_145, %dma_start3A_196] : memref<16384x128xf32, #tpu.memory_space<hbm>> -> memref<128x128xf32, #tpu.memory_space<hbm>>
        tpu.enqueue_dma source(%arg15 : memref<128x128xf32, #tpu.memory_space<vmem>>) target(%dma_start3A_197 : memref<128x128xf32, #tpu.memory_space<hbm>>) target_semaphore(%run_scoped3A : memref<!tpu.dma_semaphore, #tpu.memory_space<semaphore_mem>>)
        %dma_wait3A_198 = arith.constant 0 : i32
        %dma_wait3A_199 = tpu.memref_slice %arg8[%add3A_145, %dma_wait3A_198] : memref<16384x128xf32, #tpu.memory_space<hbm>> -> memref<128x128xf32, #tpu.memory_space<hbm>>
        %dma_wait3A_200 = arith.constant 0 : i32
        %dma_wait3A_201 = tpu.memref_slice %arg8[%add3A_145, %dma_wait3A_200] : memref<16384x128xf32, #tpu.memory_space<hbm>> -> memref<128x128xf32, #tpu.memory_space<hbm>>
        tpu.wait_dma2 semaphore(%run_scoped3A : memref<!tpu.dma_semaphore, #tpu.memory_space<semaphore_mem>>) src(%arg15 : memref<128x128xf32, #tpu.memory_space<vmem>>) dst(%dma_wait3A_201 : memref<128x128xf32, #tpu.memory_space<hbm>>)
        tpu.yield
      }) : () -> ()
      %dma_start3A_146 = arith.constant 5 : i32
      %dma_start3A_147 = arith.constant 0 : i32
      %dma_start3A_148 = tpu.memref_slice %arg12[%dma_start3A_146, %dma_start3A_147] : memref<8x128xi32, #tpu.memory_space<vmem>> -> memref<1x128xi32, #tpu.memory_space<vmem>>
      %dma_start3A_149 = tpu.memref_squeeze %dma_start3A_148 : memref<1x128xi32, #tpu.memory_space<vmem>> -> memref<128xi32, #tpu.memory_space<vmem>>
      %dma_start3A_150 = arith.constant 0 : i32
      %dma_start3A_151 = arith.constant 0 : i32
      %dma_start3A_152 = tpu.memref_slice %arg3[%dma_start3A_150, %dma_start3A_151] : memref<524288x128xf32, #tpu.memory_space<hbm>> -> memref<524288x128xf32, #tpu.memory_space<hbm>>
      tpu.enqueue_indirect_dma source(%dma_start3A_152 : memref<524288x128xf32, #tpu.memory_space<hbm>>) target(%arg15 : memref<128x128xf32, #tpu.memory_space<vmem>>) offsets(%dma_start3A_149 : memref<128xi32, #tpu.memory_space<vmem>>) semaphore(%arg17 : memref<!tpu.dma_semaphore, #tpu.memory_space<semaphore_mem>>)
      %dma_wait3A_153 = arith.constant 5 : i32
      %dma_wait3A_154 = arith.constant 0 : i32
      %dma_wait3A_155 = tpu.memref_slice %arg12[%dma_wait3A_153, %dma_wait3A_154] : memref<8x128xi32, #tpu.memory_space<vmem>> -> memref<1x128xi32, #tpu.memory_space<vmem>>
      %dma_wait3A_156 = tpu.memref_squeeze %dma_wait3A_155 : memref<1x128xi32, #tpu.memory_space<vmem>> -> memref<128xi32, #tpu.memory_space<vmem>>
      %dma_wait3A_157 = arith.constant 0 : i32
      %dma_wait3A_158 = arith.constant 0 : i32
      %dma_wait3A_159 = tpu.memref_slice %arg3[%dma_wait3A_157, %dma_wait3A_158] : memref<524288x128xf32, #tpu.memory_space<hbm>> -> memref<524288x128xf32, #tpu.memory_space<hbm>>
      tpu.wait_indirect_dma semaphore(%arg17 : memref<!tpu.dma_semaphore, #tpu.memory_space<semaphore_mem>>) src(%dma_wait3A_159 : memref<524288x128xf32, #tpu.memory_space<hbm>>) dst(%arg15 : memref<128x128xf32, #tpu.memory_space<vmem>>)
      %add3A_160 = arith.constant 640 : i32
      %add3A_161 = arith.addi %mul3A_67, %add3A_160 : i32
      "tpu.region"() ({
        %run_scoped3A = tpu.sem_alloc : memref<!tpu.dma_semaphore, #tpu.memory_space<semaphore_mem>>
        %dma_start3A_194 = arith.constant 0 : i32
        %dma_start3A_195 = tpu.memref_slice %arg8[%add3A_161, %dma_start3A_194] : memref<16384x128xf32, #tpu.memory_space<hbm>> -> memref<128x128xf32, #tpu.memory_space<hbm>>
        %dma_start3A_196 = arith.constant 0 : i32
        %dma_start3A_197 = tpu.memref_slice %arg8[%add3A_161, %dma_start3A_196] : memref<16384x128xf32, #tpu.memory_space<hbm>> -> memref<128x128xf32, #tpu.memory_space<hbm>>
        tpu.enqueue_dma source(%arg15 : memref<128x128xf32, #tpu.memory_space<vmem>>) target(%dma_start3A_197 : memref<128x128xf32, #tpu.memory_space<hbm>>) target_semaphore(%run_scoped3A : memref<!tpu.dma_semaphore, #tpu.memory_space<semaphore_mem>>)
        %dma_wait3A_198 = arith.constant 0 : i32
        %dma_wait3A_199 = tpu.memref_slice %arg8[%add3A_161, %dma_wait3A_198] : memref<16384x128xf32, #tpu.memory_space<hbm>> -> memref<128x128xf32, #tpu.memory_space<hbm>>
        %dma_wait3A_200 = arith.constant 0 : i32
        %dma_wait3A_201 = tpu.memref_slice %arg8[%add3A_161, %dma_wait3A_200] : memref<16384x128xf32, #tpu.memory_space<hbm>> -> memref<128x128xf32, #tpu.memory_space<hbm>>
        tpu.wait_dma2 semaphore(%run_scoped3A : memref<!tpu.dma_semaphore, #tpu.memory_space<semaphore_mem>>) src(%arg15 : memref<128x128xf32, #tpu.memory_space<vmem>>) dst(%dma_wait3A_201 : memref<128x128xf32, #tpu.memory_space<hbm>>)
        tpu.yield
      }) : () -> ()
      %dma_start3A_162 = arith.constant 6 : i32
      %dma_start3A_163 = arith.constant 0 : i32
      %dma_start3A_164 = tpu.memref_slice %arg12[%dma_start3A_162, %dma_start3A_163] : memref<8x128xi32, #tpu.memory_space<vmem>> -> memref<1x128xi32, #tpu.memory_space<vmem>>
      %dma_start3A_165 = tpu.memref_squeeze %dma_start3A_164 : memref<1x128xi32, #tpu.memory_space<vmem>> -> memref<128xi32, #tpu.memory_space<vmem>>
      %dma_start3A_166 = arith.constant 0 : i32
      %dma_start3A_167 = arith.constant 0 : i32
      %dma_start3A_168 = tpu.memref_slice %arg3[%dma_start3A_166, %dma_start3A_167] : memref<524288x128xf32, #tpu.memory_space<hbm>> -> memref<524288x128xf32, #tpu.memory_space<hbm>>
      tpu.enqueue_indirect_dma source(%dma_start3A_168 : memref<524288x128xf32, #tpu.memory_space<hbm>>) target(%arg15 : memref<128x128xf32, #tpu.memory_space<vmem>>) offsets(%dma_start3A_165 : memref<128xi32, #tpu.memory_space<vmem>>) semaphore(%arg17 : memref<!tpu.dma_semaphore, #tpu.memory_space<semaphore_mem>>)
      %dma_wait3A_169 = arith.constant 6 : i32
      %dma_wait3A_170 = arith.constant 0 : i32
      %dma_wait3A_171 = tpu.memref_slice %arg12[%dma_wait3A_169, %dma_wait3A_170] : memref<8x128xi32, #tpu.memory_space<vmem>> -> memref<1x128xi32, #tpu.memory_space<vmem>>
      %dma_wait3A_172 = tpu.memref_squeeze %dma_wait3A_171 : memref<1x128xi32, #tpu.memory_space<vmem>> -> memref<128xi32, #tpu.memory_space<vmem>>
      %dma_wait3A_173 = arith.constant 0 : i32
      %dma_wait3A_174 = arith.constant 0 : i32
      %dma_wait3A_175 = tpu.memref_slice %arg3[%dma_wait3A_173, %dma_wait3A_174] : memref<524288x128xf32, #tpu.memory_space<hbm>> -> memref<524288x128xf32, #tpu.memory_space<hbm>>
      tpu.wait_indirect_dma semaphore(%arg17 : memref<!tpu.dma_semaphore, #tpu.memory_space<semaphore_mem>>) src(%dma_wait3A_175 : memref<524288x128xf32, #tpu.memory_space<hbm>>) dst(%arg15 : memref<128x128xf32, #tpu.memory_space<vmem>>)
      %add3A_176 = arith.constant 768 : i32
      %add3A_177 = arith.addi %mul3A_67, %add3A_176 : i32
      "tpu.region"() ({
        %run_scoped3A = tpu.sem_alloc : memref<!tpu.dma_semaphore, #tpu.memory_space<semaphore_mem>>
        %dma_start3A_194 = arith.constant 0 : i32
        %dma_start3A_195 = tpu.memref_slice %arg8[%add3A_177, %dma_start3A_194] : memref<16384x128xf32, #tpu.memory_space<hbm>> -> memref<128x128xf32, #tpu.memory_space<hbm>>
        %dma_start3A_196 = arith.constant 0 : i32
        %dma_start3A_197 = tpu.memref_slice %arg8[%add3A_177, %dma_start3A_196] : memref<16384x128xf32, #tpu.memory_space<hbm>> -> memref<128x128xf32, #tpu.memory_space<hbm>>
        tpu.enqueue_dma source(%arg15 : memref<128x128xf32, #tpu.memory_space<vmem>>) target(%dma_start3A_197 : memref<128x128xf32, #tpu.memory_space<hbm>>) target_semaphore(%run_scoped3A : memref<!tpu.dma_semaphore, #tpu.memory_space<semaphore_mem>>)
        %dma_wait3A_198 = arith.constant 0 : i32
        %dma_wait3A_199 = tpu.memref_slice %arg8[%add3A_177, %dma_wait3A_198] : memref<16384x128xf32, #tpu.memory_space<hbm>> -> memref<128x128xf32, #tpu.memory_space<hbm>>
        %dma_wait3A_200 = arith.constant 0 : i32
        %dma_wait3A_201 = tpu.memref_slice %arg8[%add3A_177, %dma_wait3A_200] : memref<16384x128xf32, #tpu.memory_space<hbm>> -> memref<128x128xf32, #tpu.memory_space<hbm>>
        tpu.wait_dma2 semaphore(%run_scoped3A : memref<!tpu.dma_semaphore, #tpu.memory_space<semaphore_mem>>) src(%arg15 : memref<128x128xf32, #tpu.memory_space<vmem>>) dst(%dma_wait3A_201 : memref<128x128xf32, #tpu.memory_space<hbm>>)
        tpu.yield
      }) : () -> ()
      %dma_start3A_178 = arith.constant 7 : i32
      %dma_start3A_179 = arith.constant 0 : i32
      %dma_start3A_180 = tpu.memref_slice %arg12[%dma_start3A_178, %dma_start3A_179] : memref<8x128xi32, #tpu.memory_space<vmem>> -> memref<1x128xi32, #tpu.memory_space<vmem>>
      %dma_start3A_181 = tpu.memref_squeeze %dma_start3A_180 : memref<1x128xi32, #tpu.memory_space<vmem>> -> memref<128xi32, #tpu.memory_space<vmem>>
      %dma_start3A_182 = arith.constant 0 : i32
      %dma_start3A_183 = arith.constant 0 : i32
      %dma_start3A_184 = tpu.memref_slice %arg3[%dma_start3A_182, %dma_start3A_183] : memref<524288x128xf32, #tpu.memory_space<hbm>> -> memref<524288x128xf32, #tpu.memory_space<hbm>>
      tpu.enqueue_indirect_dma source(%dma_start3A_184 : memref<524288x128xf32, #tpu.memory_space<hbm>>) target(%arg15 : memref<128x128xf32, #tpu.memory_space<vmem>>) offsets(%dma_start3A_181 : memref<128xi32, #tpu.memory_space<vmem>>) semaphore(%arg17 : memref<!tpu.dma_semaphore, #tpu.memory_space<semaphore_mem>>)
      %dma_wait3A_185 = arith.constant 7 : i32
      %dma_wait3A_186 = arith.constant 0 : i32
      %dma_wait3A_187 = tpu.memref_slice %arg12[%dma_wait3A_185, %dma_wait3A_186] : memref<8x128xi32, #tpu.memory_space<vmem>> -> memref<1x128xi32, #tpu.memory_space<vmem>>
      %dma_wait3A_188 = tpu.memref_squeeze %dma_wait3A_187 : memref<1x128xi32, #tpu.memory_space<vmem>> -> memref<128xi32, #tpu.memory_space<vmem>>
      %dma_wait3A_189 = arith.constant 0 : i32
      %dma_wait3A_190 = arith.constant 0 : i32
      %dma_wait3A_191 = tpu.memref_slice %arg3[%dma_wait3A_189, %dma_wait3A_190] : memref<524288x128xf32, #tpu.memory_space<hbm>> -> memref<524288x128xf32, #tpu.memory_space<hbm>>
      tpu.wait_indirect_dma semaphore(%arg17 : memref<!tpu.dma_semaphore, #tpu.memory_space<semaphore_mem>>) src(%dma_wait3A_191 : memref<524288x128xf32, #tpu.memory_space<hbm>>) dst(%arg15 : memref<128x128xf32, #tpu.memory_space<vmem>>)
      %add3A_192 = arith.constant 896 : i32
      %add3A_193 = arith.addi %mul3A_67, %add3A_192 : i32
      "tpu.region"() ({
        %run_scoped3A = tpu.sem_alloc : memref<!tpu.dma_semaphore, #tpu.memory_space<semaphore_mem>>
        %dma_start3A_194 = arith.constant 0 : i32
        %dma_start3A_195 = tpu.memref_slice %arg8[%add3A_193, %dma_start3A_194] : memref<16384x128xf32, #tpu.memory_space<hbm>> -> memref<128x128xf32, #tpu.memory_space<hbm>>
        %dma_start3A_196 = arith.constant 0 : i32
        %dma_start3A_197 = tpu.memref_slice %arg8[%add3A_193, %dma_start3A_196] : memref<16384x128xf32, #tpu.memory_space<hbm>> -> memref<128x128xf32, #tpu.memory_space<hbm>>
        tpu.enqueue_dma source(%arg15 : memref<128x128xf32, #tpu.memory_space<vmem>>) target(%dma_start3A_197 : memref<128x128xf32, #tpu.memory_space<hbm>>) target_semaphore(%run_scoped3A : memref<!tpu.dma_semaphore, #tpu.memory_space<semaphore_mem>>)
        %dma_wait3A_198 = arith.constant 0 : i32
        %dma_wait3A_199 = tpu.memref_slice %arg8[%add3A_193, %dma_wait3A_198] : memref<16384x128xf32, #tpu.memory_space<hbm>> -> memref<128x128xf32, #tpu.memory_space<hbm>>
        %dma_wait3A_200 = arith.constant 0 : i32
        %dma_wait3A_201 = tpu.memref_slice %arg8[%add3A_193, %dma_wait3A_200] : memref<16384x128xf32, #tpu.memory_space<hbm>> -> memref<128x128xf32, #tpu.memory_space<hbm>>
        tpu.wait_dma2 semaphore(%run_scoped3A : memref<!tpu.dma_semaphore, #tpu.memory_space<semaphore_mem>>) src(%arg15 : memref<128x128xf32, #tpu.memory_space<vmem>>) dst(%dma_wait3A_201 : memref<128x128xf32, #tpu.memory_space<hbm>>)
        tpu.yield
      }) : () -> ()
    } else {
    }
    return
  }
}

module attributes {stable_mosaic.version = 14 : i64} {
  func.func @_score_body(%arg0: i32, %arg1: memref<1x4096x128xf32, #tpu.memory_space<vmem>>, %arg2: memref<8x128xf32, #tpu.memory_space<vmem>>, %arg3: memref<1x128xf32, #tpu.memory_space<vmem>>, %arg4: memref<1x1x4096xf32, #tpu.memory_space<vmem>>, %arg5: memref<8x128xf32, #tpu.memory_space<vmem>>, %arg6: memref<2xf32, #tpu.memory_space<smem>>) attributes {dimension_semantics = [#tpu.dimension_semantics<arbitrary>], iteration_bounds = array<i64: 128>, scalar_prefetch = 0 : i64, scratch_operands = 1 : i64, tpu.core_type = #tpu.core_type<tc>, window_params = [{transform_indices = @transform_0, window_bounds = array<i64: 1, 4096, 128>}, {pipeline_mode = #tpu.pipeline_mode<synchronous>, transform_indices = @transform_1, window_bounds = array<i64: 8, 128>}, {pipeline_mode = #tpu.pipeline_mode<synchronous>, transform_indices = @transform_2, window_bounds = array<i64: 1, 128>}, {transform_indices = @transform_3, window_bounds = array<i64: 1, 1, 4096>}, {pipeline_mode = #tpu.pipeline_mode<synchronous>, transform_indices = @transform_4, window_bounds = array<i64: 8, 128>}]} {
    %eq3A = arith.constant 0 : i32
    %eq3A_0 = arith.cmpi eq, %arg0, %eq3A : i32
    %convert_element_type3A = arith.extui %eq3A_0 : i1 to i32
    %cond3A = arith.constant 0 : i32
    %cond3A_1 = arith.cmpi ne, %convert_element_type3A, %cond3A : i32
    scf.if %cond3A_1 {
      %swap3A_46 = arith.constant 0.000000e+00 : f32
      %swap3A_47 = arith.constant 0 : index
      %swap3A_48 = memref.load %arg6[%swap3A_47] : memref<2xf32, #tpu.memory_space<smem>>
      memref.store %swap3A_46, %arg6[%swap3A_47] : memref<2xf32, #tpu.memory_space<smem>>
      %swap3A_49 = arith.constant 0.000000e+00 : f32
      %swap3A_50 = arith.constant 1 : index
      %swap3A_51 = memref.load %arg6[%swap3A_50] : memref<2xf32, #tpu.memory_space<smem>>
      memref.store %swap3A_49, %arg6[%swap3A_50] : memref<2xf32, #tpu.memory_space<smem>>
    } else {
    }
    %get3A = arith.constant 0 : index
    %get3A_2 = arith.constant 0 : index
    %get3A_3 = arith.constant 0 : index
    %get3A_4 = vector.load %arg1[%get3A, %get3A_2, %get3A_3] : memref<1x4096x128xf32, #tpu.memory_space<vmem>>, vector<1x4096x128xf32>
    %get3A_5 = vector.shape_cast %get3A_4 : vector<1x4096x128xf32> to vector<4096x128xf32>
    %get3A_6 = arith.constant 0 : index
    %get3A_7 = arith.constant 0 : index
    %get3A_8 = vector.load %arg2[%get3A_6, %get3A_7] : memref<8x128xf32, #tpu.memory_space<vmem>>, vector<8x128xf32>
    %convert_element_type3A_9 = arith.truncf %get3A_5 : vector<4096x128xf32> to vector<4096x128xbf16>
    %convert_element_type3A_10 = arith.truncf %get3A_8 : vector<8x128xf32> to vector<8x128xbf16>
    %dot_general3A = arith.constant dense<0.000000e+00> : vector<8x4096xf32>
    %dot_general3A_11 = tpu.matmul %convert_element_type3A_10, %convert_element_type3A_9, %dot_general3A {dimension_numbers = #tpu.dot_dimension_numbers<[1], [1], [0], [0], [0, 0, 1, 0], [], []>, transpose_lhs_hint = false} : vector<8x128xbf16>, vector<4096x128xbf16>, vector<8x4096xf32> -> vector<8x4096xf32>
    %slice3A = vector.extract_strided_slice %dot_general3A_11 {offsets = [0, 0], sizes = [1, 4096], strides = [1, 1]} : vector<8x4096xf32> to vector<1x4096xf32>
    %squeeze3A = vector.shape_cast %slice3A : vector<1x4096xf32> to vector<4096xf32>
    %get3A_12 = arith.constant 0 : index
    %get3A_13 = arith.constant 0 : index
    %get3A_14 = vector.load %arg3[%get3A_12, %get3A_13] : memref<1x128xf32, #tpu.memory_space<vmem>>, vector<1x1xf32>
    %get3A_15 = vector.extract %get3A_14[0, 0] : f32 from vector<1x1xf32>
    %add3A = vector.broadcast %get3A_15 : f32 to vector<4096xf32>
    %add3A_16 = arith.addf %squeeze3A, %add3A : vector<4096xf32>
    %swap3A = arith.constant 0 : index
    %swap3A_17 = arith.constant 0 : index
    %swap3A_18 = arith.constant 0 : index
    %swap3A_19 = vector.load %arg4[%swap3A, %swap3A_17, %swap3A_18] : memref<1x1x4096xf32, #tpu.memory_space<vmem>>, vector<1x1x4096xf32>
    %swap3A_20 = vector.shape_cast %swap3A_19 : vector<1x1x4096xf32> to vector<4096xf32>
    %swap3A_21 = vector.shape_cast %add3A_16 : vector<4096xf32> to vector<1x1x4096xf32>
    tpu.vector_store %arg4[%swap3A, %swap3A_17, %swap3A_18], %swap3A_21 {strides = array<i32>} : memref<1x1x4096xf32, #tpu.memory_space<vmem>>, vector<1x1x4096xf32>,
    %get3A_22 = arith.constant 0 : index
    %get3A_23 = memref.load %arg6[%get3A_22] : memref<2xf32, #tpu.memory_space<smem>>
    %reduce_sum3A = vector.shape_cast %add3A_16 : vector<4096xf32> to vector<1x4096xf32>
    %reduce_sum3A_24 = arith.constant dense<0.000000e+00> : vector<1xf32>
    %reduce_sum3A_25 = vector.multi_reduction <add>, %reduce_sum3A, %reduce_sum3A_24 [1] : vector<1x4096xf32> to vector<1xf32>
    %reduce_sum3A_26 = vector.shape_cast %reduce_sum3A_25 : vector<1xf32> to vector<1x1xf32>
    %reduce_sum3A_27 = vector.extract %reduce_sum3A_26[0, 0] : f32 from vector<1x1xf32>
    %add3A_28 = arith.addf %get3A_23, %reduce_sum3A_27 : f32
    %swap3A_29 = arith.constant 0 : index
    %swap3A_30 = memref.load %arg6[%swap3A_29] : memref<2xf32, #tpu.memory_space<smem>>
    memref.store %add3A_28, %arg6[%swap3A_29] : memref<2xf32, #tpu.memory_space<smem>>
    %get3A_31 = arith.constant 1 : index
    %get3A_32 = memref.load %arg6[%get3A_31] : memref<2xf32, #tpu.memory_space<smem>>
    %mul3A = arith.mulf %add3A_16, %add3A_16 : vector<4096xf32>
    %reduce_sum3A_33 = vector.shape_cast %mul3A : vector<4096xf32> to vector<1x4096xf32>
    %reduce_sum3A_34 = arith.constant dense<0.000000e+00> : vector<1xf32>
    %reduce_sum3A_35 = vector.multi_reduction <add>, %reduce_sum3A_33, %reduce_sum3A_34 [1] : vector<1x4096xf32> to vector<1xf32>
    %reduce_sum3A_36 = vector.shape_cast %reduce_sum3A_35 : vector<1xf32> to vector<1x1xf32>
    %reduce_sum3A_37 = vector.extract %reduce_sum3A_36[0, 0] : f32 from vector<1x1xf32>
    %add3A_38 = arith.addf %get3A_32, %reduce_sum3A_37 : f32
    %swap3A_39 = arith.constant 1 : index
    %swap3A_40 = memref.load %arg6[%swap3A_39] : memref<2xf32, #tpu.memory_space<smem>>
    memref.store %add3A_38, %arg6[%swap3A_39] : memref<2xf32, #tpu.memory_space<smem>>
    %eq3A_41 = arith.constant 127 : i32
    %eq3A_42 = arith.cmpi eq, %arg0, %eq3A_41 : i32
    %convert_element_type3A_43 = arith.extui %eq3A_42 : i1 to i32
    %cond3A_44 = arith.constant 0 : i32
    %cond3A_45 = arith.cmpi ne, %convert_element_type3A_43, %cond3A_44 : i32
    scf.if %cond3A_45 {
      %get3A_46 = arith.constant 0 : index
      %get3A_47 = memref.load %arg6[%get3A_46] : memref<2xf32, #tpu.memory_space<smem>>
      %div3A = arith.constant 5.242880e+05 : f32
      %div3A_48 = arith.divf %get3A_47, %div3A : f32
      %get3A_49 = arith.constant 1 : index
      %get3A_50 = memref.load %arg6[%get3A_49] : memref<2xf32, #tpu.memory_space<smem>>
      %div3A_51 = arith.constant 5.242880e+05 : f32
      %div3A_52 = arith.divf %get3A_50, %div3A_51 : f32
      %mul3A_53 = arith.mulf %div3A_48, %div3A_48 : f32
      %sub3A = arith.subf %div3A_52, %mul3A_53 : f32
      %add3A_54 = arith.constant 9.99999974E-6 : f32
      %add3A_55 = arith.addf %sub3A, %add3A_54 : f32
      %sqrt3A = math.sqrt %add3A_55 : f32
      %div3A_56 = arith.constant 1.000000e+00 : f32
      %div3A_57 = arith.divf %div3A_56, %sqrt3A : f32
      %broadcast_in_dim3A = vector.broadcast %div3A_48 : f32 to vector<1x128xf32>
      %broadcast_in_dim3A_58 = vector.broadcast %div3A_57 : f32 to vector<1x128xf32>
      %broadcast_in_dim3A_59 = arith.constant 0.000000e+00 : f32
      %broadcast_in_dim3A_60 = vector.broadcast %broadcast_in_dim3A_59 : f32 to vector<6x128xf32>
      %concatenate3A = tpu.concatenate %broadcast_in_dim3A, %broadcast_in_dim3A_58, %broadcast_in_dim3A_60 in 0 : vector<1x128xf32>, vector<1x128xf32>, vector<6x128xf32> -> vector<8x128xf32>
      %swap3A_61 = arith.constant 0 : index
      %swap3A_62 = arith.constant 0 : index
      %swap3A_63 = vector.load %arg5[%swap3A_61, %swap3A_62] : memref<8x128xf32, #tpu.memory_space<vmem>>, vector<8x128xf32>
      tpu.vector_store %arg5[%swap3A_61, %swap3A_62], %concatenate3A {strides = array<i32>} : memref<8x128xf32, #tpu.memory_space<vmem>>, vector<8x128xf32>,
    } else {
    }
    return
  }
  func.func @transform_0(%arg0: i32) -> (i32, i32, i32) {
    %c0_i32 = arith.constant 0 : i32
    %c0_i32_0 = arith.constant 0 : i32
    %c0_i32_1 = arith.constant 0 : i32
    return %arg0, %c0_i32, %c0_i32_0 : i32, i32, i32
  }
  func.func @transform_1(%arg0: i32) -> (i32, i32) {
    %c0_i32 = arith.constant 0 : i32
    %c0_i32_0 = arith.constant 0 : i32
    %c0_i32_1 = arith.constant 0 : i32
    return %c0_i32, %c0_i32_0 : i32, i32
  }
  func.func @transform_2(%arg0: i32) -> (i32, i32) {
    %c0_i32 = arith.constant 0 : i32
    %c0_i32_0 = arith.constant 0 : i32
    %c0_i32_1 = arith.constant 0 : i32
    return %c0_i32, %c0_i32_0 : i32, i32
  }
  func.func @transform_3(%arg0: i32) -> (i32, i32, i32) {
    %c0_i32 = arith.constant 0 : i32
    %c0_i32_0 = arith.constant 0 : i32
    %c0_i32_1 = arith.constant 0 : i32
    return %arg0, %c0_i32, %c0_i32_0 : i32, i32, i32
  }
  func.func @transform_4(%arg0: i32) -> (i32, i32) {
    %c0_i32 = arith.constant 0 : i32
    %c0_i32_0 = arith.constant 0 : i32
    %c0_i32_1 = arith.constant 0 : i32
    return %c0_i32, %c0_i32_0 : i32, i32
  }
}

</mosaic_0001>

<sc_bundles>
// kernel: kernel.4.cloned.1.call-start
scs
__scs_entry_jumppad:
0x0: {  	(pc) =	sbr.rel $0x88, $3  }
0x1: {  	(tag) =	ssettag $0x0;
	lr =	simm.s32 $0x1  }
0x2: {  	[smem:$0x3F9C] =	sst lr;
	_ =	strace $0xD0000000  }
0x3: {  	_ = 	snop  }
0x4: {  	_ = 	snop  }
0x5: {  	_ = 	snop  }
0x6: {  	_ = 	snop  }
0x7: {  	_ = 	snop  }
__scs_overlays_trampoline_lowered:
0x8: {  	[smem:$0x3FAB] =	sst s0  }
0x9: {  	[smem:$0x3FAC] =	sst s1  }
0xa: {  	[smem:$0x3FAD] =	sst s2  }
0xb: {  	[smem:$0x3FAE] =	sst s3  }
0xc: {  	[smem:$0x3FAF] =	sst s4  }
0xd: {  	[smem:$0x3FB0] =	sst s5  }
0xe: {  	[smem:$0x3FB1] =	sst s6  }
0xf: {  	[smem:$0x3FB2] =	sst s7  }
0x10: {  	[smem:$0x3FB3] =	sst s8  }
0x11: {  	[smem:$0x3FB4] =	sst s9;
	s0 =	simm.s32 @!p0 $0x0  }
0x12: {  	s1 =	sld [smem:$0x3F9A];
	s0 =	simm.s32 @p0 $0x1  }
0x13: {  	[smem:$0x3FB5] =	sst s0;
	s0 =	simm.s32 @!p1 $0x0  }
0x14: {  	s2 =	sld [smem:$0x3F99];
	s0 =	simm.s32 @p1 $0x1  }
0x15: {  	[smem:$0x3FB6] =	sst s0;
	s0 =	simm.s32 @!p2 $0x0  }
0x16: {  	s3 =	sld [smem:$0x3FDB];
	s0 =	simm.s32 @p2 $0x1  }
0x17: {  	s4 =	simm.s32 $0x1BF5;
	[smem:$0x3FB8] =	sst s0  }
0x18: {  	s0 =	sld [smem:$0x3F9B];
	_ =	swait.ge [sflag:s4], $0x0  }
0x19: {  	s7 =	sld [smem:$0x3F9C]  }
0x1a: {  	s8 =	sadd.s32 $0xFFFFE003, lr  }
0x1b: {  	s9 =	sadd.s32 $0xFFFFFEF7, lr;
	s5 =	simm.s32 $0xFFFFFFFF;
	p2 =	slt.u32 s8, $0xFFFFF086  }
0x1c: {  	p1 =	slt.u32 s9, $0xF7A;
	s5 =	simm.s32 @!p2 $0x0  }
0x1d: {  	s5 =	simm.s32 @p1 $0x1;
	p0 =	seq.s32 s7, s2  }
0x1e: {  	s7 =	smul.u32 @!p0 $0xF7A, s2;
	p2 =	seq.s32 @!p0 s5, $0x0  }
0x1f: {  	s9 =	smul.u32 $0xF7A, s1;
	s8 =	simm.s32 @!p0 $0x1BF5;
	p2 =	por !p2, p0  }
0x20: {  	[sflag:s8] =	ssyncset.s32 @!p0 $0xFFFFF086;
	s6 =	sadd.s32 @!p0 s3, s7;
	s7 =	simm.s32 @!p0 $0x108  }
0x21: {  	s3 =	sadd.s32 s3, s9;
	s6 =	sadd.s32 @!p0 $0x88, s6;
	s7 =	simm.s32 @p2 $0x1082  }
0x22: {  	[simem:s7], [sflag:s8] =	dma.local @!p0 [hbm:s6], $0xF7A  }
0x23: {  	s9 =	sor.u32 $0xD0000000, s2;
	s6 =	simm.s32 $0x108;
	_ =	swait.ge @!p0 [sflag:s8], $0x0  }
0x24: {  	s3 =	sadd.s32 $0x88, s3;
	s6 =	simm.s32 @!p1 $0x1082;
	[sflag:s4] =	ssyncset.s32 $0xFFFFF086  }
0x25: {  	[simem:s6], [sflag:s4] =	dma.local [hbm:s3], $0xF7A  }
0x26: {  	[smem:$0x3F9C] =	sst s1;
	(tag) =	ssettag s2;
	_ =	strace s9  }
0x27: {  	s1 =	sld [smem:$0x3FAC]  }
0x28: {  	s2 =	sld [smem:$0x3FAD]  }
0x29: {  	s4 =	sld [smem:$0x3FAF]  }
0x2a: {  	p0 =	seq.s32 s5, $0x0;
	s5 =	sld [smem:$0x3FB0]  }
0x2b: {  	s6 =	sld [smem:$0x3FB1]  }
0x2c: {  	s7 =	sld [smem:$0x3FB2]  }
0x2d: {  	s3 =	simm.s32 $0x108;
	s8 =	sld [smem:$0x3FB3]  }
0x2e: {  	s3 =	simm.s32 @!p0 $0x1082;
	s9 =	sld [smem:$0x3FB4]  }
0x2f: {  	lr =	sadd.s32 s0, s3;
	s0 =	sld [smem:$0x3FAB]  }
0x30: {  	s3 =	sld [smem:$0x3FAE]  }
0x31: {  	[smem:$0x3FB7] =	sst s10  }
0x32: {  	s10 =	sld [smem:$0x3FB5];
	_ =	sdelay $0x3  }
0x33: {  	p0 =	seq.s32 s10, $0x1;
	s10 =	sld [smem:$0x3FB7];
	_ =	sdelay $0x3  }
0x34: {  	[smem:$0x3FB7] =	sst s10  }
0x35: {  	s10 =	sld [smem:$0x3FB6];
	_ =	sdelay $0x3  }
0x36: {  	p1 =	seq.s32 s10, $0x1;
	s10 =	sld [smem:$0x3FB7];
	_ =	sdelay $0x3  }
0x37: {  	[smem:$0x3FB7] =	sst s10  }
0x38: {  	s10 =	sld [smem:$0x3FB8]  }
0x39: {  	_ = 	snop;
	(pc) =	sbr.ind lr, $3  }
0x3a: {  	_ = 	snop  }
0x3b: {  	_ = 	snop  }
0x3c: {  	p2 =	seq.s32 s10, $0x1;
	s10 =	sld [smem:$0x3FB7]  }
0x3d: {  	_ =	shalt  }
0x3e: {  	_ =	shalt  }
0x3f: {  	_ =	shalt  }
0x40: {  	_ =	shalt  }
0x41: {  	_ =	shalt  }
0x42: {  	_ =	shalt  }
0x43: {  	_ =	shalt  }
0x44: {  	_ =	shalt  }
0x45: {  	_ =	shalt  }
0x46: {  	_ =	shalt  }
0x47: {  	_ =	shalt  }
0x48: {  	_ =	shalt  }
0x49: {  	_ =	shalt  }
0x4a: {  	_ =	shalt  }
0x4b: {  	_ =	shalt  }
0x4c: {  	_ =	shalt  }
0x4d: {  	_ =	shalt  }
0x4e: {  	_ =	shalt  }
0x4f: {  	_ =	shalt  }
0x50: {  	_ =	shalt  }
0x51: {  	_ =	shalt  }
0x52: {  	_ =	shalt  }
0x53: {  	_ =	shalt  }
0x54: {  	_ =	shalt  }
0x55: {  	_ =	shalt  }
0x56: {  	_ =	shalt  }
0x57: {  	_ =	shalt  }
0x58: {  	_ =	shalt  }
0x59: {  	_ =	shalt  }
0x5a: {  	_ =	shalt  }
0x5b: {  	_ =	shalt  }
0x5c: {  	_ =	shalt  }
0x5d: {  	_ =	shalt  }
0x5e: {  	_ =	shalt  }
0x5f: {  	_ =	shalt  }
0x60: {  	_ =	shalt  }
0x61: {  	_ =	shalt  }
0x62: {  	_ =	shalt  }
0x63: {  	_ =	shalt  }
0x64: {  	_ =	shalt  }
0x65: {  	_ =	shalt  }
0x66: {  	_ =	shalt  }
0x67: {  	_ =	shalt  }
0x68: {  	_ =	shalt  }
0x69: {  	_ =	shalt  }
0x6a: {  	_ =	shalt  }
0x6b: {  	_ =	shalt  }
0x6c: {  	_ =	shalt  }
0x6d: {  	_ =	shalt  }
0x6e: {  	_ =	shalt  }
0x6f: {  	_ =	shalt  }
0x70: {  	_ =	shalt  }
0x71: {  	_ =	shalt  }
0x72: {  	_ =	shalt  }
0x73: {  	_ =	shalt  }
0x74: {  	_ =	shalt  }
0x75: {  	_ =	shalt  }
0x76: {  	_ =	shalt  }
0x77: {  	_ =	shalt  }
0x78: {  	_ =	shalt  }
0x79: {  	_ =	shalt  }
0x7a: {  	_ =	shalt  }
0x7b: {  	_ =	shalt  }
0x7c: {  	_ =	shalt  }
0x7d: {  	_ =	shalt  }
0x7e: {  	_ =	shalt  }
0x7f: {  	_ =	shalt  }
0x80: {  	_ =	shalt  }
0x81: {  	_ =	shalt  }
0x82: {  	_ =	shalt  }
0x83: {  	_ =	shalt  }
0x84: {  	_ =	shalt  }
0x85: {  	_ =	shalt  }
0x86: {  	_ =	shalt  }
0x87: {  	_ =	shalt  }
.Lfunc_end0:
.L_simem_size_0:
called_computation_lowered:
.L_overlay_start_0:
0x88: {  	s2 =	sld [smem:$0x3FD9]  }
0x89: {  	s3 =	sld [smem:$0x3FFE];
	_ =	sdelay $0x1  }
0x8a: {  	s1 =	srdreg.scid  }
0x8b: {  	s0 =	sand.u32 $0x1, s1  }
0x8c: {  	s17 =	sshll.u32 s0, $0xA;
	s2 =	sadd.s32 s3, s2  }
0x8d: {  	s2 =	sadd.s32 s2, s17  }
0x8e: {  	[smem:$0x3FC3] =	sst s2  }
0x8f: {  	_ = 	snop  }
0x90: {  	s2 =	sld [smem:$0x3FC9]  }
0x91: {  	s18 =	sld [smem:$0x3FD0];
	(tm) =	ssettm $0x1  }
0x92: {  	s4 =	sld [smem:$0x3FFB];
	_ =	sdelay $0x3  }
0x93: {  	_ =	strace s4  }
0x94: {  	s4 =	sld [smem:$0x3FFC];
	_ =	sdelay $0x3  }
0x95: {  	_ =	strace s4  }
0x96: {  	s4 =	sld [smem:$0x3FFD];
	_ =	sdelay $0x3  }
0x97: {  	_ =	strace s4  }
0x98: {  	_ =	strace $0x8FFFFFFF  }
0x99: {  	s19 =	sld [smem:$0x3FDB];
	_ =	sdelay $0x1  }
0x9a: {  	s5 =	simm.s32 $_scs_section_size  }
0x9b: {  	s6 =	simm.s32 $_size__tile_overlayer_lowered;
	s7 =	simm.s32 $_tile_overlayer_lowered  }
0x9c: {  	s22 =	simm.s32 $0x1BFF;
	s21 =	sshll.u32 s7, $0x1;
	s4 =	sadd.s32 s5, s19  }
0x9d: {  	s8 =	simm.s32 $0x0;
	s20 =	sshll.u32 s6, $0x1;
	s6 =	sadd.s32 s21, s4  }
0x9e: {  	[timem:s8], [sflag:s22] =	dma.local [hbm:s6], s20  }
0x9f: {  	_ =	swait.ge [sflag:s22], s20  }
0xa0: {  	s5 =	ssub.s32 $0x0, s20;
	[sflag:s22] =	ssyncset.done $0x0  }
0xa1: {  	[sflag:s22] =	ssyncadd.s32 s5;
	_ =	sdelay $0x1  }
0xa2: {  	s23 =	simm.s32 $0x1B8B  }
0xa3: {  	_ =	swait.ge [sflag:s23], $0x1  }
0xa4: {  	[sflag:s23] =	ssyncset.done $0x0  }
0xa5: {  	s25 =	simm.s32 $0x1B8E;
	s24 =	sld [smem:$0x3FFE];
	[sflag:s23] =	ssyncadd.s32 $0xFFFFFFFF  }
0xa6: {  	s26 =	simm.s32 $execute0_lowered;
	[smem:$0x3FD2] =	sst s25  }
0xa7: {  	s6 =	sshll.u32 s26, $0x1;
	_ =	strace $0x80000046;
	[dreg:$0x1] =	wrdreg $0xFFFFFFFF  }
0xa8: {  	s28 =	simm.s32 $_size_execute0_lowered;
	s4 =	sadd.s32 s4, s6;
	[dreg:$0x0] =	wrdreg $0x0  }
0xa9: {  	s6 =	sshll.u32 s28, $0x1;
	[dreg:$0x2] =	wrdreg s4  }
0xaa: {  	[dreg:$0x3] =	wrdreg s6  }
0xab: {  	[dreg:$0x4] =	wrdreg $0xC0  }
0xac: {  	_ =	task [dreg:s8], $0x5FFFF  }
0xad: {  	[dreg:$0x1] =	wrdreg $0xFFFFFFFF  }
0xae: {  	[dreg:$0x0] =	wrdreg $0x60  }
0xaf: {  	[dreg:$0x2] =	wrdreg s24  }
0xb0: {  	[dreg:$0x3] =	wrdreg s2  }
0xb1: {  	[dreg:$0x4] =	wrdreg s18  }
0xb2: {  	[dreg:$0x5] =	wrdreg $0x9  }
0xb3: {  	_ =	task.clear_ibuf [dreg:s8], $0x6FFFF;
	_ =	strace $0x90000046  }
0xb4: {  	s29 =	simm.s32 $0x9;
	_ =	strace $0x80000048  }
0xb5: {  	_ =	swait.ge [sflag:s29], $0x1  }
0xb6: {  	[sflag:s29] =	ssyncadd.s32 $0xFFFFFFFF  }
0xb7: {  	_ =	strace $0x90000048  }
0xb8: {  	_ =	sfence  }
0xb9: {  	s30 =	sld [smem:$0x0];
	_ =	sdelay $0x2  }
0xba: {  	s31 =	sshll.u32 s1, $0xD;
	s1 =	sshrl.u32 s1, $0x2  }
0xbb: {  	s3 =	sand.u32 $0x4000, s31;
	s1 =	sadd.s32 s1, s30  }
0xbc: {  	s0 =	sor.u32 s3, s0;
	s1 =	sshll.u32 s1, $0x11  }
0xbd: {  	s0 =	sor.u32 s1, s0  }
0xbe: {  	s0 =	sadd.s32 $0x8F2B, s0  }
0xbf: {  	[sflag:s0] =	ssyncadd.remote.s32 $0x1  }
0xc0: {  	_ =	sfence.sel $0xFFFF  }
0xc1: {  	[dreg:$0x0] =	wrdreg $0xFFFFFFFF;
	(pc) =	sbr.abs _section_cstart, $3  }
0xc2: {  	[dreg:$0x1] =	wrdreg $0xFFFFFFFF  }
0xc3: {  	_ =	task.clear_ibuf [dreg:s8], $0x2FFFF;
	_ =	strace $0x9FFFFFFF  }
0xc4: {  	(tm) =	ssettm $0x7FFFFFFF  }
0xc5: {  	_ =	shalt  }
tec
execute0_lowered:
.L_overlay_start_1:
0x0: {  	(tag) =	ssettag $0x1  }
0x1: {  	s2 =	stileid.u32  }
0x2: {  	p0 =	sgt.u32 s2, $0x7  }
.Ltmp0:
0x3: {  	_ = 	snop;
	(pc) =	sbr.rel @p0 .LBB2_42-.Ltmp0, $4  }
0x4: {  	s0 =	rddreg [dreg:$0x0]  }
0x5: {  	s11 =	rddreg [dreg:$0x1];
	s3 =	simm.s32 $0x0  }
0x6: {  	[smem:$0x7FF] =	sst s3  }
0x7: {  	s1 =	rddreg [dreg:$0x2];
	_ =	strace $0x80000047  }
0x8: {  	s4 =	srdreg.scid;
	s2 =	stileid.u32  }
0x9: {  	s12 =	sadd.s32 $0x10A00, s0;
	s13 =	sadd.s32 $0x10800, s0;
	s14 =	sadd.s32 $0x10C00, s0  }
0xa: {  	s16 =	sadd.s32 $0x600, s0;
	s28 =	simm.s32 $0x10D00;
	[dreg:$0x4] =	wrdreg s12  }
0xb: {  	s30 =	simm.s32 $0x10000;
	s31 =	simm.s32 $0x0;
	[dreg:$0x5] =	wrdreg s13  }
0xc: {  	s4 =	sand.u32 $0x1, s4;
	s5 =	sshll.u32 s2, $0x1;
	[dreg:$0x6] =	wrdreg s14  }
0xd: {  	s6 =	sshll.u32 s2, $0x10;
	[dreg:$0x8] =	wrdreg s16;
	s5 =	sor.u32 s4, s5  }
0xe: {  	s20 =	ssub.s32 $0x2, s4;
	s24 =	sshll.u32 s4, $0xF;
	s7 =	sshll.u32 s5, $0x7  }
0xf: {  	s5 =	sshll.u32 s5, $0xE;
	s21 =	sshrl.u32 s20, $0x1;
	s26 =	sor.u32 s24, s6  }
0x10: {  	s24 =	simm.s32 $0x10500;
	s15 =	sadd.s32 s1, s5;
	[dreg:$0x12] =	wrdreg s26  }
0x11: {  	s7 =	sor.u32 s7, s6;
	s1 =	sadd.s32 $0x2800, s15;
	[dreg:$0x7] =	wrdreg s15  }
0x12: {  	s26 =	simm.s32 $0x1;
	s23 =	sadd.s32 $0x3000, s15;
	[dreg:$0xe] =	wrdreg s1  }
0x13: {  	s7 =	sand.u32 $0x40380, s7;
	s25 =	sadd.s32 $0x3800, s15;
	[dreg:$0xf] =	wrdreg s23  }
0x14: {  	s18 =	sadd.s32 $0x800, s15;
	s19 =	sadd.s32 $0x1000, s15;
	[dreg:$0x10] =	wrdreg s25  }
0x15: {  	s22 =	sadd.s32 $0x1800, s15;
	s29 =	sadd.s32 $0x2000, s15;
	[dreg:$0xa] =	wrdreg s18  }
.Ltmp1:
0x16: {  	s7 =	sshrl.u32 s7, $0x3;
	[dreg:$0xb] =	wrdreg s19;
	(pc) =	sbr.rel .LBB2_2-.Ltmp1, $4  }
0x17: {  	[dreg:$0xc] =	wrdreg s22;
	s7 =	sadd.s32 s7, s0;
	s0 =	ssub.s32 s20, s21  }
0x18: {  	s23 =	simm.s32 $0x10100;
	[dreg:$0xd] =	wrdreg s29;
	s0 =	smax.u32 s0, $0x1  }
0x19: {  	s25 =	simm.s32 $0x10900;
	s17 =	sadd.s32 $0x800, s7;
	[dreg:$0x11] =	wrdreg s0  }
0x1a: {  	v0 =	vimm.s32 $0x0;
	v1 =	vlaneseq.u32;
	v2 =	vimm.s32 $0x1;
	s20 =	simm.s32 $0x2;
	s21 =	simm.s32 $0x80;
	[dreg:$0x9] =	wrdreg s17  }
.LBB2_41:
0x1b: {  	[tilespmem:s28], [sflag:$0x1] =	stream.indirect.gather [hbm4b:s11+s21], $0x80, s23, s21, $0xb8;
	[tilespmem:$0x14D80] =	vst v63  }
0x1c: {  	_ =	swait.ge [sflag:s26], $0x4000  }
0x1d: {  	[sflag:s26] =	ssyncset.done $0x0  }
0x1e: {  	[sflag:s26] =	ssyncadd.s32 $0xFFFFC000  }
0x1f: {  	[hbm4b:s15+s3] =	stream.linear.scatter [tilespmem:s28], [sflag:$0x2], $0x4000, $0x38;
	[tilespmem:$0x14D80] =	vst v63  }
0x20: {  	_ =	swait.ge [sflag:s20], $0x4000  }
0x21: {  	[sflag:s20] =	ssyncset.done $0x0  }
0x22: {  	s0 =	simm.s32 $0x10180;
	[sflag:s20] =	ssyncadd.s32 $0xFFFFC000  }
0x23: {  	[tilespmem:s28], [sflag:$0x1] =	stream.indirect.gather [hbm4b:s11+s21], $0x80, s0, s21, $0xb8;
	[tilespmem:$0x14D80] =	vst v63  }
0x24: {  	_ =	swait.ge [sflag:s26], $0x4000  }
0x25: {  	[sflag:s26] =	ssyncset.done $0x0  }
0x26: {  	[sflag:s26] =	ssyncadd.s32 $0xFFFFC000  }
0x27: {  	[hbm4b:s18+s3] =	stream.linear.scatter [tilespmem:s28], [sflag:$0x2], $0x4000, $0x38;
	[tilespmem:$0x14D80] =	vst v63  }
0x28: {  	_ =	swait.ge [sflag:s20], $0x4000  }
0x29: {  	[sflag:s20] =	ssyncset.done $0x0  }
0x2a: {  	s10 =	simm.s32 $0x10200;
	[sflag:s20] =	ssyncadd.s32 $0xFFFFC000  }
0x2b: {  	[tilespmem:s28], [sflag:$0x1] =	stream.indirect.gather [hbm4b:s11+s21], $0x80, s10, s21, $0xb8;
	[tilespmem:$0x14D80] =	vst v63  }
0x2c: {  	_ =	swait.ge [sflag:s26], $0x4000  }
0x2d: {  	[sflag:s26] =	ssyncset.done $0x0  }
0x2e: {  	[sflag:s26] =	ssyncadd.s32 $0xFFFFC000  }
0x2f: {  	[hbm4b:s19+s3] =	stream.linear.scatter [tilespmem:s28], [sflag:$0x2], $0x4000, $0x38;
	[tilespmem:$0x14D80] =	vst v63  }
0x30: {  	_ =	swait.ge [sflag:s20], $0x4000  }
0x31: {  	[sflag:s20] =	ssyncset.done $0x0  }
0x32: {  	s1 =	simm.s32 $0x10280;
	[sflag:s20] =	ssyncadd.s32 $0xFFFFC000  }
0x33: {  	[tilespmem:s28], [sflag:$0x1] =	stream.indirect.gather [hbm4b:s11+s21], $0x80, s1, s21, $0xb8;
	[tilespmem:$0x14D80] =	vst v63  }
0x34: {  	_ =	swait.ge [sflag:s26], $0x4000  }
0x35: {  	[sflag:s26] =	ssyncset.done $0x0  }
0x36: {  	[sflag:s26] =	ssyncadd.s32 $0xFFFFC000  }
0x37: {  	[hbm4b:s22+s3] =	stream.linear.scatter [tilespmem:s28], [sflag:$0x2], $0x4000, $0x38;
	[tilespmem:$0x14D80] =	vst v63  }
0x38: {  	_ =	swait.ge [sflag:s20], $0x4000  }
0x39: {  	[sflag:s20] =	ssyncset.done $0x0  }
0x3a: {  	s2 =	simm.s32 $0x10300;
	[sflag:s20] =	ssyncadd.s32 $0xFFFFC000  }
0x3b: {  	[tilespmem:s28], [sflag:$0x1] =	stream.indirect.gather [hbm4b:s11+s21], $0x80, s2, s21, $0xb8;
	[tilespmem:$0x14D80] =	vst v63  }
0x3c: {  	_ =	swait.ge [sflag:s26], $0x4000  }
0x3d: {  	[sflag:s26] =	ssyncset.done $0x0  }
0x3e: {  	[sflag:s26] =	ssyncadd.s32 $0xFFFFC000  }
0x3f: {  	[hbm4b:s29+s3] =	stream.linear.scatter [tilespmem:s28], [sflag:$0x2], $0x4000, $0x38;
	[tilespmem:$0x14D80] =	vst v63  }
0x40: {  	_ =	swait.ge [sflag:s20], $0x4000  }
0x41: {  	[sflag:s20] =	ssyncset.done $0x0  }
0x42: {  	s4 =	simm.s32 $0x10380;
	[sflag:s20] =	ssyncadd.s32 $0xFFFFC000  }
0x43: {  	[tilespmem:s28], [sflag:$0x1] =	stream.indirect.gather [hbm4b:s11+s21], $0x80, s4, s21, $0xb8;
	[tilespmem:$0x14D80] =	vst v63  }
0x44: {  	_ =	swait.ge [sflag:s26], $0x4000  }
0x45: {  	[sflag:s26] =	ssyncset.done $0x0  }
0x46: {  	s5 =	rddreg [dreg:$0xe];
	[sflag:s26] =	ssyncadd.s32 $0xFFFFC000  }
0x47: {  	[hbm4b:s5+s3] =	stream.linear.scatter [tilespmem:s28], [sflag:$0x2], $0x4000, $0x38;
	[tilespmem:$0x14D80] =	vst v63  }
0x48: {  	_ =	swait.ge [sflag:s20], $0x4000  }
0x49: {  	[sflag:s20] =	ssyncset.done $0x0  }
0x4a: {  	s6 =	simm.s32 $0x10400;
	[sflag:s20] =	ssyncadd.s32 $0xFFFFC000  }
0x4b: {  	[tilespmem:s28], [sflag:$0x1] =	stream.indirect.gather [hbm4b:s11+s21], $0x80, s6, s21, $0xb8;
	[tilespmem:$0x14D80] =	vst v63  }
0x4c: {  	_ =	swait.ge [sflag:s26], $0x4000  }
0x4d: {  	[sflag:s26] =	ssyncset.done $0x0  }
0x4e: {  	s7 =	rddreg [dreg:$0xf];
	[sflag:s26] =	ssyncadd.s32 $0xFFFFC000  }
0x4f: {  	[hbm4b:s7+s3] =	stream.linear.scatter [tilespmem:s28], [sflag:$0x2], $0x4000, $0x38;
	[tilespmem:$0x14D80] =	vst v63  }
0x50: {  	_ =	swait.ge [sflag:s20], $0x4000  }
0x51: {  	[sflag:s20] =	ssyncset.done $0x0  }
0x52: {  	s8 =	simm.s32 $0x10480;
	[sflag:s20] =	ssyncadd.s32 $0xFFFFC000  }
0x53: {  	[tilespmem:s28], [sflag:$0x1] =	stream.indirect.gather [hbm4b:s11+s21], $0x80, s8, s21, $0xb8;
	[tilespmem:$0x14D80] =	vst v63  }
0x54: {  	_ =	swait.ge [sflag:s26], $0x4000  }
0x55: {  	[sflag:s26] =	ssyncset.done $0x0  }
0x56: {  	s9 =	rddreg [dreg:$0x10];
	[sflag:s26] =	ssyncadd.s32 $0xFFFFC000  }
0x57: {  	[hbm4b:s9+s3] =	stream.linear.scatter [tilespmem:s28], [sflag:$0x2], $0x4000, $0x38;
	[tilespmem:$0x14D80] =	vst v63  }
0x58: {  	_ =	swait.ge [sflag:s20], $0x4000  }
0x59: {  	s31 =	sadd.s32 $0x1, s31;
	s10 =	rddreg [dreg:$0x11]  }
0x5a: {  	p0 =	sne.s32 s31, s10  }
.Ltmp2:
0x5b: {  	_ = 	snop;
	(pc) =	sbr.rel @!p0 .LBB2_42-.Ltmp2, $3  }
0x5c: {  	_ =	sdelay $0x1  }
0x5d: {  	[sflag:s20] =	ssyncset.done $0x0  }
0x5e: {  	[sflag:s20] =	ssyncadd.s32 $0xFFFFC000  }
.LBB2_2:
0x5f: {  	s0 =	simm.s32 $0x0;
	s1 =	simm.s32 $0x14D00  }
0x60: {  	[tilespmem:s1], [sflag:$0x2] =	stream.linear.gather [hbm4b:s12+s0], $0x80, $0x38;
	[tilespmem:$0x14D80] =	vst v63  }
0x61: {  	_ =	swait.ge [sflag:s20], $0x80  }
0x62: {  	[sflag:s20] =	ssyncset.done $0x0  }
0x63: {  	[sflag:s20] =	ssyncadd.s32 $0xFFFFFF80  }
0x64: {  	v3 =	vld [tilespmem:$0x14D00];
	[tilespmem:s1], [sflag:$0x2] =	stream.linear.gather [hbm4b:s13+s0], $0x80, $0x38  }
0x65: {  	_ =	swait.ge [sflag:s20], $0x80  }
0x66: {  	[sflag:s20] =	ssyncset.done $0x0  }
0x67: {  	[sflag:s20] =	ssyncadd.s32 $0xFFFFFF80  }
0x68: {  	v4 =	vld [tilespmem:$0x14D00];
	[tilespmem:s1], [sflag:$0x2] =	stream.linear.gather [hbm4b:s14+s0], $0x80, $0x38  }
0x69: {  	_ =	swait.ge [sflag:s20], $0x80  }
0x6a: {  	[sflag:s20] =	ssyncset.done $0x0  }
0x6b: {  	[sflag:s20] =	ssyncadd.s32 $0xFFFFFF80  }
0x6c: {  	v5 =	vld [tilespmem:$0x14D00];
	[tilespmem:s1], [sflag:$0x2] =	stream.linear.gather [hbm4b:s16+s0], $0x80, $0x38  }
0x6d: {  	_ =	swait.ge [sflag:s20], $0x80  }
0x6e: {  	[sflag:s20] =	ssyncset.done $0x0  }
0x6f: {  	s10 =	simm.s32 $0x400;
	[sflag:s20] =	ssyncadd.s32 $0xFFFFFF80  }
0x70: {  	v6 =	vld [tilespmem:$0x14D00];
	[tilespmem:s0], [sflag:$0x2] =	stream.strided.gather [hbm4b:s17+s21], $0x8000, s10, s21, $0x38  }
0x71: {  	_ =	swait.ge [sflag:s20], $0x8000  }
0x72: {  	[sflag:s20] =	ssyncset.done $0x0  }
0x73: {  	s4 =	simm.s32 $0x0;
	[sflag:s20] =	ssyncadd.s32 $0xFFFF8000  }
0x74: {  	s5 =	simm.s32 $0x10;
	v7 =	vld [tilespmem:s4+$0x0]  }
0x75: {  	v8 =	vld [tilespmem:s5+$0x0];
	_ =	sdelay $0x3  }
0x76: {  	v7 =	vsub.f32 v7, v3  }
0x77: {  	s6 =	simm.s32 $0x20;
	v8 =	vsub.f32 v8, v3  }
0x78: {  	v9 =	vld [tilespmem:s6+$0x0];
	v7 =	vmul.f32 v7, v4  }
0x79: {  	v8 =	vmul.f32 v8, v4  }
0x7a: {  	v7 =	vmul.f32 v7, v5  }
0x7b: {  	v8 =	vmul.f32 v8, v5  }
0x7c: {  	v7 =	vadd.f32 v7, v6  }
0x7d: {  	v9 =	vsub.f32 v9, v3;
	v8 =	vadd.f32 v8, v6  }
0x7e: {  	v7 =	vmax.f32 v7, $0.0e+00  }
0x7f: {  	v9 =	vmul.f32 v9, v4;
	v8 =	vmax.f32 v8, $0.0e+00;
	vm0 =	vgt.s32 v7, $0x0  }
0x80: {  	vm10 =	vlt.s32 v7, $0x1;
	vm1 =	vgt.s32 v8, $0x0;
	vm11 =	vlt.s32 v8, $0x1  }
0x81: {  	v10 =	vnsel vm0, $0x0, v7;
	v7 =	vsel vm10, $0x1, v0;
	v11 =	vnsel vm1, $0x0, v8  }
0x82: {  	s1 =	simm.s32 $0x30;
	v8 =	vmul.f32 v9, v5;
	v9 =	vsel vm11, $0x1, v0;
	[tilespmem:s4+$0x8000] =	vst v10;
	(xrf0) =	vadd.scan.msk.s32 $0xffff, v7  }
0x83: {  	v10 =	vld [tilespmem:s1+$0x0];
	(xrf0) =	vadd.scan.msk.s32 $0xffff, v9;
	_ =	sdelay $0x4  }
0x84: {  	s4 =	simm.s32 $0x40;
	[tilespmem:s5+$0x8000] =	vst v11;
	v7 =	vsub.f32 v10, v3;
	v9, _, _ =	vpop (xrf0)  }
0x85: {  	v8 =	vadd.f32 v8, v6;
	v10 =	vld [tilespmem:s4+$0x0];
	(v2sf) =	vpush v9, $0xF;
	v11, _, _ =	vpop (xrf0)  }
0x86: {  	v7 =	vmul.f32 v7, v4;
	(v2sf) =	vpush v11, $0xF  }
0x87: {  	v8 =	vmax.f32 v8, $0.0e+00  }
0x88: {  	vm12 =	vgt.s32 v8, $0x0;
	vm13 =	vlt.s32 v8, $0x1;
	v7 =	vmul.f32 v7, v5  }
0x89: {  	v8 =	vnsel vm12, $0x0, v8;
	v9 =	vsel vm13, $0x1, v0  }
0x8a: {  	s5 =	simm.s32 $0x50;
	[tilespmem:s6+$0x8000] =	vst v8;
	(xrf0) =	vadd.scan.msk.s32 $0xffff, v9;
	v10 =	vsub.f32 v10, v3;
	v7 =	vadd.f32 v7, v6  }
0x8b: {  	v8 =	vld [tilespmem:s5+$0x0]  }
0x8c: {  	v10 =	vmul.f32 v10, v4;
	v7 =	vmax.f32 v7, $0.0e+00  }
0x8d: {  	vm14 =	vgt.s32 v7, $0x0;
	vm15 =	vlt.s32 v7, $0x1  }
0x8e: {  	s6 =	simm.s32 $0x180;
	v9 =	vmul.f32 v10, v5;
	v7 =	vnsel vm14, $0x0, v7;
	v10 =	vsel vm15, $0x1, v0  }
.LBB2_3:
0x8f: {  	[tilespmem:s1+$0x8000] =	vst v7;
	s1 =	smov.u32 s4  }
0x90: {  	v11 =	vsub.f32 v8, v3;
	(xrf0) =	vadd.scan.msk.s32 $0xffff, v10;
	v7, _, _ =	vpop (xrf0);
	s4 =	smov.u32 s5;
	s5 =	sshra.s32 s6, $0x2;
	p0 =	sne.s32 s6, $0x1FFC0  }
.Ltmp3:
0x91: {  	s6 =	sadd.s32 $0x40, s6;
	v8 =	vld [tilespmem:s5+$0x0];
	v9 =	vadd.f32 v9, v6;
	(v2sf) =	vpush v7, $0xF;
	(pc) =	sbr.rel @p0 .LBB2_3-.Ltmp3, $4  }
0x92: {  	_ = 	snop  }
0x93: {  	v7 =	vmul.f32 v11, v4;
	v10 =	vmax.f32 v9, $0.0e+00  }
0x94: {  	vm0 =	vgt.s32 v10, $0x0;
	vm1 =	vlt.s32 v10, $0x1;
	s7 =	spop (v2sf)  }
0x95: {  	v9 =	vmul.f32 v7, v5;
	v7 =	vnsel vm0, $0x0, v10;
	v10 =	vsel vm1, $0x1, v0;
	s0 =	sadd.s32 s0, s7  }
0x96: {  	v3 =	vsub.f32 v8, v3;
	_ =	sdelay $0x1  }
0x97: {  	v3 =	vmul.f32 v3, v4;
	_ =	sdelay $0x1  }
0x98: {  	v3 =	vmul.f32 v3, v5  }
0x99: {  	v57 =	vadd.f32 v9, v6  }
0x9a: {  	v3 =	vadd.f32 v3, v6  }
0x9b: {  	v4 =	vmax.f32 v57, $0.0e+00  }
0x9c: {  	vm0 =	vlt.s32 v4, $0x1;
	v3 =	vmax.f32 v3, $0.0e+00  }
0x9d: {  	(xrf0) =	vadd.scan.msk.s32 $0xffff, v10;
	v58 =	vsel vm0, $0x1, v0;
	vm13 =	vlt.s32 v3, $0x1  }
0x9e: {  	(xrf0) =	vadd.scan.msk.s32 $0xffff, v58;
	v59 =	vsel vm13, $0x1, v0  }
0x9f: {  	(xrf0) =	vadd.scan.msk.s32 $0xffff, v59;
	_ =	sdelay $0x2  }
0xa0: {  	v60, _, _ =	vpop (xrf0)  }
0xa1: {  	(v2sf) =	vpush v60, $0xF;
	v61, _, _ =	vpop (xrf0)  }
0xa2: {  	(v2sf) =	vpush v61, $0xF;
	v62, _, _ =	vpop (xrf0)  }
0xa3: {  	(v2sf) =	vpush v62, $0xF;
	v63, _, _ =	vpop (xrf0)  }
0xa4: {  	(v2sf) =	vpush v63, $0xF;
	_ =	sdelay $0x9  }
0xa5: {  	s6 =	spop (v2sf)  }
0xa6: {  	s0 =	sadd.s32 s0, s6;
	s2 =	spop (v2sf)  }
0xa7: {  	s0 =	sadd.s32 s0, s2;
	s7 =	spop (v2sf)  }
0xa8: {  	s0 =	sadd.s32 s0, s7;
	s8 =	spop (v2sf)  }
0xa9: {  	s0 =	sadd.s32 s0, s8;
	s9 =	spop (v2sf)  }
0xaa: {  	s0 =	sadd.s32 s0, s9;
	s10 =	spop (v2sf)  }
0xab: {  	s0 =	sadd.s32 s0, s10  }
0xac: {  	p0 =	sgt.s32 s0, $0x3FF  }
.Ltmp4:
0xad: {  	_ = 	snop;
	(pc) =	sbr.rel @p0 .LBB2_22-.Ltmp4, $4  }
0xae: {  	vm14 =	vgt.s32 v4, $0x0  }
0xaf: {  	[tilespmem:s1+$0x8000] =	vst v7;
	v4 =	vnsel vm14, $0x0, v4;
	vm15 =	vgt.s32 v3, $0x0  }
0xb0: {  	[tilespmem:s4+$0x8000] =	vst v4;
	v3 =	vnsel vm15, $0x0, v3  }
0xb1: {  	s1 =	simm.s32 $0x0;
	s4 =	simm.s32 $0x400;
	[tilespmem:s5+$0x8000] =	vst v3;
	s0 =	simm.s32 $0x0  }
0xb2: {  	[tilespmem:$0x10000] =	vst v0  }
0xb3: {  	[tilespmem:$0x10010] =	vst v0  }
0xb4: {  	[tilespmem:$0x10020] =	vst v0  }
0xb5: {  	[tilespmem:$0x10030] =	vst v0  }
0xb6: {  	[tilespmem:$0x10040] =	vst v0  }
0xb7: {  	[tilespmem:$0x10050] =	vst v0  }
0xb8: {  	[tilespmem:$0x10060] =	vst v0  }
0xb9: {  	[tilespmem:$0x10070] =	vst v0  }
0xba: {  	[tilespmem:$0x10080] =	vst v0  }
0xbb: {  	[tilespmem:$0x10090] =	vst v0  }
0xbc: {  	[tilespmem:$0x100A0] =	vst v0  }
0xbd: {  	[tilespmem:$0x100B0] =	vst v0  }
0xbe: {  	[tilespmem:$0x100C0] =	vst v0  }
0xbf: {  	[tilespmem:$0x100D0] =	vst v0  }
0xc0: {  	[tilespmem:$0x100E0] =	vst v0  }
0xc1: {  	[tilespmem:$0x100F0] =	vst v0;
	s1 =	simm.s32 $0x0;
	s6 =	simm.s32 $0x0;
	s4 =	simm.s32 $0x40  }
.LBB2_6:
0xc2: {  	p0 =	sne.s32 s4, $0x1FFC0;
	v3 =	vld [tilespmem:s6+$0x8000];
	_ =	sdelay $0x4  }
0xc3: {  	v3 =	vshrl.u32 v3, $0x17  }
0xc4: {  	v3 =	vand.u32 $0xFF, v3  }
.Ltmp5:
0xc5: {  	(pc) =	sbr.rel @p0 .LBB2_6-.Ltmp5, $3  }
0xc6: {  	_ =	sdelay $0x1  }
0xc7: {  	s5 =	simm.s32 $0x10000  }
0xc8: {  	s6 =	sshra.s32 s4, $0x2;
	s4 =	sadd.s32 $0x40, s4;
	[tilespmem:v3+s5+$0x0] =	vst.idx.add.s32.msk $0xffff, v2  }
0xc9: {  	v3 =	vld [tilespmem:s6+$0x8000];
	_ =	sdelay $0x4  }
0xca: {  	v3 =	vshrl.u32 v3, $0x17  }
0xcb: {  	v3 =	vand.u32 $0xFF, v3;
	_ =	sdelay $0x4  }
0xcc: {  	[tilespmem:v3+s5+$0x0] =	vst.idx.add.s32.msk $0xffff, v2  }
0xcd: {  	v3 =	vld [tilespmem:s5+$0x0];
	_ =	sdelay $0x4  }
0xce: {  	(xrf0) =	vadd.scan.msk.s32 $0xffff, v3;
	_ =	sdelay $0x4  }
0xcf: {  	s4 =	simm.s32 $0x10010  }
0xd0: {  	v4 =	vld [tilespmem:s4+$0x0];
	v5, _, _ =	vpop (xrf0)  }
0xd1: {  	(v2sf) =	vpush v5, $0xF;
	_ =	sdelay $0x3  }
0xd2: {  	(xrf0) =	vadd.scan.msk.s32 $0xffff, v4;
	_ =	sdelay $0x1  }
0xd3: {  	v6 =	vadd.s32 s1, v5  }
0xd4: {  	vm0 =	vgt.s32 v6, $0x3FF  }
0xd5: {  	v7 =	vsel vm0, $0x1, v0  }
0xd6: {  	s12 =	simm.s32 $0x10020;
	(xrf0) =	vadd.scan.msk.s32 $0xffff, v7  }
0xd7: {  	v8 =	vld [tilespmem:s12+$0x0];
	v6, _, _ =	vpop (xrf0)  }
0xd8: {  	(v2sf) =	vpush v6, $0xF;
	_ =	sdelay $0x3  }
0xd9: {  	(xrf0) =	vadd.scan.msk.s32 $0xffff, v8;
	v9, _, _ =	vpop (xrf0);
	s13 =	spop (v2sf)  }
0xda: {  	v5 =	vsub.s32 v5, v3;
	v7 =	vor.u32 $0x80000000, v7;
	vm11 =	veq.s32 v9, $0x1;
	s5 =	sadd.s32 $0x0, s13  }
0xdb: {  	(xrf0) =	vmax.scan.msk.u32 $0xffff, v7;
	v5 =	vnsel vm11, $0x0, v5;
	v10 =	vadd.s32 s5, v6  }
0xdc: {  	(xrf0) =	vadd.scan.msk.s32 $0xffff, v5;
	vm1 =	vgt.s32 v10, $0x3FF  }
0xdd: {  	s14 =	simm.s32 $0x10030;
	v7 =	vsel vm1, $0x1, v0  }
0xde: {  	v3 =	vld [tilespmem:s14+$0x0];
	v5 =	vnsel vm11, $0x0, v1;
	(xrf0) =	vadd.scan.msk.s32 $0xffff, v7  }
0xdf: {  	v9, _, _ =	vpop (xrf0)  }
0xe0: {  	(v2sf) =	vpush v9, $0xF  }
0xe1: {  	(xrf0) =	vadd.scan.msk.s32 $0xffff, v5;
	v5, _, _ =	vpop (xrf0)  }
0xe2: {  	(v2sf) =	vpush v5, $0xF;
	v5, _, _ =	vpop (xrf0)  }
0xe3: {  	(xrf0) =	vadd.scan.msk.s32 $0xffff, v3;
	(v2sf) =	vpush v5, $0xF  }
0xe4: {  	s15 =	spop (v2sf);
	v10, _, _ =	vpop (xrf0)  }
0xe5: {  	v4 =	vsub.s32 v6, v4;
	v7 =	vor.u32 $0x80000000, v7;
	s29 =	sadd.s32 s5, s15;
	vm12 =	veq.s32 v10, $0x1  }
0xe6: {  	s16 =	simm.s32 $0x10040;
	v5 =	vadd.s32 s29, v9;
	(xrf0) =	vmax.scan.msk.u32 $0xffff, v7;
	v4 =	vnsel vm12, $0x0, v4  }
0xe7: {  	vm13 =	vgt.s32 v5, $0x3FF;
	v5 =	vld [tilespmem:s16+$0x0];
	(xrf0) =	vadd.scan.msk.s32 $0xffff, v4  }
0xe8: {  	v7, _, _ =	vpop (xrf0);
	v10 =	vsel vm13, $0x1, v0  }
0xe9: {  	v6, _, _ =	vpop (xrf0);
	(v2sf) =	vpush v7, $0xF;
	(xrf0) =	vadd.scan.msk.s32 $0xffff, v10  }
0xea: {  	(v2sf) =	vpush v6, $0xF;
	v4 =	vnsel vm12, $0x0, v1  }
0xeb: {  	(xrf0) =	vadd.scan.msk.s32 $0xffff, v4  }
0xec: {  	v7, _, _ =	vpop (xrf0);
	v10 =	vor.u32 $0x80000000, v10;
	(xrf0) =	vadd.scan.msk.s32 $0xffff, v5  }
0xed: {  	v11, _, _ =	vpop (xrf0);
	(xrf0) =	vmax.scan.msk.u32 $0xffff, v10  }
0xee: {  	(v2sf) =	vpush v7, $0xF  }
0xef: {  	s17 =	spop (v2sf);
	v4, _, _ =	vpop (xrf0)  }
0xf0: {  	s13 =	sadd.s32 s29, s17;
	(v2sf) =	vpush v11, $0xF;
	vm14 =	veq.s32 v4, $0x1;
	v4 =	vsub.s32 v9, v8  }
0xf1: {  	s15 =	simm.s32 $0x10050;
	v8 =	vadd.s32 s13, v6;
	s12 =	spop (v2sf);
	v9, _, _ =	vpop (xrf0);
	v4 =	vnsel vm14, $0x0, v4  }
0xf2: {  	vm15 =	vgt.s32 v8, $0x3FF;
	s18 =	spop (v2sf);
	v7, _, _ =	vpop (xrf0);
	(v2sf) =	vpush v9, $0xF;
	(xrf0) =	vadd.scan.msk.s32 $0xffff, v4;
	v4 =	vld [tilespmem:s15+$0x0]  }
0xf3: {  	v8 =	vsel vm15, $0x1, v0;
	(v2sf) =	vpush v7, $0xF;
	v9, _, _ =	vpop (xrf0)  }
0xf4: {  	s11 =	simm.s32 $0x10;
	s10 =	simm.s32 $0x20;
	s6 =	simm.s32 $0x30;
	v10 =	vnsel vm14, $0x0, v1;
	(xrf0) =	vadd.scan.msk.s32 $0xffff, v8;
	(v2sf) =	vpush v9, $0xF  }
0xf5: {  	s8 =	simm.s32 $0x40;
	p0 =	por $0x1, $0x1;
	s22 =	simm.s32 $0x50;
	(xrf0) =	vadd.scan.msk.s32 $0xffff, v10  }
0xf6: {  	s4 =	simm.s32 $0x0;
	s14 =	simm.s32 $0x0;
	p1 =	seq.s32 s12, $0x80000001  }
0xf7: {  	s16 =	simm.s32 $0x60;
	s9 =	smov.u32 s13;
	p0 =	por !p0, !p1;
	(xrf0) =	vadd.scan.msk.s32 $0xffff, v4  }
0xf8: {  	s7 =	sadd.s32 $0x0, s18;
	p0 =	por !p0, !p0;
	s19 =	spop (v2sf)  }
0xf9: {  	s4 =	smov.u32 @p0 s7;
	s17 =	spop (v2sf);
	s7 =	sadd.s32 $0x0, s19;
	v9, _, _ =	vpop (xrf0)  }
.LBB2_8:
0xfa: {  	p1 =	sne.s32 s16, $0xF0;
	v8 =	vor.u32 $0x80000000, v8;
	s13 =	sadd.s32 s13, s17;
	v10, _, _ =	vpop (xrf0);
	(v2sf) =	vpush v9, $0xF;
	s1 =	smov.u32 @p0 s7  }
0xfb: {  	s15 =	sadd.s32 $0x10, s15;
	v11 =	vsub.s32 v6, v3;
	s7 =	smov.u32 s11;
	s11 =	smov.u32 s10;
	v9 =	vadd.s32 s13, v7;
	vm0 =	veq.s32 v10, $0x1;
	(xrf0) =	vmax.scan.msk.u32 $0xffff, v8;
	v6, _, _ =	vpop (xrf0)  }
0xfc: {  	s17 =	sxor.u32 $0x80000000, s12;
	v3 =	vmovc v5;
	v5 =	vmovc v4;
	s10 =	smov.u32 s6;
	s6 =	smov.u32 s8;
	vm1 =	vgt.s32 v9, $0x3FF;
	v9 =	vnsel vm0, $0x0, v1;
	v10 =	vnsel vm0, $0x0, v11;
	v4 =	vld [tilespmem:s15+$0x0]  }
0xfd: {  	s8 =	smov.u32 s22;
	s14 =	sor.u32 s14, s17;
	v8 =	vsel vm1, $0x1, v0;
	(xrf0) =	vadd.scan.msk.s32 $0xffff, v10;
	(v2sf) =	vpush v6, $0xF;
	s12 =	spop (v2sf);
	v6 =	vmov v7;
	v7, _, _ =	vpop (xrf0)  }
0xfe: {  	s22 =	smov.u32 s16;
	p0 =	seq.s32 s14, $0x0;
	(v2sf) =	vpush v7, $0xF;
	(xrf0) =	vadd.scan.msk.s32 $0xffff, v8;
	p2 =	seq.s32 s12, $0x80000001  }
.Ltmp6:
0xff: {  	(xrf0) =	vadd.scan.msk.s32 $0xffff, v9;
	p0 =	por !p0, !p2;
	s17 =	spop (v2sf);
	(pc) =	sbr.rel @p1 .LBB2_8-.Ltmp6, $4  }
0x100: {  	p0 =	por !p0, !p0;
	s17 =	sadd.s32 s5, s17;
	s5 =	smov.u32 s29  }
0x101: {  	s29 =	smov.u32 s9;
	s9 =	smov.u32 s13;
	(xrf0) =	vadd.scan.msk.s32 $0xffff, v4;
	v9, _, _ =	vpop (xrf0);
	s4 =	smov.u32 @p0 s17  }
0x102: {  	(v2sf) =	vpush v9, $0xF;
	s18 =	spop (v2sf)  }
0x103: {  	s16 =	sadd.s32 $0x10, s16;
	s17 =	spop (v2sf);
	v9, _, _ =	vpop (xrf0);
	s7 =	sadd.s32 s7, s18  }
0x104: {  	v8 =	vor.u32 $0x80000000, v8;
	s13 =	sadd.s32 s13, s17;
	v10, _, _ =	vpop (xrf0)  }
0x105: {  	v3 =	vsub.s32 v6, v3;
	v11 =	vadd.s32 s13, v7;
	vm0 =	veq.s32 v10, $0x1  }
0x106: {  	(xrf0) =	vmax.scan.msk.u32 $0xffff, v8;
	vm1 =	vgt.s32 v11, $0x3FF;
	v3 =	vnsel vm0, $0x0, v3  }
0x107: {  	v54 =	vsel vm1, $0x1, v0;
	(xrf0) =	vadd.scan.msk.s32 $0xffff, v3  }
0x108: {  	(xrf0) =	vadd.scan.msk.s32 $0xffff, v54;
	_ =	sdelay $0x1  }
0x109: {  	s16 =	spop (v2sf);
	v3, _, _ =	vpop (xrf0)  }
0x10a: {  	s2 =	spop (v2sf);
	v55, _, _ =	vpop (xrf0)  }
0x10b: {  	v56, _, _ =	vpop (xrf0);
	s18 =	spop (v2sf)  }
0x10c: {  	v57, _, _ =	vpop (xrf0);
	s15 =	spop (v2sf)  }
0x10d: {  	v5 =	vsub.s32 v7, v5;
	v58 =	vnsel vm0, $0x0, v1;
	v12, _, _ =	vpop (xrf0);
	s15 =	sadd.s32 s13, s15  }
0x10e: {  	v6 =	vor.u32 $0x80000000, v54;
	(xrf0) =	vadd.scan.msk.s32 $0xffff, v58;
	vm13 =	veq.s32 v12, $0x1;
	v59 =	vadd.s32 s15, v55  }
0x10f: {  	(xrf0) =	vmax.scan.msk.u32 $0xffff, v6;
	vm14 =	vgt.s32 v59, $0x3FF;
	v5 =	vnsel vm13, $0x0, v5  }
0x110: {  	(xrf0) =	vadd.scan.msk.s32 $0xffff, v5;
	v5 =	vsel vm14, $0x1, v0  }
0x111: {  	(xrf0) =	vadd.scan.msk.s32 $0xffff, v5;
	_ =	sdelay $0x1  }
0x112: {  	(v2sf) =	vpush v9, $0xF  }
0x113: {  	(v2sf) =	vpush v3, $0xF;
	v3, _, _ =	vpop (xrf0)  }
0x114: {  	v61, _, _ =	vpop (xrf0)  }
0x115: {  	v62, _, _ =	vpop (xrf0)  }
0x116: {  	v4 =	vsub.s32 v55, v4;
	(v2sf) =	vpush v55, $0xF;
	v60 =	vnsel vm13, $0x0, v1;
	v63, _, _ =	vpop (xrf0)  }
0x117: {  	(v2sf) =	vpush v56, $0xF;
	v5 =	vor.u32 $0x80000000, v5;
	(xrf0) =	vadd.scan.msk.s32 $0xffff, v60;
	vm15 =	veq.s32 v63, $0x1  }
0x118: {  	(v2sf) =	vpush v57, $0xF;
	(xrf0) =	vmax.scan.msk.u32 $0xffff, v5;
	v4 =	vnsel vm15, $0x0, v4  }
0x119: {  	(v2sf) =	vpush v3, $0xF;
	v3 =	vnsel vm15, $0x0, v1;
	(xrf0) =	vadd.scan.msk.s32 $0xffff, v4  }
0x11a: {  	(xrf0) =	vadd.scan.msk.s32 $0xffff, v3;
	_ =	sdelay $0x1  }
0x11b: {  	(v2sf) =	vpush v61, $0xF  }
0x11c: {  	(v2sf) =	vpush v62, $0xF;
	v3, _, _ =	vpop (xrf0)  }
0x11d: {  	s12 =	sxor.u32 $0x80000000, s12;
	(v2sf) =	vpush v3, $0xF;
	v3, _, _ =	vpop (xrf0)  }
0x11e: {  	s1 =	smov.u32 @p0 s7;
	s12 =	sor.u32 s14, s12;
	p2 =	seq.s32 s16, $0x80000001;
	(v2sf) =	vpush v3, $0xF;
	v3, _, _ =	vpop (xrf0)  }
0x11f: {  	s16 =	sxor.u32 $0x80000000, s16;
	p1 =	seq.s32 s12, $0x0;
	s7 =	spop (v2sf);
	(v2sf) =	vpush v3, $0xF;
	v3, _, _ =	vpop (xrf0)  }
0x120: {  	s12 =	sor.u32 s12, s16;
	p4 =	por !p1, !p2;
	s14 =	spop (v2sf);
	(v2sf) =	vpush v3, $0xF  }
0x121: {  	p5 =	seq.s32 s12, $0x0;
	p0 =	por !p4, !p4;
	s5 =	sadd.s32 s5, s2  }
0x122: {  	s4 =	smov.u32 @p0 s5;
	s11 =	sadd.s32 s11, s18;
	p6 =	seq.s32 s7, $0x80000001  }
0x123: {  	s1 =	smov.u32 @p0 s11;
	s7 =	sxor.u32 $0x80000000, s7;
	p0 =	por !p5, !p6  }
0x124: {  	[tilespmem:$0x10000] =	vst v0;
	s7 =	sor.u32 s12, s7;
	s14 =	sadd.s32 s29, s14;
	s17 =	spop (v2sf)  }
0x125: {  	[tilespmem:$0x10010] =	vst v0;
	p0 =	por !p0, !p0;
	p2 =	seq.s32 s7, $0x0;
	s19 =	spop (v2sf)  }
0x126: {  	[tilespmem:$0x10020] =	vst v0;
	s4 =	smov.u32 @p0 s14;
	s5 =	sadd.s32 s10, s17;
	s2 =	spop (v2sf)  }
0x127: {  	[tilespmem:$0x10030] =	vst v0;
	s1 =	smov.u32 @p0 s5;
	p3 =	seq.s32 s2, $0x80000001;
	s19 =	sxor.u32 $0x80000000, s2  }
0x128: {  	[tilespmem:$0x10040] =	vst v0;
	s16 =	spop (v2sf);
	p0 =	por !p2, !p3;
	s7 =	sor.u32 s7, s19  }
0x129: {  	[tilespmem:$0x10050] =	vst v0;
	p4 =	seq.s32 s7, $0x0;
	p0 =	por !p0, !p0;
	s12 =	spop (v2sf)  }
0x12a: {  	[tilespmem:$0x10060] =	vst v0;
	s29 =	spop (v2sf);
	s5 =	sadd.s32 s6, s12;
	s6 =	sadd.s32 s9, s16  }
0x12b: {  	[tilespmem:$0x10070] =	vst v0;
	s17 =	sxor.u32 $0x80000000, s29;
	p5 =	seq.s32 s29, $0x80000001;
	s10 =	spop (v2sf)  }
0x12c: {  	[tilespmem:$0x10080] =	vst v0;
	s1 =	smov.u32 @p0 s5;
	s7 =	sor.u32 s7, s17;
	s2 =	spop (v2sf)  }
0x12d: {  	[tilespmem:$0x10090] =	vst v0;
	p1 =	por !p4, !p5;
	p6 =	seq.s32 s7, $0x0;
	s18 =	spop (v2sf)  }
0x12e: {  	[tilespmem:$0x100A0] =	vst v0;
	p1 =	por !p1, !p1;
	p3 =	seq.s32 s18, $0x80000001;
	s19 =	spop (v2sf)  }
0x12f: {  	[tilespmem:$0x100B0] =	vst v0;
	s7 =	sadd.s32 s8, s2;
	p2 =	por !p6, !p3;
	s29 =	spop (v2sf)  }
0x130: {  	[tilespmem:$0x100C0] =	vst v0;
	s1 =	smov.u32 @p1 s7;
	p2 =	por !p2, !p2;
	s7 =	sadd.s32 s22, s29  }
0x131: {  	[tilespmem:$0x100D0] =	vst v0;
	s4 =	smov.u32 @p0 s6;
	s6 =	sadd.s32 s13, s10;
	s1 =	smov.u32 @p2 s7  }
0x132: {  	[tilespmem:$0x100E0] =	vst v0;
	s4 =	smov.u32 @p1 s6;
	s5 =	sadd.s32 s15, s19;
	s1 =	sshll.u32 s1, $0x17  }
0x133: {  	[tilespmem:$0x100F0] =	vst v0;
	s6 =	simm.s32 $0x0;
	s4 =	smov.u32 @p2 s5;
	s5 =	simm.s32 $0x40;
	v3 =	vmov s1  }
.LBB2_10:
0x134: {  	p0 =	seq.s32 s5, $0x1FFC0;
	v4 =	vld [tilespmem:s6+$0x8000];
	_ =	sdelay $0x4  }
0x135: {  	v5 =	vand.u32 $0x7F800000, v4  }
0x136: {  	v4 =	vshrl.u32 v4, $0xF;
	vm0 =	veq.s32 v5, v3  }
0x137: {  	v4 =	vand.u32 $0xFF, v4  }
.Ltmp7:
0x138: {  	(pc) =	sbr.rel @!p0 .LBB2_10-.Ltmp7, $2  }
0x139: {  	_ =	sdelay $0x2  }
0x13a: {  	s6 =	sshra.s32 s5, $0x2;
	s5 =	sadd.s32 $0x40, s5;
	[tilespmem:v4+s30+$0x0] =	vst.idx.add.s32.msk vm0, v2  }
0x13b: {  	v4 =	vld [tilespmem:s6+$0x8000];
	_ =	sdelay $0x4  }
0x13c: {  	v5 =	vand.u32 $0x7F800000, v4  }
0x13d: {  	vm0 =	veq.s32 v5, v3;
	v3 =	vshrl.u32 v4, $0xF  }
0x13e: {  	v3 =	vand.u32 $0xFF, v3;
	_ =	sdelay $0x4  }
0x13f: {  	s19 =	simm.s32 $0x10000;
	[tilespmem:v3+s30+$0x0] =	vst.idx.add.s32.msk vm0, v2  }
0x140: {  	v4 =	vld [tilespmem:s19+$0x0];
	_ =	sdelay $0x4  }
0x141: {  	(xrf0) =	vadd.scan.msk.s32 $0xffff, v4;
	_ =	sdelay $0x4  }
0x142: {  	s2 =	simm.s32 $0x10010  }
0x143: {  	v5 =	vld [tilespmem:s2+$0x0];
	v6, _, _ =	vpop (xrf0)  }
0x144: {  	(v2sf) =	vpush v6, $0xF;
	_ =	sdelay $0x3  }
0x145: {  	(xrf0) =	vadd.scan.msk.s32 $0xffff, v5  }
0x146: {  	s22 =	ssub.s32 $0x400, s4;
	s29 =	simm.s32 $0x0  }
0x147: {  	v3 =	vmov s22;
	v7 =	vadd.s32 s29, v6  }
0x148: {  	vm10 =	vge.s32 v7, v3  }
0x149: {  	v8 =	vsel vm10, $0x1, v0  }
0x14a: {  	s5 =	simm.s32 $0x10020;
	(xrf0) =	vadd.scan.msk.s32 $0xffff, v8  }
0x14b: {  	v9 =	vld [tilespmem:s5+$0x0];
	v7, _, _ =	vpop (xrf0)  }
0x14c: {  	(v2sf) =	vpush v7, $0xF;
	_ =	sdelay $0x3  }
0x14d: {  	(xrf0) =	vadd.scan.msk.s32 $0xffff, v9;
	v10, _, _ =	vpop (xrf0);
	s6 =	spop (v2sf)  }
0x14e: {  	v6 =	vsub.s32 v6, v4;
	v8 =	vor.u32 $0x80000000, v8;
	vm11 =	veq.s32 v10, $0x1;
	s6 =	sadd.s32 $0x0, s6  }
0x14f: {  	(xrf0) =	vmax.scan.msk.u32 $0xffff, v8;
	v6 =	vnsel vm11, $0x0, v6;
	v11 =	vadd.s32 s6, v7  }
0x150: {  	(xrf0) =	vadd.scan.msk.s32 $0xffff, v6;
	vm1 =	vge.s32 v11, v3  }
0x151: {  	s7 =	simm.s32 $0x10030;
	v8 =	vsel vm1, $0x1, v0  }
0x152: {  	v4 =	vld [tilespmem:s7+$0x0];
	v6 =	vnsel vm11, $0x0, v1;
	(xrf0) =	vadd.scan.msk.s32 $0xffff, v8  }
0x153: {  	v10, _, _ =	vpop (xrf0)  }
0x154: {  	(v2sf) =	vpush v10, $0xF  }
0x155: {  	(xrf0) =	vadd.scan.msk.s32 $0xffff, v6;
	v6, _, _ =	vpop (xrf0)  }
0x156: {  	(v2sf) =	vpush v6, $0xF;
	v6, _, _ =	vpop (xrf0)  }
0x157: {  	(xrf0) =	vadd.scan.msk.s32 $0xffff, v4;
	(v2sf) =	vpush v6, $0xF  }
0x158: {  	s8 =	spop (v2sf);
	v11, _, _ =	vpop (xrf0)  }
0x159: {  	v5 =	vsub.s32 v7, v5;
	v8 =	vor.u32 $0x80000000, v8;
	s5 =	sadd.s32 s6, s8;
	vm12 =	veq.s32 v11, $0x1  }
0x15a: {  	s9 =	simm.s32 $0x10040;
	v6 =	vadd.s32 s5, v10;
	(xrf0) =	vmax.scan.msk.u32 $0xffff, v8;
	v5 =	vnsel vm12, $0x0, v5  }
0x15b: {  	vm13 =	vge.s32 v6, v3;
	v6 =	vld [tilespmem:s9+$0x0];
	(xrf0) =	vadd.scan.msk.s32 $0xffff, v5  }
0x15c: {  	v8, _, _ =	vpop (xrf0);
	v11 =	vsel vm13, $0x1, v0  }
0x15d: {  	v7, _, _ =	vpop (xrf0);
	(v2sf) =	vpush v8, $0xF;
	(xrf0) =	vadd.scan.msk.s32 $0xffff, v11  }
0x15e: {  	(v2sf) =	vpush v7, $0xF;
	v5 =	vnsel vm12, $0x0, v1  }
0x15f: {  	(xrf0) =	vadd.scan.msk.s32 $0xffff, v5  }
0x160: {  	v8, _, _ =	vpop (xrf0);
	v11 =	vor.u32 $0x80000000, v11;
	(xrf0) =	vadd.scan.msk.s32 $0xffff, v6  }
0x161: {  	v12, _, _ =	vpop (xrf0);
	(xrf0) =	vmax.scan.msk.u32 $0xffff, v11  }
0x162: {  	(v2sf) =	vpush v8, $0xF  }
0x163: {  	s10 =	spop (v2sf);
	v5, _, _ =	vpop (xrf0)  }
0x164: {  	s15 =	sadd.s32 s5, s10;
	(v2sf) =	vpush v12, $0xF;
	vm14 =	veq.s32 v5, $0x1;
	v5 =	vsub.s32 v10, v9  }
0x165: {  	s17 =	simm.s32 $0x10050;
	v9 =	vadd.s32 s15, v7;
	s14 =	spop (v2sf);
	v10, _, _ =	vpop (xrf0);
	v5 =	vnsel vm14, $0x0, v5  }
0x166: {  	vm15 =	vge.s32 v9, v3;
	s11 =	spop (v2sf);
	v8, _, _ =	vpop (xrf0);
	(v2sf) =	vpush v10, $0xF;
	(xrf0) =	vadd.scan.msk.s32 $0xffff, v5;
	v5 =	vld [tilespmem:s17+$0x0]  }
0x167: {  	v9 =	vsel vm15, $0x1, v0;
	(v2sf) =	vpush v8, $0xF;
	v10, _, _ =	vpop (xrf0)  }
0x168: {  	s12 =	simm.s32 $0x10;
	s13 =	simm.s32 $0x20;
	p0 =	por $0x1, $0x1;
	v11 =	vnsel vm14, $0x0, v1;
	(xrf0) =	vadd.scan.msk.s32 $0xffff, v9;
	(v2sf) =	vpush v10, $0xF  }
0x169: {  	s4 =	simm.s32 $0x0;
	s19 =	simm.s32 $0x60;
	p1 =	seq.s32 s14, $0x80000001;
	(xrf0) =	vadd.scan.msk.s32 $0xffff, v11  }
0x16a: {  	s8 =	simm.s32 $0x30;
	s9 =	simm.s32 $0x50;
	p0 =	por !p0, !p1  }
0x16b: {  	s10 =	simm.s32 $0x40;
	s7 =	sadd.s32 $0x0, s11;
	p0 =	por !p0, !p0;
	(xrf0) =	vadd.scan.msk.s32 $0xffff, v5  }
0x16c: {  	s11 =	smov.u32 s15;
	s4 =	smov.u32 @p0 s7;
	s16 =	spop (v2sf)  }
0x16d: {  	s18 =	spop (v2sf);
	s7 =	sadd.s32 $0x0, s16;
	s16 =	simm.s32 $0x0;
	v10, _, _ =	vpop (xrf0)  }
.LBB2_12:
0x16e: {  	p1 =	sne.s32 s19, $0xF0;
	v9 =	vor.u32 $0x80000000, v9;
	s15 =	sadd.s32 s15, s18;
	v11, _, _ =	vpop (xrf0);
	(v2sf) =	vpush v10, $0xF;
	s29 =	smov.u32 @p0 s7  }
0x16f: {  	s17 =	sadd.s32 $0x10, s17;
	v12 =	vsub.s32 v7, v4;
	s7 =	smov.u32 s12;
	s12 =	smov.u32 s13;
	v10 =	vadd.s32 s15, v8;
	vm0 =	veq.s32 v11, $0x1;
	(xrf0) =	vmax.scan.msk.u32 $0xffff, v9;
	v7, _, _ =	vpop (xrf0)  }
0x170: {  	s18 =	sxor.u32 $0x80000000, s14;
	v4 =	vmovc v6;
	v6 =	vmovc v5;
	s13 =	smov.u32 s8;
	s8 =	smov.u32 s10;
	vm1 =	vge.s32 v10, v3;
	v10 =	vnsel vm0, $0x0, v1;
	v11 =	vnsel vm0, $0x0, v12;
	v5 =	vld [tilespmem:s17+$0x0]  }
0x171: {  	s10 =	smov.u32 s9;
	s16 =	sor.u32 s16, s18;
	v9 =	vsel vm1, $0x1, v0;
	(xrf0) =	vadd.scan.msk.s32 $0xffff, v11;
	(v2sf) =	vpush v7, $0xF;
	s14 =	spop (v2sf);
	v7 =	vmov v8;
	v8, _, _ =	vpop (xrf0)  }
0x172: {  	s9 =	smov.u32 s19;
	p0 =	seq.s32 s16, $0x0;
	(v2sf) =	vpush v8, $0xF;
	(xrf0) =	vadd.scan.msk.s32 $0xffff, v9;
	p2 =	seq.s32 s14, $0x80000001  }
.Ltmp8:
0x173: {  	(xrf0) =	vadd.scan.msk.s32 $0xffff, v10;
	p0 =	por !p0, !p2;
	s18 =	spop (v2sf);
	(pc) =	sbr.rel @p1 .LBB2_12-.Ltmp8, $4  }
0x174: {  	p0 =	por !p0, !p0;
	s18 =	sadd.s32 s6, s18;
	s6 =	smov.u32 s5  }
0x175: {  	s5 =	smov.u32 s11;
	s11 =	smov.u32 s15;
	(xrf0) =	vadd.scan.msk.s32 $0xffff, v5;
	v10, _, _ =	vpop (xrf0);
	s4 =	smov.u32 @p0 s18  }
0x176: {  	(v2sf) =	vpush v10, $0xF;
	s2 =	spop (v2sf)  }
0x177: {  	s19 =	sadd.s32 $0x10, s19;
	s18 =	spop (v2sf);
	v10, _, _ =	vpop (xrf0);
	s7 =	sadd.s32 s7, s2  }
0x178: {  	v9 =	vor.u32 $0x80000000, v9;
	s15 =	sadd.s32 s15, s18;
	v11, _, _ =	vpop (xrf0)  }
0x179: {  	v4 =	vsub.s32 v7, v4;
	v12 =	vadd.s32 s15, v8;
	vm0 =	veq.s32 v11, $0x1  }
0x17a: {  	(xrf0) =	vmax.scan.msk.u32 $0xffff, v9;
	vm1 =	vge.s32 v12, v3;
	v4 =	vnsel vm0, $0x0, v4  }
0x17b: {  	v55 =	vsel vm1, $0x1, v0;
	(xrf0) =	vadd.scan.msk.s32 $0xffff, v4  }
0x17c: {  	(xrf0) =	vadd.scan.msk.s32 $0xffff, v55;
	_ =	sdelay $0x1  }
0x17d: {  	s19 =	spop (v2sf);
	v4, _, _ =	vpop (xrf0)  }
0x17e: {  	s2 =	spop (v2sf);
	v56, _, _ =	vpop (xrf0)  }
0x17f: {  	v57, _, _ =	vpop (xrf0);
	s18 =	spop (v2sf)  }
0x180: {  	v58, _, _ =	vpop (xrf0);
	s17 =	spop (v2sf)  }
0x181: {  	v6 =	vsub.s32 v8, v6;
	v59 =	vnsel vm0, $0x0, v1;
	v13, _, _ =	vpop (xrf0);
	s17 =	sadd.s32 s15, s17  }
0x182: {  	v7 =	vor.u32 $0x80000000, v55;
	(xrf0) =	vadd.scan.msk.s32 $0xffff, v59;
	vm13 =	veq.s32 v13, $0x1;
	v60 =	vadd.s32 s17, v56  }
0x183: {  	(xrf0) =	vmax.scan.msk.u32 $0xffff, v7;
	vm14 =	vge.s32 v60, v3;
	v3 =	vnsel vm13, $0x0, v6  }
0x184: {  	v61 =	vsel vm14, $0x1, v0;
	(xrf0) =	vadd.scan.msk.s32 $0xffff, v3  }
0x185: {  	(v2sf) =	vpush v10, $0xF;
	(xrf0) =	vadd.scan.msk.s32 $0xffff, v61  }
0x186: {  	(v2sf) =	vpush v4, $0xF;
	v4 =	vnsel vm13, $0x0, v1;
	_ =	sdelay $0x1  }
0x187: {  	v3, _, _ =	vpop (xrf0)  }
0x188: {  	(xrf0) =	vadd.scan.msk.s32 $0xffff, v4;
	v4, _, _ =	vpop (xrf0)  }
0x189: {  	(v2sf) =	vpush v56, $0xF;
	v62, _, _ =	vpop (xrf0)  }
0x18a: {  	(v2sf) =	vpush v57, $0xF;
	v6 =	vor.u32 $0x80000000, v61;
	v63, _, _ =	vpop (xrf0)  }
0x18b: {  	v5 =	vsub.s32 v56, v5;
	(v2sf) =	vpush v58, $0xF;
	(xrf0) =	vmax.scan.msk.u32 $0xffff, v6;
	vm15 =	veq.s32 v63, $0x1  }
0x18c: {  	(v2sf) =	vpush v3, $0xF;
	v3 =	vnsel vm15, $0x0, v5;
	_ =	sdelay $0x1  }
0x18d: {  	(v2sf) =	vpush v4, $0xF;
	v4 =	vnsel vm15, $0x0, v1;
	(xrf0) =	vadd.scan.msk.s32 $0xffff, v3  }
0x18e: {  	v3, _, _ =	vpop (xrf0);
	(xrf0) =	vadd.scan.msk.s32 $0xffff, v4  }
0x18f: {  	(v2sf) =	vpush v62, $0xF  }
0x190: {  	(v2sf) =	vpush v3, $0xF;
	v3, _, _ =	vpop (xrf0)  }
0x191: {  	(v2sf) =	vpush v3, $0xF  }
0x192: {  	s14 =	sxor.u32 $0x80000000, s14  }
0x193: {  	s14 =	sor.u32 s16, s14;
	v3, _, _ =	vpop (xrf0)  }
0x194: {  	p2 =	seq.s32 s19, $0x80000001;
	p1 =	seq.s32 s14, $0x0;
	s16 =	spop (v2sf);
	(v2sf) =	vpush v3, $0xF;
	v3, _, _ =	vpop (xrf0)  }
0x195: {  	s29 =	smov.u32 @p0 s7;
	p5 =	por !p1, !p2;
	s7 =	spop (v2sf);
	(v2sf) =	vpush v3, $0xF  }
0x196: {  	p0 =	por !p5, !p5;
	s2 =	sadd.s32 s6, s2;
	s6 =	spop (v2sf)  }
0x197: {  	s19 =	sxor.u32 $0x80000000, s19;
	s4 =	smov.u32 @p0 s2;
	s2 =	spop (v2sf)  }
0x198: {  	p1 =	seq.s32 s16, $0x80000001;
	s5 =	sadd.s32 s5, s7;
	s2 =	sadd.s32 s12, s18  }
0x199: {  	s6 =	sadd.s32 s13, s6;
	s12 =	spop (v2sf);
	s29 =	smov.u32 @p0 s2  }
0x19a: {  	[tilespmem:$0x10000] =	vst v0;
	s18 =	spop (v2sf);
	s2 =	sor.u32 s14, s19;
	s19 =	sxor.u32 $0x80000000, s16  }
0x19b: {  	[tilespmem:$0x10010] =	vst v0;
	p3 =	seq.s32 s12, $0x80000001;
	p0 =	seq.s32 s2, $0x0;
	s2 =	sor.u32 s2, s19  }
0x19c: {  	[tilespmem:$0x10020] =	vst v0;
	s12 =	sxor.u32 $0x80000000, s12;
	p2 =	seq.s32 s2, $0x0;
	s13 =	spop (v2sf)  }
0x19d: {  	[tilespmem:$0x10030] =	vst v0;
	s2 =	sor.u32 s2, s12;
	p0 =	por !p0, !p1;
	s14 =	spop (v2sf)  }
0x19e: {  	[tilespmem:$0x10040] =	vst v0;
	p4 =	seq.s32 s2, $0x0;
	p3 =	por !p2, !p3;
	s12 =	spop (v2sf)  }
0x19f: {  	[tilespmem:$0x10050] =	vst v0;
	s19 =	sxor.u32 $0x80000000, s14;
	p5 =	seq.s32 s14, $0x80000001;
	s16 =	spop (v2sf)  }
0x1a0: {  	[tilespmem:$0x10060] =	vst v0;
	s2 =	sor.u32 s2, s19;
	p4 =	por !p4, !p5;
	s19 =	spop (v2sf)  }
0x1a1: {  	[tilespmem:$0x10070] =	vst v0;
	p6 =	seq.s32 s2, $0x0;
	s2 =	sadd.s32 s8, s13;
	p1 =	seq.s32 s19, $0x80000001  }
0x1a2: {  	[tilespmem:$0x10080] =	vst v0;
	p6 =	por !p6, !p1;
	p1 =	por !p0, !p0;
	p0 =	por !p3, !p3  }
0x1a3: {  	[tilespmem:$0x10090] =	vst v0;
	p3 =	por !p4, !p4;
	s29 =	smov.u32 @p1 s6;
	s14 =	spop (v2sf)  }
0x1a4: {  	[tilespmem:$0x100A0] =	vst v0;
	s6 =	sadd.s32 s10, s16;
	s29 =	smov.u32 @p0 s2;
	s19 =	spop (v2sf)  }
0x1a5: {  	[tilespmem:$0x100B0] =	vst v0;
	p2 =	por !p6, !p6;
	s29 =	smov.u32 @p3 s6;
	s6 =	sadd.s32 s9, s19  }
0x1a6: {  	[tilespmem:$0x100C0] =	vst v0;
	s4 =	smov.u32 @p1 s5;
	s5 =	sadd.s32 s11, s18;
	s29 =	smov.u32 @p2 s6  }
0x1a7: {  	[tilespmem:$0x100D0] =	vst v0;
	s4 =	smov.u32 @p0 s5;
	s5 =	sadd.s32 s15, s12;
	s6 =	sshll.u32 s29, $0xF  }
0x1a8: {  	[tilespmem:$0x100E0] =	vst v0;
	s2 =	sadd.s32 s17, s14;
	s4 =	smov.u32 @p3 s5;
	s1 =	sor.u32 s1, s6  }
0x1a9: {  	[tilespmem:$0x100F0] =	vst v0;
	s5 =	simm.s32 $0x40;
	s4 =	smov.u32 @p2 s2;
	s6 =	simm.s32 $0x0;
	v3 =	vmov s1  }
.LBB2_14:
0x1aa: {  	p0 =	seq.s32 s5, $0x1FFC0;
	v4 =	vld [tilespmem:s6+$0x8000];
	_ =	sdelay $0x4  }
0x1ab: {  	v5 =	vand.u32 $0x7FFF8000, v4  }
0x1ac: {  	v4 =	vshrl.u32 v4, $0x7;
	vm0 =	veq.s32 v5, v3  }
0x1ad: {  	v4 =	vand.u32 $0xFF, v4  }
.Ltmp9:
0x1ae: {  	(pc) =	sbr.rel @!p0 .LBB2_14-.Ltmp9, $2  }
0x1af: {  	_ =	sdelay $0x2  }
0x1b0: {  	s6 =	sshra.s32 s5, $0x2;
	s5 =	sadd.s32 $0x40, s5;
	[tilespmem:v4+s30+$0x0] =	vst.idx.add.s32.msk vm0, v2  }
0x1b1: {  	v4 =	vld [tilespmem:s6+$0x8000];
	_ =	sdelay $0x4  }
0x1b2: {  	v5 =	vand.u32 $0x7FFF8000, v4  }
0x1b3: {  	vm0 =	veq.s32 v5, v3;
	v3 =	vshrl.u32 v4, $0x7  }
0x1b4: {  	v3 =	vand.u32 $0xFF, v3;
	_ =	sdelay $0x4  }
0x1b5: {  	s2 =	simm.s32 $0x10000;
	[tilespmem:v3+s30+$0x0] =	vst.idx.add.s32.msk vm0, v2  }
0x1b6: {  	v4 =	vld [tilespmem:s2+$0x0];
	_ =	sdelay $0x4  }
0x1b7: {  	(xrf0) =	vadd.scan.msk.s32 $0xffff, v4;
	_ =	sdelay $0x4  }
0x1b8: {  	s2 =	simm.s32 $0x10010  }
0x1b9: {  	v5 =	vld [tilespmem:s2+$0x0];
	v6, _, _ =	vpop (xrf0)  }
0x1ba: {  	(v2sf) =	vpush v6, $0xF;
	_ =	sdelay $0x3  }
0x1bb: {  	(xrf0) =	vadd.scan.msk.s32 $0xffff, v5  }
0x1bc: {  	s22 =	ssub.s32 s22, s4;
	s29 =	simm.s32 $0x0  }
0x1bd: {  	v3 =	vmov s22;
	v7 =	vadd.s32 s29, v6  }
0x1be: {  	vm10 =	vge.s32 v7, v3  }
0x1bf: {  	v8 =	vsel vm10, $0x1, v0  }
0x1c0: {  	s5 =	simm.s32 $0x10020;
	(xrf0) =	vadd.scan.msk.s32 $0xffff, v8  }
0x1c1: {  	v9 =	vld [tilespmem:s5+$0x0];
	v7, _, _ =	vpop (xrf0)  }
0x1c2: {  	(v2sf) =	vpush v7, $0xF;
	_ =	sdelay $0x3  }
0x1c3: {  	(xrf0) =	vadd.scan.msk.s32 $0xffff, v9;
	v10, _, _ =	vpop (xrf0);
	s6 =	spop (v2sf)  }
0x1c4: {  	v6 =	vsub.s32 v6, v4;
	v8 =	vor.u32 $0x80000000, v8;
	vm11 =	veq.s32 v10, $0x1;
	s6 =	sadd.s32 $0x0, s6  }
0x1c5: {  	(xrf0) =	vmax.scan.msk.u32 $0xffff, v8;
	v6 =	vnsel vm11, $0x0, v6;
	v11 =	vadd.s32 s6, v7  }
0x1c6: {  	(xrf0) =	vadd.scan.msk.s32 $0xffff, v6;
	vm1 =	vge.s32 v11, v3  }
0x1c7: {  	s7 =	simm.s32 $0x10030;
	v8 =	vsel vm1, $0x1, v0  }
0x1c8: {  	v4 =	vld [tilespmem:s7+$0x0];
	v6 =	vnsel vm11, $0x0, v1;
	(xrf0) =	vadd.scan.msk.s32 $0xffff, v8  }
0x1c9: {  	v10, _, _ =	vpop (xrf0)  }
0x1ca: {  	(v2sf) =	vpush v10, $0xF  }
0x1cb: {  	(xrf0) =	vadd.scan.msk.s32 $0xffff, v6;
	v6, _, _ =	vpop (xrf0)  }
0x1cc: {  	(v2sf) =	vpush v6, $0xF;
	v6, _, _ =	vpop (xrf0)  }
0x1cd: {  	(xrf0) =	vadd.scan.msk.s32 $0xffff, v4;
	(v2sf) =	vpush v6, $0xF  }
0x1ce: {  	s8 =	spop (v2sf);
	v11, _, _ =	vpop (xrf0)  }
0x1cf: {  	v5 =	vsub.s32 v7, v5;
	v8 =	vor.u32 $0x80000000, v8;
	s5 =	sadd.s32 s6, s8;
	vm12 =	veq.s32 v11, $0x1  }
0x1d0: {  	s9 =	simm.s32 $0x10040;
	v6 =	vadd.s32 s5, v10;
	(xrf0) =	vmax.scan.msk.u32 $0xffff, v8;
	v5 =	vnsel vm12, $0x0, v5  }
0x1d1: {  	vm13 =	vge.s32 v6, v3;
	v6 =	vld [tilespmem:s9+$0x0];
	(xrf0) =	vadd.scan.msk.s32 $0xffff, v5  }
0x1d2: {  	v8, _, _ =	vpop (xrf0);
	v11 =	vsel vm13, $0x1, v0  }
0x1d3: {  	v7, _, _ =	vpop (xrf0);
	(v2sf) =	vpush v8, $0xF;
	(xrf0) =	vadd.scan.msk.s32 $0xffff, v11  }
0x1d4: {  	(v2sf) =	vpush v7, $0xF;
	v5 =	vnsel vm12, $0x0, v1  }
0x1d5: {  	(xrf0) =	vadd.scan.msk.s32 $0xffff, v5  }
0x1d6: {  	v8, _, _ =	vpop (xrf0);
	v11 =	vor.u32 $0x80000000, v11;
	(xrf0) =	vadd.scan.msk.s32 $0xffff, v6  }
0x1d7: {  	v12, _, _ =	vpop (xrf0);
	(xrf0) =	vmax.scan.msk.u32 $0xffff, v11  }
0x1d8: {  	(v2sf) =	vpush v8, $0xF  }
0x1d9: {  	s10 =	spop (v2sf);
	v5, _, _ =	vpop (xrf0)  }
0x1da: {  	s15 =	sadd.s32 s5, s10;
	(v2sf) =	vpush v12, $0xF;
	vm14 =	veq.s32 v5, $0x1;
	v5 =	vsub.s32 v10, v9  }
0x1db: {  	s17 =	simm.s32 $0x10050;
	v9 =	vadd.s32 s15, v7;
	s14 =	spop (v2sf);
	v10, _, _ =	vpop (xrf0);
	v5 =	vnsel vm14, $0x0, v5  }
0x1dc: {  	vm15 =	vge.s32 v9, v3;
	s11 =	spop (v2sf);
	v8, _, _ =	vpop (xrf0);
	(v2sf) =	vpush v10, $0xF;
	(xrf0) =	vadd.scan.msk.s32 $0xffff, v5;
	v5 =	vld [tilespmem:s17+$0x0]  }
0x1dd: {  	v9 =	vsel vm15, $0x1, v0;
	(v2sf) =	vpush v8, $0xF;
	v10, _, _ =	vpop (xrf0)  }
0x1de: {  	s12 =	simm.s32 $0x10;
	s13 =	simm.s32 $0x20;
	p0 =	por $0x1, $0x1;
	v11 =	vnsel vm14, $0x0, v1;
	(xrf0) =	vadd.scan.msk.s32 $0xffff, v9;
	(v2sf) =	vpush v10, $0xF  }
0x1df: {  	s4 =	simm.s32 $0x0;
	s19 =	simm.s32 $0x60;
	p1 =	seq.s32 s14, $0x80000001;
	(xrf0) =	vadd.scan.msk.s32 $0xffff, v11  }
0x1e0: {  	s8 =	simm.s32 $0x30;
	s9 =	simm.s32 $0x50;
	p0 =	por !p0, !p1  }
0x1e1: {  	s10 =	simm.s32 $0x40;
	s2 =	sadd.s32 $0x0, s11;
	p0 =	por !p0, !p0;
	(xrf0) =	vadd.scan.msk.s32 $0xffff, v5  }
0x1e2: {  	s11 =	smov.u32 s15;
	s4 =	smov.u32 @p0 s2;
	s16 =	spop (v2sf)  }
0x1e3: {  	s18 =	spop (v2sf);
	s7 =	sadd.s32 $0x0, s16;
	s16 =	simm.s32 $0x0;
	v10, _, _ =	vpop (xrf0)  }
.LBB2_16:
0x1e4: {  	p1 =	sne.s32 s19, $0xF0;
	v9 =	vor.u32 $0x80000000, v9;
	s15 =	sadd.s32 s15, s18;
	v11, _, _ =	vpop (xrf0);
	(v2sf) =	vpush v10, $0xF;
	s29 =	smov.u32 @p0 s7  }
0x1e5: {  	s17 =	sadd.s32 $0x10, s17;
	v12 =	vsub.s32 v7, v4;
	s2 =	smov.u32 s12;
	s12 =	smov.u32 s13;
	v10 =	vadd.s32 s15, v8;
	vm0 =	veq.s32 v11, $0x1;
	(xrf0) =	vmax.scan.msk.u32 $0xffff, v9;
	v7, _, _ =	vpop (xrf0)  }
0x1e6: {  	s7 =	sxor.u32 $0x80000000, s14;
	v4 =	vmovc v6;
	v6 =	vmovc v5;
	s13 =	smov.u32 s8;
	s8 =	smov.u32 s10;
	vm1 =	vge.s32 v10, v3;
	v10 =	vnsel vm0, $0x0, v1;
	v11 =	vnsel vm0, $0x0, v12;
	v5 =	vld [tilespmem:s17+$0x0]  }
0x1e7: {  	s10 =	smov.u32 s9;
	s16 =	sor.u32 s16, s7;
	v9 =	vsel vm1, $0x1, v0;
	(xrf0) =	vadd.scan.msk.s32 $0xffff, v11;
	(v2sf) =	vpush v7, $0xF;
	s14 =	spop (v2sf);
	v7 =	vmov v8;
	v8, _, _ =	vpop (xrf0)  }
0x1e8: {  	s9 =	smov.u32 s19;
	p0 =	seq.s32 s16, $0x0;
	(v2sf) =	vpush v8, $0xF;
	(xrf0) =	vadd.scan.msk.s32 $0xffff, v9;
	p2 =	seq.s32 s14, $0x80000001  }
.Ltmp10:
0x1e9: {  	(xrf0) =	vadd.scan.msk.s32 $0xffff, v10;
	p0 =	por !p0, !p2;
	s7 =	spop (v2sf);
	(pc) =	sbr.rel @p1 .LBB2_16-.Ltmp10, $4  }
0x1ea: {  	p0 =	por !p0, !p0;
	s7 =	sadd.s32 s6, s7;
	s6 =	smov.u32 s5  }
0x1eb: {  	s5 =	smov.u32 s11;
	s11 =	smov.u32 s15;
	(xrf0) =	vadd.scan.msk.s32 $0xffff, v5;
	v10, _, _ =	vpop (xrf0);
	s4 =	smov.u32 @p0 s7  }
0x1ec: {  	(v2sf) =	vpush v10, $0xF;
	s7 =	spop (v2sf)  }
0x1ed: {  	s19 =	sadd.s32 $0x10, s19;
	s18 =	spop (v2sf);
	v10, _, _ =	vpop (xrf0);
	s7 =	sadd.s32 s2, s7  }
0x1ee: {  	v9 =	vor.u32 $0x80000000, v9;
	s15 =	sadd.s32 s15, s18;
	v11, _, _ =	vpop (xrf0)  }
0x1ef: {  	v4 =	vsub.s32 v7, v4;
	v12 =	vadd.s32 s15, v8;
	vm0 =	veq.s32 v11, $0x1  }
0x1f0: {  	(xrf0) =	vmax.scan.msk.u32 $0xffff, v9;
	vm1 =	vge.s32 v12, v3;
	v4 =	vnsel vm0, $0x0, v4  }
0x1f1: {  	v55 =	vsel vm1, $0x1, v0;
	(xrf0) =	vadd.scan.msk.s32 $0xffff, v4  }
0x1f2: {  	(xrf0) =	vadd.scan.msk.s32 $0xffff, v55;
	_ =	sdelay $0x1  }
0x1f3: {  	s19 =	spop (v2sf);
	v4, _, _ =	vpop (xrf0)  }
0x1f4: {  	s2 =	spop (v2sf);
	v56, _, _ =	vpop (xrf0)  }
0x1f5: {  	v57, _, _ =	vpop (xrf0);
	s18 =	spop (v2sf)  }
0x1f6: {  	v58, _, _ =	vpop (xrf0);
	s17 =	spop (v2sf)  }
0x1f7: {  	v6 =	vsub.s32 v8, v6;
	v59 =	vnsel vm0, $0x0, v1;
	v13, _, _ =	vpop (xrf0);
	s17 =	sadd.s32 s15, s17  }
0x1f8: {  	v7 =	vor.u32 $0x80000000, v55;
	(xrf0) =	vadd.scan.msk.s32 $0xffff, v59;
	vm13 =	veq.s32 v13, $0x1;
	v60 =	vadd.s32 s17, v56  }
0x1f9: {  	(xrf0) =	vmax.scan.msk.u32 $0xffff, v7;
	vm14 =	vge.s32 v60, v3;
	v3 =	vnsel vm13, $0x0, v6  }
0x1fa: {  	v61 =	vsel vm14, $0x1, v0;
	(xrf0) =	vadd.scan.msk.s32 $0xffff, v3  }
0x1fb: {  	(v2sf) =	vpush v10, $0xF;
	(xrf0) =	vadd.scan.msk.s32 $0xffff, v61  }
0x1fc: {  	(v2sf) =	vpush v4, $0xF;
	v4 =	vnsel vm13, $0x0, v1;
	_ =	sdelay $0x1  }
0x1fd: {  	v3, _, _ =	vpop (xrf0)  }
0x1fe: {  	(xrf0) =	vadd.scan.msk.s32 $0xffff, v4;
	v4, _, _ =	vpop (xrf0)  }
0x1ff: {  	(v2sf) =	vpush v56, $0xF;
	v62, _, _ =	vpop (xrf0)  }
0x200: {  	(v2sf) =	vpush v57, $0xF;
	v6 =	vor.u32 $0x80000000, v61;
	v63, _, _ =	vpop (xrf0)  }
0x201: {  	v5 =	vsub.s32 v56, v5;
	(v2sf) =	vpush v58, $0xF;
	(xrf0) =	vmax.scan.msk.u32 $0xffff, v6;
	vm15 =	veq.s32 v63, $0x1  }
0x202: {  	(v2sf) =	vpush v3, $0xF;
	v3 =	vnsel vm15, $0x0, v5;
	_ =	sdelay $0x1  }
0x203: {  	(v2sf) =	vpush v4, $0xF;
	v4 =	vnsel vm15, $0x0, v1;
	(xrf0) =	vadd.scan.msk.s32 $0xffff, v3  }
0x204: {  	v3, _, _ =	vpop (xrf0);
	(xrf0) =	vadd.scan.msk.s32 $0xffff, v4  }
0x205: {  	(v2sf) =	vpush v62, $0xF  }
0x206: {  	(v2sf) =	vpush v3, $0xF;
	v3, _, _ =	vpop (xrf0)  }
0x207: {  	(v2sf) =	vpush v3, $0xF  }
0x208: {  	s14 =	sxor.u32 $0x80000000, s14  }
0x209: {  	s14 =	sor.u32 s16, s14;
	v3, _, _ =	vpop (xrf0)  }
0x20a: {  	p2 =	seq.s32 s19, $0x80000001;
	p1 =	seq.s32 s14, $0x0;
	s16 =	spop (v2sf);
	(v2sf) =	vpush v3, $0xF;
	v3, _, _ =	vpop (xrf0)  }
0x20b: {  	s29 =	smov.u32 @p0 s7;
	p5 =	por !p1, !p2;
	s7 =	spop (v2sf);
	(v2sf) =	vpush v3, $0xF  }
0x20c: {  	p0 =	por !p5, !p5;
	s2 =	sadd.s32 s6, s2;
	s6 =	spop (v2sf)  }
0x20d: {  	s19 =	sxor.u32 $0x80000000, s19;
	s4 =	smov.u32 @p0 s2;
	s2 =	spop (v2sf)  }
0x20e: {  	p1 =	seq.s32 s16, $0x80000001;
	s5 =	sadd.s32 s5, s7;
	s2 =	sadd.s32 s12, s18  }
0x20f: {  	s6 =	sadd.s32 s13, s6;
	s12 =	spop (v2sf);
	s29 =	smov.u32 @p0 s2  }
0x210: {  	[tilespmem:$0x10000] =	vst v0;
	s18 =	spop (v2sf);
	s2 =	sor.u32 s14, s19;
	s19 =	sxor.u32 $0x80000000, s16  }
0x211: {  	[tilespmem:$0x10010] =	vst v0;
	p3 =	seq.s32 s12, $0x80000001;
	p0 =	seq.s32 s2, $0x0;
	s2 =	sor.u32 s2, s19  }
0x212: {  	[tilespmem:$0x10020] =	vst v0;
	s12 =	sxor.u32 $0x80000000, s12;
	p2 =	seq.s32 s2, $0x0;
	s13 =	spop (v2sf)  }
0x213: {  	[tilespmem:$0x10030] =	vst v0;
	s2 =	sor.u32 s2, s12;
	p0 =	por !p0, !p1;
	s14 =	spop (v2sf)  }
0x214: {  	[tilespmem:$0x10040] =	vst v0;
	p4 =	seq.s32 s2, $0x0;
	p3 =	por !p2, !p3;
	s12 =	spop (v2sf)  }
0x215: {  	[tilespmem:$0x10050] =	vst v0;
	s19 =	sxor.u32 $0x80000000, s14;
	p5 =	seq.s32 s14, $0x80000001;
	s16 =	spop (v2sf)  }
0x216: {  	[tilespmem:$0x10060] =	vst v0;
	s2 =	sor.u32 s2, s19;
	p4 =	por !p4, !p5;
	s19 =	spop (v2sf)  }
0x217: {  	[tilespmem:$0x10070] =	vst v0;
	p6 =	seq.s32 s2, $0x0;
	s2 =	sadd.s32 s8, s13;
	p1 =	seq.s32 s19, $0x80000001  }
0x218: {  	[tilespmem:$0x10080] =	vst v0;
	p6 =	por !p6, !p1;
	p1 =	por !p0, !p0;
	p0 =	por !p3, !p3  }
0x219: {  	[tilespmem:$0x10090] =	vst v0;
	p3 =	por !p4, !p4;
	s29 =	smov.u32 @p1 s6;
	s14 =	spop (v2sf)  }
0x21a: {  	[tilespmem:$0x100A0] =	vst v0;
	s6 =	sadd.s32 s10, s16;
	s29 =	smov.u32 @p0 s2;
	s19 =	spop (v2sf)  }
0x21b: {  	[tilespmem:$0x100B0] =	vst v0;
	p2 =	por !p6, !p6;
	s29 =	smov.u32 @p3 s6;
	s6 =	sadd.s32 s9, s19  }
0x21c: {  	[tilespmem:$0x100C0] =	vst v0;
	s4 =	smov.u32 @p1 s5;
	s5 =	sadd.s32 s11, s18;
	s29 =	smov.u32 @p2 s6  }
0x21d: {  	[tilespmem:$0x100D0] =	vst v0;
	s4 =	smov.u32 @p0 s5;
	s5 =	sadd.s32 s15, s12;
	s6 =	sshll.u32 s29, $0x7  }
0x21e: {  	[tilespmem:$0x100E0] =	vst v0;
	s2 =	sadd.s32 s17, s14;
	s4 =	smov.u32 @p3 s5;
	s1 =	sor.u32 s1, s6  }
0x21f: {  	[tilespmem:$0x100F0] =	vst v0;
	s5 =	simm.s32 $0x40;
	s4 =	smov.u32 @p2 s2;
	s6 =	simm.s32 $0x0;
	v3 =	vmov s1  }
.LBB2_18:
0x220: {  	p0 =	seq.s32 s5, $0x1FFC0;
	v4 =	vld [tilespmem:s6+$0x8000];
	_ =	sdelay $0x4  }
0x221: {  	v5 =	vand.u32 $0x7FFFFF80, v4  }
0x222: {  	vm0 =	veq.s32 v5, v3  }
0x223: {  	v4 =	vand.u32 $0x7F, v4  }
.Ltmp11:
0x224: {  	(pc) =	sbr.rel @!p0 .LBB2_18-.Ltmp11, $2  }
0x225: {  	_ =	sdelay $0x2  }
0x226: {  	s6 =	sshra.s32 s5, $0x2;
	s5 =	sadd.s32 $0x40, s5;
	[tilespmem:v4+s30+$0x0] =	vst.idx.add.s32.msk vm0, v2  }
0x227: {  	v4 =	vld [tilespmem:s6+$0x8000];
	_ =	sdelay $0x4  }
0x228: {  	v5 =	vand.u32 $0x7FFFFF80, v4  }
0x229: {  	vm0 =	veq.s32 v5, v3  }
0x22a: {  	v3 =	vand.u32 $0x7F, v4;
	_ =	sdelay $0x4  }
0x22b: {  	s5 =	simm.s32 $0x10000;
	[tilespmem:v3+s30+$0x0] =	vst.idx.add.s32.msk vm0, v2  }
0x22c: {  	v4 =	vld [tilespmem:s5+$0x0];
	_ =	sdelay $0x4  }
0x22d: {  	(xrf0) =	vadd.scan.msk.s32 $0xffff, v4;
	_ =	sdelay $0x4  }
0x22e: {  	s2 =	simm.s32 $0x10010  }
0x22f: {  	v5 =	vld [tilespmem:s2+$0x0];
	v6, _, _ =	vpop (xrf0)  }
0x230: {  	(v2sf) =	vpush v6, $0xF;
	_ =	sdelay $0x3  }
0x231: {  	(xrf0) =	vadd.scan.msk.s32 $0xffff, v5  }
0x232: {  	s22 =	ssub.s32 s22, s4;
	s29 =	simm.s32 $0x0  }
0x233: {  	v3 =	vmov s22;
	v7 =	vadd.s32 s29, v6  }
0x234: {  	vm10 =	vge.s32 v7, v3  }
0x235: {  	v8 =	vsel vm10, $0x1, v0  }
0x236: {  	s6 =	simm.s32 $0x10020;
	(xrf0) =	vadd.scan.msk.s32 $0xffff, v8  }
0x237: {  	v9 =	vld [tilespmem:s6+$0x0];
	v7, _, _ =	vpop (xrf0)  }
0x238: {  	(v2sf) =	vpush v7, $0xF;
	_ =	sdelay $0x3  }
0x239: {  	(xrf0) =	vadd.scan.msk.s32 $0xffff, v9;
	v10, _, _ =	vpop (xrf0);
	s7 =	spop (v2sf)  }
0x23a: {  	v6 =	vsub.s32 v6, v4;
	v8 =	vor.u32 $0x80000000, v8;
	vm11 =	veq.s32 v10, $0x1;
	s4 =	sadd.s32 $0x0, s7  }
0x23b: {  	(xrf0) =	vmax.scan.msk.u32 $0xffff, v8;
	v6 =	vnsel vm11, $0x0, v6;
	v11 =	vadd.s32 s4, v7  }
0x23c: {  	(xrf0) =	vadd.scan.msk.s32 $0xffff, v6;
	vm1 =	vge.s32 v11, v3  }
0x23d: {  	s8 =	simm.s32 $0x10030;
	v8 =	vsel vm1, $0x1, v0  }
0x23e: {  	v4 =	vld [tilespmem:s8+$0x0];
	v6 =	vnsel vm11, $0x0, v1;
	(xrf0) =	vadd.scan.msk.s32 $0xffff, v8  }
0x23f: {  	v10, _, _ =	vpop (xrf0)  }
0x240: {  	(v2sf) =	vpush v10, $0xF  }
0x241: {  	(xrf0) =	vadd.scan.msk.s32 $0xffff, v6;
	v6, _, _ =	vpop (xrf0)  }
0x242: {  	(v2sf) =	vpush v6, $0xF;
	v6, _, _ =	vpop (xrf0)  }
0x243: {  	(xrf0) =	vadd.scan.msk.s32 $0xffff, v4;
	(v2sf) =	vpush v6, $0xF  }
0x244: {  	s9 =	spop (v2sf);
	v11, _, _ =	vpop (xrf0)  }
0x245: {  	v5 =	vsub.s32 v7, v5;
	v8 =	vor.u32 $0x80000000, v8;
	s5 =	sadd.s32 s4, s9;
	vm12 =	veq.s32 v11, $0x1  }
0x246: {  	s10 =	simm.s32 $0x10040;
	v6 =	vadd.s32 s5, v10;
	(xrf0) =	vmax.scan.msk.u32 $0xffff, v8;
	v5 =	vnsel vm12, $0x0, v5  }
0x247: {  	vm13 =	vge.s32 v6, v3;
	v6 =	vld [tilespmem:s10+$0x0];
	(xrf0) =	vadd.scan.msk.s32 $0xffff, v5  }
0x248: {  	v8, _, _ =	vpop (xrf0);
	v11 =	vsel vm13, $0x1, v0  }
0x249: {  	v7, _, _ =	vpop (xrf0);
	(v2sf) =	vpush v8, $0xF;
	(xrf0) =	vadd.scan.msk.s32 $0xffff, v11  }
0x24a: {  	(v2sf) =	vpush v7, $0xF;
	v5 =	vnsel vm12, $0x0, v1  }
0x24b: {  	(xrf0) =	vadd.scan.msk.s32 $0xffff, v5  }
0x24c: {  	v8, _, _ =	vpop (xrf0);
	v11 =	vor.u32 $0x80000000, v11;
	(xrf0) =	vadd.scan.msk.s32 $0xffff, v6  }
0x24d: {  	v12, _, _ =	vpop (xrf0);
	(xrf0) =	vmax.scan.msk.u32 $0xffff, v11  }
0x24e: {  	(v2sf) =	vpush v8, $0xF  }
0x24f: {  	s11 =	spop (v2sf);
	v5, _, _ =	vpop (xrf0)  }
0x250: {  	s16 =	sadd.s32 s5, s11;
	(v2sf) =	vpush v12, $0xF;
	vm14 =	veq.s32 v5, $0x1;
	v5 =	vsub.s32 v10, v9  }
0x251: {  	s17 =	simm.s32 $0x10050;
	v9 =	vadd.s32 s16, v7;
	s14 =	spop (v2sf);
	v10, _, _ =	vpop (xrf0);
	v5 =	vnsel vm14, $0x0, v5  }
0x252: {  	vm15 =	vge.s32 v9, v3;
	s13 =	spop (v2sf);
	v8, _, _ =	vpop (xrf0);
	(v2sf) =	vpush v10, $0xF;
	(xrf0) =	vadd.scan.msk.s32 $0xffff, v5;
	v5 =	vld [tilespmem:s17+$0x0]  }
0x253: {  	v9 =	vsel vm15, $0x1, v0;
	(v2sf) =	vpush v8, $0xF;
	v10, _, _ =	vpop (xrf0)  }
0x254: {  	s12 =	simm.s32 $0x10;
	p0 =	por $0x1, $0x1;
	s19 =	simm.s32 $0x60;
	v11 =	vnsel vm14, $0x0, v1;
	(xrf0) =	vadd.scan.msk.s32 $0xffff, v9;
	(v2sf) =	vpush v10, $0xF  }
0x255: {  	s6 =	simm.s32 $0x50;
	s8 =	simm.s32 $0x0;
	p1 =	seq.s32 s14, $0x80000001;
	(xrf0) =	vadd.scan.msk.s32 $0xffff, v11  }
0x256: {  	s9 =	simm.s32 $0x30;
	s10 =	simm.s32 $0x40;
	p0 =	por !p0, !p1  }
0x257: {  	s11 =	simm.s32 $0x20;
	s2 =	sadd.s32 $0x0, s13;
	p0 =	por !p0, !p0;
	(xrf0) =	vadd.scan.msk.s32 $0xffff, v5  }
0x258: {  	s13 =	smov.u32 s16;
	s8 =	smov.u32 @p0 s2;
	s15 =	spop (v2sf)  }
0x259: {  	s18 =	spop (v2sf);
	s7 =	sadd.s32 $0x0, s15;
	s15 =	simm.s32 $0x0;
	v10, _, _ =	vpop (xrf0)  }
.LBB2_20:
0x25a: {  	p1 =	sne.s32 s19, $0x70;
	v9 =	vor.u32 $0x80000000, v9;
	s16 =	sadd.s32 s16, s18;
	v11, _, _ =	vpop (xrf0);
	(v2sf) =	vpush v10, $0xF;
	s29 =	smov.u32 @p0 s7  }
0x25b: {  	s17 =	sadd.s32 $0x10, s17;
	v12 =	vsub.s32 v7, v4;
	s2 =	smov.u32 s12;
	s12 =	smov.u32 s11;
	v10 =	vadd.s32 s16, v8;
	vm0 =	veq.s32 v11, $0x1;
	(xrf0) =	vmax.scan.msk.u32 $0xffff, v9;
	v7, _, _ =	vpop (xrf0)  }
0x25c: {  	s7 =	sxor.u32 $0x80000000, s14;
	v4 =	vmovc v6;
	v6 =	vmovc v5;
	s11 =	smov.u32 s9;
	s9 =	smov.u32 s10;
	vm1 =	vge.s32 v10, v3;
	v10 =	vnsel vm0, $0x0, v1;
	v11 =	vnsel vm0, $0x0, v12;
	v5 =	vld [tilespmem:s17+$0x0]  }
0x25d: {  	s10 =	smov.u32 s6;
	s15 =	sor.u32 s15, s7;
	v9 =	vsel vm1, $0x1, v0;
	(xrf0) =	vadd.scan.msk.s32 $0xffff, v11;
	(v2sf) =	vpush v7, $0xF;
	s14 =	spop (v2sf);
	v7 =	vmov v8;
	v8, _, _ =	vpop (xrf0)  }
0x25e: {  	s6 =	smov.u32 s19;
	p0 =	seq.s32 s15, $0x0;
	(v2sf) =	vpush v8, $0xF;
	(xrf0) =	vadd.scan.msk.s32 $0xffff, v9;
	p2 =	seq.s32 s14, $0x80000001  }
.Ltmp12:
0x25f: {  	(xrf0) =	vadd.scan.msk.s32 $0xffff, v10;
	p0 =	por !p0, !p2;
	s7 =	spop (v2sf);
	(pc) =	sbr.rel @p1 .LBB2_20-.Ltmp12, $4  }
0x260: {  	p0 =	por !p0, !p0;
	s7 =	sadd.s32 s4, s7;
	s4 =	smov.u32 s5  }
0x261: {  	s5 =	smov.u32 s13;
	s13 =	smov.u32 s16;
	(xrf0) =	vadd.scan.msk.s32 $0xffff, v5;
	v10, _, _ =	vpop (xrf0);
	s8 =	smov.u32 @p0 s7  }
0x262: {  	(v2sf) =	vpush v10, $0xF;
	s7 =	spop (v2sf)  }
0x263: {  	s19 =	sadd.s32 $0x10, s19;
	s18 =	spop (v2sf);
	v10, _, _ =	vpop (xrf0);
	s7 =	sadd.s32 s2, s7  }
0x264: {  	v9 =	vor.u32 $0x80000000, v9;
	s16 =	sadd.s32 s16, s18;
	v11, _, _ =	vpop (xrf0)  }
0x265: {  	v4 =	vsub.s32 v7, v4;
	v12 =	vadd.s32 s16, v8;
	vm0 =	veq.s32 v11, $0x1  }
0x266: {  	(xrf0) =	vmax.scan.msk.u32 $0xffff, v9;
	vm1 =	vge.s32 v12, v3;
	v4 =	vnsel vm0, $0x0, v4  }
0x267: {  	v52 =	vsel vm1, $0x1, v0;
	(xrf0) =	vadd.scan.msk.s32 $0xffff, v4  }
0x268: {  	(xrf0) =	vadd.scan.msk.s32 $0xffff, v52;
	_ =	sdelay $0x1  }
0x269: {  	s2 =	spop (v2sf);
	v53, _, _ =	vpop (xrf0)  }
0x26a: {  	v54, _, _ =	vpop (xrf0);
	s18 =	spop (v2sf)  }
0x26b: {  	v55, _, _ =	vpop (xrf0);
	s19 =	spop (v2sf)  }
0x26c: {  	v56, _, _ =	vpop (xrf0);
	s17 =	spop (v2sf)  }
0x26d: {  	v6 =	vsub.s32 v8, v6;
	v57 =	vnsel vm0, $0x0, v1;
	v13, _, _ =	vpop (xrf0);
	s17 =	sadd.s32 s16, s17  }
0x26e: {  	v7 =	vor.u32 $0x80000000, v52;
	(xrf0) =	vadd.scan.msk.s32 $0xffff, v57;
	vm13 =	veq.s32 v13, $0x1;
	v58 =	vadd.s32 s17, v54  }
0x26f: {  	(xrf0) =	vmax.scan.msk.u32 $0xffff, v7;
	vm14 =	vge.s32 v58, v3;
	v3 =	vnsel vm13, $0x0, v6  }
0x270: {  	v59 =	vsel vm14, $0x1, v0;
	(xrf0) =	vadd.scan.msk.s32 $0xffff, v3  }
0x271: {  	(xrf0) =	vadd.scan.msk.s32 $0xffff, v59  }
0x272: {  	(v2sf) =	vpush v10, $0xF  }
0x273: {  	(v2sf) =	vpush v53, $0xF  }
0x274: {  	(v2sf) =	vpush v54, $0xF;
	v3, _, _ =	vpop (xrf0)  }
0x275: {  	(v2sf) =	vpush v55, $0xF;
	v60, _, _ =	vpop (xrf0)  }
0x276: {  	v62 =	vnsel vm13, $0x0, v1;
	v61, _, _ =	vpop (xrf0)  }
0x277: {  	(v2sf) =	vpush v56, $0xF;
	v6 =	vor.u32 $0x80000000, v59;
	(xrf0) =	vadd.scan.msk.s32 $0xffff, v62;
	v63, _, _ =	vpop (xrf0)  }
0x278: {  	v5 =	vsub.s32 v54, v5;
	(xrf0) =	vmax.scan.msk.u32 $0xffff, v6;
	vm15 =	veq.s32 v63, $0x1  }
0x279: {  	(v2sf) =	vpush v3, $0xF;
	v5 =	vnsel vm15, $0x0, v5  }
0x27a: {  	s14 =	sxor.u32 $0x80000000, s14;
	(v2sf) =	vpush v60, $0xF;
	v3 =	vnsel vm15, $0x0, v1;
	(xrf0) =	vadd.scan.msk.s32 $0xffff, v5  }
0x27b: {  	s14 =	sor.u32 s15, s14  }
0x27c: {  	p2 =	seq.s32 s2, $0x80000001;
	p1 =	seq.s32 s14, $0x0;
	(xrf0) =	vadd.scan.msk.s32 $0xffff, v3  }
0x27d: {  	s2 =	sxor.u32 $0x80000000, s2;
	p2 =	por !p1, !p2;
	(v2sf) =	vpush v61, $0xF;
	v3, _, _ =	vpop (xrf0)  }
0x27e: {  	s29 =	smov.u32 @p0 s7;
	s2 =	sor.u32 s14, s2;
	p0 =	por !p2, !p2;
	(v2sf) =	vpush v3, $0xF;
	v3, _, _ =	vpop (xrf0)  }
0x27f: {  	s4 =	sadd.s32 s4, s18;
	s12 =	sadd.s32 s12, s19;
	s7 =	spop (v2sf);
	(v2sf) =	vpush v3, $0xF  }
0x280: {  	p3 =	seq.s32 s2, $0x0;
	s8 =	smov.u32 @p0 s4;
	s29 =	smov.u32 @p0 s12;
	v3, _, _ =	vpop (xrf0)  }
0x281: {  	p4 =	seq.s32 s7, $0x80000001;
	s14 =	sxor.u32 $0x80000000, s7;
	s18 =	spop (v2sf);
	(v2sf) =	vpush v3, $0xF  }
0x282: {  	p0 =	por !p3, !p4;
	s2 =	sor.u32 s2, s14;
	s15 =	spop (v2sf);
	v3, _, _ =	vpop (xrf0)  }
0x283: {  	s4 =	sadd.s32 s5, s18;
	p0 =	por !p0, !p0;
	s19 =	spop (v2sf);
	(v2sf) =	vpush v3, $0xF  }
0x284: {  	p5 =	seq.s32 s2, $0x0;
	s5 =	sadd.s32 s11, s15;
	s12 =	spop (v2sf)  }
0x285: {  	s8 =	smov.u32 @p0 s4;
	s29 =	smov.u32 @p0 s5;
	p6 =	seq.s32 s12, $0x80000001  }
0x286: {  	s18 =	spop (v2sf);
	s11 =	sxor.u32 $0x80000000, s12;
	p1 =	por !p5, !p6  }
0x287: {  	s7 =	sadd.s32 s13, s18;
	s2 =	sor.u32 s2, s11;
	s11 =	rddreg [dreg:$0x1]  }
0x288: {  	p0 =	por !p1, !p1;
	p2 =	seq.s32 s2, $0x0;
	s19 =	spop (v2sf)  }
0x289: {  	s8 =	smov.u32 @p0 s7;
	s12 =	spop (v2sf);
	s4 =	sadd.s32 s9, s19  }
0x28a: {  	p3 =	seq.s32 s12, $0x80000001;
	s29 =	smov.u32 @p0 s4;
	s15 =	sxor.u32 $0x80000000, s12  }
0x28b: {  	s12 =	rddreg [dreg:$0x4];
	p1 =	por !p2, !p3;
	s2 =	sor.u32 s2, s15  }
0x28c: {  	s15 =	rddreg [dreg:$0x7];
	s13 =	spop (v2sf);
	p0 =	por !p1, !p1  }
0x28d: {  	p4 =	seq.s32 s2, $0x0;
	s4 =	sadd.s32 s16, s13;
	s14 =	spop (v2sf)  }
0x28e: {  	s13 =	rddreg [dreg:$0x5];
	s8 =	smov.u32 @p0 s4;
	s16 =	spop (v2sf)  }
0x28f: {  	s4 =	sadd.s32 s10, s14;
	s14 =	rddreg [dreg:$0x6];
	p5 =	seq.s32 s16, $0x80000001  }
0x290: {  	s29 =	smov.u32 @p0 s4;
	s16 =	rddreg [dreg:$0x8];
	s18 =	spop (v2sf)  }
0x291: {  	p6 =	por !p4, !p5;
	s2 =	sadd.s32 s17, s18;
	s17 =	rddreg [dreg:$0x9]  }
0x292: {  	p0 =	por !p6, !p6;
	s19 =	spop (v2sf);
	s18 =	rddreg [dreg:$0xa]  }
0x293: {  	s4 =	sadd.s32 s6, s19;
	s8 =	smov.u32 @p0 s2;
	s19 =	rddreg [dreg:$0xb]  }
0x294: {  	s29 =	smov.u32 @p0 s4;
	s4 =	ssub.s32 s22, s8;
	s22 =	rddreg [dreg:$0xc]  }
0x295: {  	s1 =	sor.u32 s1, s29;
	s29 =	rddreg [dreg:$0xd]  }
.LBB2_22:
0x296: {  	s2 =	simm.s32 $0x0  }
0x297: {  	v4 =	vld [tilespmem:s2+$0x8000];
	_ =	sdelay $0x3  }
0x298: {  	v3 =	vmov s1  }
0x299: {  	vm1 =	veq.s32 v4, v3  }
0x29a: {  	v5 =	vsel vm1, $0x1, v0  }
0x29b: {  	(xrf0) =	vadd.scan.msk.s32 $0xffff, v5;
	_ =	sdelay $0x1  }
0x29c: {  	vm0 =	vlt.s32 v4, v3  }
0x29d: {  	v6 =	vsel vm0, $0x1, v0  }
0x29e: {  	(xrf0) =	vadd.scan.msk.s32 $0xffff, v6;
	_ =	sdelay $0x1  }
0x29f: {  	s1 =	ssub.s32 $0x400, s4;
	v6, _, _ =	vpop (xrf0)  }
0x2a0: {  	s10 =	sadd.s32 $0x0, s1;
	v5 =	vsub.s32 v6, v5;
	(v2sf) =	vpush v6, $0xF  }
0x2a1: {  	v5 =	vadd.s32 s10, v5  }
0x2a2: {  	v6 =	vsel vm0, $0xFFFFFFFF, v0;
	v7 =	vshra.s32 v5, $0x7  }
0x2a3: {  	v8, _, _ =	vpop (xrf0);
	v6 =	vadd.s32 s0, v6;
	vm2 =	vlt.s32 v7, $0x7  }
0x2a4: {  	vm3 =	vlt.s32 v5, $0x400;
	v6 =	vadd.s32 v8, v6;
	v7 =	vnsel vm2, $0x7, v7  }
0x2a5: {  	v5 =	vand.u32 $0x7F, v5;
	vm1 =	vmand vm1, vm3;
	v7 =	vshll.u32 v7, $0x7  }
0x2a6: {  	(v2sf) =	vpush v8, $0xF;
	vm2 =	vlt.s32 v6, $0x3FF;
	v5 =	vor.u32 v5, v7  }
0x2a7: {  	v6 =	vnsel vm2, $0x3FF, v6;
	_ =	sdelay $0x1  }
0x2a8: {  	s5 =	rddreg [dreg:$0x12]  }
0x2a9: {  	s7 =	simm.s32 $0x40;
	s8 =	simm.s32 $0x80;
	s6 =	simm.s32 $0x0;
	v7 =	vor.u32 s5, v1  }
.LBB2_23:
0x2aa: {  	p0 =	sne.s32 s8, $0x1FFC0;
	[tilespmem:v5+s23+$0x0] =	vst.idx.msk vm1, v7  }
0x2ab: {  	[tilespmem:v6+s24+$0x0] =	vst.idx.msk vm0, v4  }
0x2ac: {  	s2 =	sshra.s32 s7, $0x2;
	s7 =	smov.u32 s8;
	[tilespmem:v6+s25+$0x0] =	vst.idx.msk vm0, v7  }
0x2ad: {  	v4 =	vld [tilespmem:s2+$0x8000]  }
0x2ae: {  	s2 =	spop (v2sf)  }
0x2af: {  	s0 =	sadd.s32 s0, s2;
	_ =	sdelay $0x2  }
0x2b0: {  	vm1 =	veq.s32 v4, v3  }
0x2b1: {  	v5 =	vsel vm1, $0x1, v0  }
0x2b2: {  	(xrf0) =	vadd.scan.msk.s32 $0xffff, v5;
	s2 =	spop (v2sf)  }
0x2b3: {  	s6 =	sadd.s32 s6, s2  }
0x2b4: {  	vm0 =	vlt.s32 v4, v3  }
0x2b5: {  	v6 =	vsel vm0, $0x1, v0  }
0x2b6: {  	(xrf0) =	vadd.scan.msk.s32 $0xffff, v6;
	_ =	sdelay $0x1  }
0x2b7: {  	v6, _, _ =	vpop (xrf0)  }
0x2b8: {  	s2 =	sadd.s32 s1, s0;
	v5 =	vsub.s32 v6, v5;
	(v2sf) =	vpush v6, $0xF  }
0x2b9: {  	v5 =	vadd.s32 s2, v5  }
0x2ba: {  	v6 =	vsel vm0, $0xFFFFFFFF, v0;
	v7 =	vshra.s32 v5, $0x7  }
0x2bb: {  	v6 =	vadd.s32 s6, v6;
	vm2 =	vlt.s32 v7, $0x7;
	v8, _, _ =	vpop (xrf0)  }
0x2bc: {  	vm3 =	vlt.s32 v5, $0x400;
	v7 =	vnsel vm2, $0x7, v7;
	v6 =	vadd.s32 v8, v6  }
0x2bd: {  	v5 =	vand.u32 $0x7F, v5;
	vm1 =	vmand vm1, vm3;
	v7 =	vshll.u32 v7, $0x7  }
.Ltmp13:
0x2be: {  	vm2 =	vlt.s32 v6, $0x3FF;
	v5 =	vor.u32 v5, v7;
	(v2sf) =	vpush v8, $0xF;
	(pc) =	sbr.rel @p0 .LBB2_23-.Ltmp13, $3  }
0x2bf: {  	v6 =	vnsel vm2, $0x3FF, v6;
	_ =	sdelay $0x1  }
0x2c0: {  	s5 =	sadd.s32 $0x10, s5  }
0x2c1: {  	s8 =	sadd.s32 $0x40, s8;
	v7 =	vor.u32 s5, v1  }
0x2c2: {  	_ =	sdelay $0x4  }
0x2c3: {  	[tilespmem:v5+s23+$0x0] =	vst.idx.msk vm1, v7  }
0x2c4: {  	[tilespmem:v6+s24+$0x0] =	vst.idx.msk vm0, v4  }
0x2c5: {  	s2 =	sshra.s32 s7, $0x2;
	[tilespmem:v6+s25+$0x0] =	vst.idx.msk vm0, v7  }
0x2c6: {  	v4 =	vld [tilespmem:s2+$0x8000];
	_ =	sdelay $0x4  }
0x2c7: {  	vm13 =	veq.s32 v4, v3  }
0x2c8: {  	vm14 =	vlt.s32 v4, v3;
	v58 =	vsel vm13, $0x1, v0  }
0x2c9: {  	v3 =	vsel vm14, $0x1, v0;
	(xrf0) =	vadd.scan.msk.s32 $0xffff, v58  }
0x2ca: {  	(xrf0) =	vadd.scan.msk.s32 $0xffff, v3;
	_ =	sdelay $0x4  }
0x2cb: {  	v3, _, _ =	vpop (xrf0)  }
0x2cc: {  	(v2sf) =	vpush v3, $0xF;
	v59, _, _ =	vpop (xrf0)  }
0x2cd: {  	s9 =	spop (v2sf);
	(v2sf) =	vpush v59, $0xF  }
0x2ce: {  	s0 =	sadd.s32 s0, s9  }
0x2cf: {  	s0 =	sadd.s32 s1, s0;
	v3 =	vsub.s32 v3, v58  }
0x2d0: {  	s10 =	spop (v2sf);
	v3 =	vadd.s32 s0, v3  }
0x2d1: {  	v60 =	vsel vm14, $0xFFFFFFFF, v0;
	s7 =	sadd.s32 s6, s10;
	v61 =	vshra.s32 v3, $0x7  }
0x2d2: {  	v5 =	vadd.s32 s7, v60;
	vm2 =	vlt.s32 v61, $0x7  }
0x2d3: {  	v5 =	vadd.s32 v59, v5;
	vm3 =	vlt.s32 v3, $0x400;
	v7 =	vnsel vm2, $0x7, v61  }
0x2d4: {  	v3 =	vand.u32 $0x7F, v3;
	vm1 =	vmand vm13, vm3;
	v62 =	vshll.u32 v7, $0x7  }
0x2d5: {  	vm15 =	vlt.s32 v5, $0x3FF;
	v3 =	vor.u32 v3, v62  }
0x2d6: {  	v5 =	vnsel vm15, $0x3FF, v5  }
0x2d7: {  	p0 =	slt.s32 s1, $0x1  }
.Ltmp14:
0x2d8: {  	s8 =	sadd.s32 $0x10, s5;
	(pc) =	sbr.rel @p0 .LBB2_41-.Ltmp14, $4  }
0x2d9: {  	v63 =	vor.u32 s8, v1  }
0x2da: {  	[tilespmem:v3+s23+$0x0] =	vst.idx.msk vm1, v63  }
0x2db: {  	[tilespmem:v5+s24+$0x0] =	vst.idx.msk vm14, v4;
	s9 =	spop (v2sf)  }
0x2dc: {  	[tilespmem:v5+s25+$0x0] =	vst.idx.msk vm14, v63;
	s10 =	spop (v2sf)  }
0x2dd: {  	s0 =	ssub.s32 $0x40F, s4;
	p0 =	sne.s32 s4, $0x40F;
	s2 =	simm.s32 $0x1  }
0x2de: {  	s9 =	sshra.s32 s0, $0x1F;
	s2 =	simm.s32 @!p0 $0x0  }
0x2df: {  	s5 =	sand.u32 $0xF, s0;
	s2 =	sor.u32 s2, s9  }
0x2e0: {  	p1 =	sne.s32 s5, $0x0;
	p6 =	sne.s32 s2, $0x1  }
.Ltmp15:
0x2e1: {  	s10 =	sshrl.u32 s9, $0x1C;
	p0 =	por !p1, !p6;
	(pc) =	sbr.rel .LBB2_26-.Ltmp15, $4  }
0x2e2: {  	s0 =	sadd.s32 s10, s0;
	s2 =	simm.s32 $0x1;
	p0 =	por !p0, !p0  }
0x2e3: {  	s0 =	sshra.s32 s0, $0x4;
	s2 =	simm.s32 @!p0 $0x0  }
0x2e4: {  	s0 =	ssub.s32 s0, s2  }
0x2e5: {  	v3 =	vmov s1;
	s4 =	simm.s32 $0x0;
	s5 =	simm.s32 $0x0;
	p0 =	slt.s32 s0, $0x1  }
.LBB2_28:
0x2e6: {  	s6 =	simm.s32 $0x0;
	s7 =	simm.s32 $0x0  }
.LBB2_39:
0x2e7: {  	s2 =	sadd.s32 @p1 $0x10, s6;
	s6 =	simm.s32 $0x0  }
0x2e8: {  	vm0 =	veq.s32 v7, v5;
	vm1 =	vlt.s32 v6, v4;
	s6 =	smov.u32 @p1 s2  }
0x2e9: {  	vm2 =	vlt.s32 v7, v5;
	vm0 =	vmand vm0, vm1;
	v5 =	vor.u32 s6, v1  }
0x2ea: {  	vm0 =	vmor vm2, vm0;
	vm15 =	vlt.s32 v5, v3  }
0x2eb: {  	vm0 =	vmand vm15, vm0  }
0x2ec: {  	v5 =	vsel vm0, $0x1, v0  }
0x2ed: {  	(xrf0) =	vadd.scan.msk.s32 $0xffff, v5;
	_ =	sdelay $0x1  }
0x2ee: {  	v5, _, _ =	vpop @p1 (xrf0)  }
0x2ef: {  	(v2sf) =	vpush @p2 v9, $0xF;
	v5 =	vpsel p1, v5, v8;
	_ =	sdelay $0x1  }
0x2f0: {  	(v2sf) =	vpush @p1 v5, $0xF  }
0x2f1: {  	v5, _, _ =	vpop (xrf0)  }
0x2f2: {  	(v2sf) =	vpush v5, $0xF;
	_ =	sdelay $0x6  }
0x2f3: {  	s2 =	spop @p4 (v2sf)  }
0x2f4: {  	s2 =	sadd.s32 @p4 s7, s2;
	s6 =	simm.s32 $0x0  }
0x2f5: {  	s6 =	smov.u32 @p4 s2;
	s7 =	spop @p3 (v2sf)  }
0x2f6: {  	s2 =	sadd.s32 @p3 s6, s7;
	s6 =	simm.s32 $0x0  }
0x2f7: {  	s6 =	smov.u32 @p3 s2;
	s2 =	spop @p2 (v2sf)  }
0x2f8: {  	s2 =	sadd.s32 @p2 s6, s2;
	s6 =	simm.s32 $0x0  }
0x2f9: {  	s6 =	smov.u32 @p2 s2;
	s2 =	spop @p1 (v2sf)  }
0x2fa: {  	s2 =	sadd.s32 @p1 s6, s2;
	s6 =	simm.s32 $0x0  }
0x2fb: {  	s6 =	smov.u32 @p1 s2;
	s10 =	spop (v2sf)  }
0x2fc: {  	s6 =	sadd.s32 s6, s10  }
.LBB2_40:
0x2fd: {  	s2 =	sshra.s32 s6, $0x7  }
0x2fe: {  	v5 =	vmov s2  }
0x2ff: {  	vm0 =	vlt.s32 v5, $0x7  }
0x300: {  	v5 =	vnsel vm0, $0x7, v5  }
0x301: {  	s10 =	sand.u32 $0x7F, s6;
	v5 =	vshll.u32 v5, $0x7  }
0x302: {  	v5 =	vor.u32 s10, v5  }
0x303: {  	s5 =	sadd.s32 $0x1, s5;
	v5 =	vbroadcast v5, $0x0  }
0x304: {  	p1 =	sne.s32 s5, s1  }
.Ltmp16:
0x305: {  	_ = 	snop;
	(pc) =	sbr.rel @!p1 .LBB2_41-.Ltmp16, $2  }
0x306: {  	_ =	sdelay $0x2  }
0x307: {  	[tilespmem:v5+s23+$0x0] =	vst.idx.msk $0x1, v4  }
.LBB2_26:
0x308: {  	s2 =	sand.u32 $0x7FFFFFF0, s5  }
0x309: {  	v4 =	vld [tilespmem:s2+$0x10500]  }
0x30a: {  	v5 =	vld [tilespmem:s2+$0x10900]  }
0x30b: {  	s10 =	sand.u32 $0xF, s5  }
0x30c: {  	v6 =	vmov s10  }
0x30d: {  	vm0 =	veq.s32 v6, v1  }
0x30e: {  	v4 =	vnsel vm0, $0x0, v4  }
0x30f: {  	(xrf0) =	vadd.scan.msk.s32 $0xffff, v4;
	v4 =	vnsel vm0, $0x0, v5  }
0x310: {  	(xrf0) =	vadd.scan.msk.s32 $0xffff, v4;
	_ =	sdelay $0x3  }
.Ltmp17:
0x311: {  	_ = 	snop;
	(pc) =	sbr.rel @p0 .LBB2_40-.Ltmp17, $4  }
0x312: {  	v5, _, _ =	vpop (xrf0)  }
0x313: {  	v4, _, _ =	vpop (xrf0)  }
0x314: {  	v4 =	vbroadcast v4, $0xF  }
0x315: {  	s6 =	simm.s32 $0x0  }
0x316: {  	s2 =	simm.s32 $0x10500;
	p5 =	sne.s32 s0, $0x1  }
.Ltmp18:
0x317: {  	s8 =	simm.s32 $0x10900;
	v7 =	vld [tilespmem:s2+$0x0];
	(pc) =	sbr.rel @!p5 .LBB2_28-.Ltmp18, $3  }
0x318: {  	v6 =	vld [tilespmem:s8+$0x0];
	_ =	sdelay $0x1  }
0x319: {  	s6 =	sadd.s32 $0xFFFFFFFF, s0;
	s7 =	simm.s32 $0x10510;
	p1 =	por $0x0, $0x0;
	v5 =	vbroadcast v5, $0xF  }
0x31a: {  	p2 =	por $0x0, $0x0;
	p3 =	por $0x0, $0x0;
	p4 =	por $0x0, $0x0  }
0x31b: {  	_ = 	snop  }
0x31c: {  	vm0 =	veq.s32 v7, v5;
	p5 =	sne.s32 s6, $0x1;
	vm1 =	vlt.s32 v6, v4  }
.Ltmp19:
0x31d: {  	vm2 =	vlt.s32 v7, v5;
	v7 =	vld [tilespmem:s7+$0x0];
	s2 =	simm.s32 $0x10910;
	v6 =	vor.u32 s4, v1;
	vm0 =	vmand vm0, vm1;
	(pc) =	sbr.rel @!p5 .LBB2_30-.Ltmp19, $4  }
0x31e: {  	vm15 =	vlt.s32 v6, v3;
	v6 =	vld [tilespmem:s2+$0x0];
	vm0 =	vmor vm2, vm0  }
0x31f: {  	vm0 =	vmand vm15, vm0  }
0x320: {  	v8 =	vsel vm0, $0x1, v0  }
0x321: {  	s7 =	sadd.s32 $0xFFFFFFFF, s6;
	s8 =	simm.s32 $0x10520;
	p1 =	por $0x1, $0x1;
	(xrf0) =	vadd.scan.msk.s32 $0xffff, v8  }
0x322: {  	_ = 	snop  }
0x323: {  	vm0 =	veq.s32 v7, v5;
	s6 =	simm.s32 $0x10;
	p5 =	sne.s32 s7, $0x1;
	vm1 =	vlt.s32 v6, v4  }
.Ltmp20:
0x324: {  	vm2 =	vlt.s32 v7, v5;
	v7 =	vld [tilespmem:s8+$0x0];
	s2 =	simm.s32 $0x10920;
	v6 =	vor.u32 s6, v1;
	vm0 =	vmand vm0, vm1;
	(pc) =	sbr.rel @!p5 .LBB2_32-.Ltmp20, $4  }
0x325: {  	vm15 =	vlt.s32 v6, v3;
	v6 =	vld [tilespmem:s2+$0x0];
	vm0 =	vmor vm2, vm0  }
0x326: {  	vm0 =	vmand vm15, vm0  }
0x327: {  	v8 =	vsel vm0, $0x1, v0  }
0x328: {  	s7 =	sadd.s32 $0xFFFFFFFF, s7;
	s8 =	simm.s32 $0x10530;
	p2 =	por $0x1, $0x1;
	v9, _, _ =	vpop (xrf0);
	(xrf0) =	vadd.scan.msk.s32 $0xffff, v8  }
0x329: {  	(v2sf) =	vpush v9, $0xF;
	_ =	sdelay $0x3  }
0x32a: {  	vm0 =	veq.s32 v7, v5;
	s6 =	simm.s32 $0x20;
	vm1 =	vlt.s32 v6, v4  }
0x32b: {  	vm2 =	vlt.s32 v7, v5;
	v6 =	vor.u32 s6, v1;
	vm0 =	vmand vm0, vm1  }
0x32c: {  	p5 =	sne.s32 s7, $0x1;
	vm15 =	vlt.s32 v6, v3;
	vm0 =	vmor vm2, vm0  }
.Ltmp21:
0x32d: {  	v7 =	vld [tilespmem:s8+$0x0];
	s2 =	simm.s32 $0x10930;
	vm0 =	vmand vm15, vm0;
	(pc) =	sbr.rel @!p5 .LBB2_34-.Ltmp21, $2  }
0x32e: {  	v6 =	vld [tilespmem:s2+$0x0];
	v8 =	vsel vm0, $0x1, v0;
	_ =	sdelay $0x2  }
0x32f: {  	s7 =	sadd.s32 $0xFFFFFFFF, s7;
	s8 =	simm.s32 $0x10540;
	p3 =	por $0x1, $0x1;
	(xrf0) =	vadd.scan.msk.s32 $0xffff, v8;
	v8, _, _ =	vpop (xrf0)  }
0x330: {  	(v2sf) =	vpush v8, $0xF;
	_ =	sdelay $0x1  }
0x331: {  	vm0 =	veq.s32 v7, v5;
	s6 =	simm.s32 $0x30;
	vm1 =	vlt.s32 v6, v4  }
0x332: {  	vm2 =	vlt.s32 v7, v5;
	v6 =	vor.u32 s6, v1;
	vm0 =	vmand vm0, vm1  }
0x333: {  	v7 =	vld [tilespmem:s8+$0x0];
	s8 =	simm.s32 $0x10940;
	p5 =	sne.s32 s7, $0x1;
	vm15 =	vlt.s32 v6, v3;
	vm0 =	vmor vm2, vm0  }
.Ltmp22:
0x334: {  	v6 =	vld [tilespmem:s8+$0x0];
	vm0 =	vmand vm15, vm0;
	(pc) =	sbr.rel @!p5 .LBB2_36-.Ltmp22, $3  }
0x335: {  	v9 =	vsel vm0, $0x1, v0;
	_ =	sdelay $0x1  }
0x336: {  	s9 =	sadd.s32 $0xFFFFFFFF, s7  }
0x337: {  	s10 =	simm.s32 $0x10550;
	p4 =	por $0x1, $0x1;
	s7 =	simm.s32 $0x0;
	(xrf0) =	vadd.scan.msk.s32 $0xffff, v9;
	v9, _, _ =	vpop (xrf0)  }
.LBB2_37:
0x338: {  	v10 =	vld [tilespmem:s10+$0x0];
	vm0 =	veq.s32 v7, v5;
	vm1 =	vlt.s32 v6, v4;
	s8 =	sadd.s32 $0x10, s8;
	s6 =	sadd.s32 $0x10, s6;
	(v2sf) =	vpush v9, $0xF;
	p5 =	sne.s32 s9, $0x1  }
.Ltmp23:
0x339: {  	s9 =	sadd.s32 $0xFFFFFFFF, s9;
	vm2 =	vlt.s32 v7, v5;
	v6 =	vld [tilespmem:s8+$0x0];
	v9 =	vor.u32 s6, v1;
	vm0 =	vmand vm0, vm1;
	(pc) =	sbr.rel @p5 .LBB2_37-.Ltmp23, $4  }
0x33a: {  	vm1 =	vlt.s32 v9, v3;
	vm0 =	vmor vm2, vm0  }
0x33b: {  	vm0 =	vmand vm1, vm0;
	s2 =	spop (v2sf)  }
0x33c: {  	v11 =	vsel vm0, $0x1, v0;
	s7 =	sadd.s32 s7, s2  }
0x33d: {  	s10 =	sadd.s32 $0x10, s10;
	(xrf0) =	vadd.scan.msk.s32 $0xffff, v11;
	v9, _, _ =	vpop (xrf0);
	v7 =	vmov v10  }
.Ltmp24:
0x33e: {  	(pc) =	sbr.rel .LBB2_39-.Ltmp24, $1  }
0x33f: {  	_ =	sdelay $0x3  }
.LBB2_30:
.Ltmp25:
0x340: {  	(pc) =	sbr.rel .LBB2_39-.Ltmp25, $2  }
0x341: {  	_ =	sdelay $0x2  }
0x342: {  	s6 =	simm.s32 $0x0;
	s7 =	simm.s32 $0x0  }
.LBB2_32:
.Ltmp26:
0x343: {  	(pc) =	sbr.rel .LBB2_39-.Ltmp26, $2  }
0x344: {  	_ =	sdelay $0x2  }
0x345: {  	s7 =	simm.s32 $0x0  }
.LBB2_34:
.Ltmp27:
0x346: {  	(pc) =	sbr.rel .LBB2_39-.Ltmp27, $2  }
0x347: {  	_ =	sdelay $0x2  }
0x348: {  	v9 =	vmov v8;
	s7 =	simm.s32 $0x0  }
.LBB2_36:
.Ltmp28:
0x349: {  	(pc) =	sbr.rel .LBB2_39-.Ltmp28, $2  }
0x34a: {  	_ =	sdelay $0x2  }
0x34b: {  	s7 =	simm.s32 $0x0  }
.LBB2_42:
0x34c: {  	_ =	sfence.sel $0x180000  }
0x34d: {  	[bflag:$0x0] =	sbarrier.arrive $0xFFFF  }
0x34e: {  	_ =	strace $0x90000047  }
0x34f: {  	s0 =	stileid.u32;
	[bflag:$0x2] =	sbarrier.arrive $0xFFFF  }
0x350: {  	p0 =	sne.s32 s0, $0x0;
	s0 =	rddreg [dreg:$0x3]  }
0x351: {  	s0 =	sadd.s32 @!p0 $0x100000, s0  }
0x352: {  	[sflag:s0] =	ssyncadd.tile.s32 @!p0 $0x1;
	_ =	shalt  }
.Lfunc_end2:
_tile_overlayer_lowered:
.L_overlay_start_2:
0x353: {  	(tag) =	ssettag $0x2  }
0x354: {  	s0 =	rddreg [dreg:$0x0];
	s2 =	stileid.u32  }
0x355: {  	s1 =	rddreg [dreg:$0x1];
	p0 =	sne.s32 s2, $0x0  }
0x356: {  	s3 =	rddreg [dreg:$0x2];
	[bflag:$0x3] =	sbarrier.arrive $0xFFFF;
	s2 =	simm.s32 @!p0 $0x1C02  }
0x357: {  	[timem:s3], [sflag:s2] =	dma.local @!p0 [hbm:s0], s1  }
0x358: {  	s0 =	simm.s32 @!p0 $0x2  }
0x359: {  	_ =	swait.ge @!p0 [sflag:s0], s1  }
0x35a: {  	s1 =	ssub.s32 @!p0 $0x0, s1;
	[sflag:s0] =	ssyncset.done @!p0 $0x0  }
0x35b: {  	[sflag:s0] =	ssyncadd.s32 @!p0 s1  }
0x35c: {  	[bflag:$0x3] =	sbarrier.arrive $0xFFFF  }
0x35d: {  	_ =	shalt  }

</sc_bundles>
